<compile_context>
chip_gen: v7x
topology: tpu7x:2x2x1
jax: 0.10.2.dev20260603
libtpu: 0.0.44.dev20260713+nightly
codegen_flags: <defaults>
</compile_context>

<pallas_src>
import functools

import jax
import jax.numpy as jnp
from jax import lax
from jax.experimental import pallas as pl
from jax.experimental.pallas import tpu as pltpu
from jax.experimental.pallas import tpu_sc as plsc

B, NP1, K = 32, 20000, 32
G = 16
C = 640
NFULL = 30
CT = NP1 - NFULL * C


def _interference_body(psi_hbm, all_hbm, knn_hbm, prm_hbm, a_hbm,
                       psi_v, prm_v,
                       idx0, idx1, al0, al1, a0, a1,
                       idxT, alT, aT,
                       sr0, sr1, srT, sw0, sw1):
    c = lax.axis_index("c")
    s = lax.axis_index("s")
    b = s * 2 + c

    prm = prm_v[pl.ds(0, 16)]
    qx = prm[0]
    qy = prm[1]
    lam = prm[2]
    mu = prm[3]
    cx = prm[4]
    cy = prm[5]

    out_base = b * NP1
    zvec = jnp.zeros((G,), jnp.int32)

    def start_reads(c0, cw, idxb, alb, srb):
        for kb in range(K // 8):
            pltpu.async_copy(knn_hbm.at[b, pl.ds(kb * 8, 8), pl.ds(c0, cw)],
                             idxb.at[pl.ds(kb * 8, 8)], srb)
        pltpu.async_copy(all_hbm.at[b, :, pl.ds(c0, cw)], alb, srb)

    def drain_reads(cw, idxb, alb, srb):
        off = 0 if cw % 128 == 0 else NP1 - cw
        pltpu.make_async_copy(
            knn_hbm.at[0, :, pl.ds(off, cw)], idxb, srb).wait()
        pltpu.make_async_copy(
            all_hbm.at[0, :, pl.ds(off, cw)], alb, srb).wait()

    def drain_writes(cw, ab, swb):
        pltpu.make_async_copy(ab, a_hbm.at[pl.ds(out_base, cw)], swb).wait()

    def compute_chunk(c0, cw, idxb, alb, ab):
        def group(g, carry, idxb=idxb, alb=alb, ab=ab, c0=c0):
            nloc = g * G
            accx = [jnp.zeros((G,), jnp.float32) for _ in range(4)]
            accy = [jnp.zeros((G,), jnp.float32) for _ in range(4)]
            for k in range(K):
                iv = idxb[k, pl.ds(nloc, G)]
                w = k & 3
                pv = plsc.load_gather(psi_v, [iv])
                xv, yv = plsc.unpack(plsc.bitcast(pv, jnp.bfloat16),
                                     format=plsc.PackFormat.INTERLEAVED)
                accx[w] = accx[w] + xv
                accy[w] = accy[w] + yv
            ax = (accx[0] + accx[1]) + (accx[2] + accx[3])
            ay = (accy[0] + accy[1]) + (accy[2] + accy[3])
            ppv = psi_v[pl.ds(c0 + nloc, G)]
            px, py = plsc.unpack(plsc.bitcast(ppv, jnp.bfloat16),
                                 format=plsc.PackFormat.INTERLEAVED)
            av = px * (qx + lam * ax) + py * (qy + lam * ay)
            wx = alb[0, pl.ds(nloc, G)] - cx
            wy = alb[1, pl.ds(nloc, G)] - cy
            d2 = jnp.maximum(wx * wx + wy * wy, jnp.float32(1e-12))
            seed = plsc.bitcast(
                jnp.int32(0x5F3759DF)
                - lax.shift_right_logical(plsc.bitcast(d2, jnp.int32), 1),
                jnp.float32)
            half = jnp.float32(0.5) * d2
            r = seed * (jnp.float32(1.5) - half * seed * seed)
            r = r * (jnp.float32(1.5) - half * r * r)
            r = r * (jnp.float32(1.5) - half * r * r)
            ab[pl.ds(nloc, G)] = av - mu * (d2 * r)
            return carry

        lax.fori_loop(0, cw // G, group, 0)

    def write_chunk(c0, cw, ab, swb):
        pltpu.async_copy(ab, a_hbm.at[pl.ds(out_base + c0, cw)], swb)

    bufs = ((idx0, al0, a0, sr0, sw0), (idx1, al1, a1, sr1, sw1))

    for pb, (idxb, alb, ab, srb, swb) in enumerate(bufs):
        start_reads(pb * C, C, idxb, alb, srb)

    pltpu.sync_copy(psi_hbm.at[pl.ds(b * NP1, NP1)], psi_v)
    pltpu.sync_copy(prm_hbm.at[pl.ds(b * 16, 16)], prm_v)

    def outer(j, carry):
        for pb, (idxb, alb, ab, srb, swb) in enumerate(bufs):
            ci = 2 * j + pb
            c0 = ci * C
            drain_reads(C, idxb, alb, srb)

            @pl.when(j > 0)
            def _():
                drain_writes(C, ab, swb)

            compute_chunk(c0, C, idxb, alb, ab)
            write_chunk(c0, C, ab, swb)

            @pl.when(ci + 2 < NFULL)
            def _():
                start_reads((ci + 2) * C, C, idxb, alb, srb)

            if pb == 0:
                @pl.when(j == NFULL // 2 - 1)
                def _():
                    start_reads(NFULL * C, CT, idxT, alT, srT)
        return carry

    lax.fori_loop(0, NFULL // 2, outer, 0)

    drain_reads(CT, idxT, alT, srT)
    drain_writes(C, a0, sw0)
    compute_chunk(NFULL * C, CT, idxT, alT, aT)
    write_chunk(NFULL * C, CT, aT, sw0)
    drain_writes(C, a1, sw1)
    pltpu.make_async_copy(aT, a_hbm.at[pl.ds(out_base, CT)], sw0).wait()


def _interference_sc(psi_t, all_t, knn_t, prm):
    mesh = plsc.VectorSubcoreMesh(core_axis_name="c", subcore_axis_name="s")
    fn = functools.partial(
        pl.kernel,
        out_type=jax.ShapeDtypeStruct((B * NP1,), jnp.float32),
        mesh=mesh,
        scratch_types=[
            pltpu.VMEM((NP1,), jnp.int32),
            pltpu.VMEM((16,), jnp.float32),
            pltpu.VMEM((K, C), jnp.int32),
            pltpu.VMEM((K, C), jnp.int32),
            pltpu.VMEM((2, C), jnp.float32),
            pltpu.VMEM((2, C), jnp.float32),
            pltpu.VMEM((C,), jnp.float32),
            pltpu.VMEM((C,), jnp.float32),
            pltpu.VMEM((K, CT), jnp.int32),
            pltpu.VMEM((2, CT), jnp.float32),
            pltpu.VMEM((CT,), jnp.float32),
            pltpu.SemaphoreType.DMA,
            pltpu.SemaphoreType.DMA,
            pltpu.SemaphoreType.DMA,
            pltpu.SemaphoreType.DMA,
            pltpu.SemaphoreType.DMA,
        ],
        compiler_params=pltpu.CompilerParams(needs_layout_passes=False),
    )(_interference_body)
    return fn(psi_t, all_t, knn_t, prm)


def _epilogue_body(a_ref, mask_ref, out_ref):
    scores = a_ref[...]
    mk = mask_ref[...]
    scores = jnp.where(mk > 0.5, jnp.float32(-1e9), scores)
    m = jnp.max(scores, axis=-1, keepdims=True)
    e = jnp.exp(scores - m)
    ssum = jnp.sum(e, axis=-1, keepdims=True)
    out_ref[...] = scores - m - jnp.log(ssum)


def _epilogue_tc(a, maskf):
    return pl.pallas_call(
        _epilogue_body,
        grid=(B // 8,),
        in_specs=[
            pl.BlockSpec((8, NP1), lambda i: (i, 0)),
            pl.BlockSpec((8, NP1), lambda i: (i, 0)),
        ],
        out_specs=pl.BlockSpec((8, NP1), lambda i: (i, 0)),
        out_shape=jax.ShapeDtypeStruct((B, NP1), jnp.float32),
    )(a, maskf)


def kernel(query, psi_prime, knn_indices, mask, current_coords, all_coords, lam, mu):
    zero = jnp.zeros((B,), jnp.float32)
    prm = jnp.stack(
        [query[:, 0], query[:, 1],
         jnp.broadcast_to(lam, (B,)), jnp.broadcast_to(mu, (B,)),
         current_coords[:, 0], current_coords[:, 1]]
        + [zero] * 10, axis=1)
    psi_pack = jax.lax.bitcast_convert_type(
        psi_prime.astype(jnp.bfloat16), jnp.int32).reshape(B * NP1)
    all_t = all_coords.transpose(0, 2, 1)
    knn_t = knn_indices.transpose(0, 2, 1)
    a = _interference_sc(psi_pack, all_t, knn_t, prm.reshape(B * 16))
    maskf = mask.astype(jnp.float32)
    out = _epilogue_tc(a.reshape(B, NP1), maskf)
    return out

# --- scband reference (transcript-rebuilt; emitter-appended) ---
"""Pipeline reference for scband-hybrid-scoring-4226247819606 (READ-ONLY COPY).

The authoritative reference and input builder live on the scoring server;
editing this copy changes nothing except your own understanding.
"""

import jax, jax.numpy as jnp
import numpy as np

B, NP1, K = 32, 20000, 32

def setup_inputs(seed: int = 0) -> dict:
    key = jax.random.key(seed)
    ks = jax.random.split(key, 6)
    query = jax.random.normal(ks[0], (B, 2), dtype=jnp.float32)
    psi_prime = jax.random.normal(ks[1], (B, NP1, 2), dtype=jnp.float32)
    knn_indices = jax.random.randint(ks[2], (B, NP1, K), 0, NP1)
    mask = jax.random.randint(ks[3], (B, NP1), 0, 2).astype(bool)
    current_coords = jax.random.normal(ks[4], (B, 2), dtype=jnp.float32)
    all_coords = jax.random.normal(ks[5], (B, NP1, 2), dtype=jnp.float32)
    lam = jnp.asarray(0.1, dtype=jnp.float32)
    mu = jnp.asarray(0.5, dtype=jnp.float32)
    return {"query": query, "psi_prime": psi_prime, "knn_indices": knn_indices,
            "mask": mask, "current_coords": current_coords, "all_coords": all_coords,
            "lam": lam, "mu": mu}

def _eknn(psi_prime, knn_indices):
    b, np1, k = knn_indices.shape
    flat_idx = knn_indices.reshape(b, np1 * k, 1)
    neighbors = jnp.take_along_axis(psi_prime, flat_idx, axis=1)
    neighbors = neighbors.reshape(b, np1, k, 2)
    dots = (psi_prime[:, :, None, :] * neighbors).sum(axis=-1)
    return dots.sum(axis=-1)

def reference(query, psi_prime, knn_indices, mask, current_coords, all_coords, lam, mu):
    context_scores = (psi_prime * query[:, None, :]).sum(axis=-1)
    interference = _eknn(psi_prime, knn_indices)
    dist_to_nodes = jnp.sqrt(((all_coords - current_coords[:, None, :]) ** 2).sum(axis=-1))
    scores = context_scores + lam * interference - mu * dist_to_nodes
    scores = jnp.where(mask, jnp.float32(-1000000000.0), scores)
    log_probs = jax.nn.log_softmax(scores, axis=-1)
    return log_probs

if __name__ == "__main__":
    import jax
    _d = setup_inputs()
    print(jax.jit(kernel)(*tuple(_d.values())))

</pallas_src>

<mosaic_0001>
#map = affine_map<(d0, d1) -> (0)>
#map1 = affine_map<(d0, d1) -> (0, 0, 0)>
module attributes {stable_mosaic.version = 14 : i64} {
  func.func @_interference_body(%arg0: i32, %arg1: i32, %arg2: memref<640000xi32, #tpu.memory_space<hbm>>, %arg3: memref<32x2x20000xf32, #tpu.memory_space<hbm>>, %arg4: memref<32x32x20000xi32, #tpu.memory_space<hbm>>, %arg5: memref<512xf32, #tpu.memory_space<hbm>>, %arg6: memref<640000xf32, #tpu.memory_space<hbm>>, %arg7: memref<20000xi32, #tpu.memory_space<vmem>>, %arg8: memref<16xf32, #tpu.memory_space<vmem>>, %arg9: memref<32x640xi32, #tpu.memory_space<vmem>>, %arg10: memref<32x640xi32, #tpu.memory_space<vmem>>, %arg11: memref<2x640xf32, #tpu.memory_space<vmem>>, %arg12: memref<2x640xf32, #tpu.memory_space<vmem>>, %arg13: memref<640xf32, #tpu.memory_space<vmem>>, %arg14: memref<640xf32, #tpu.memory_space<vmem>>, %arg15: memref<32x800xi32, #tpu.memory_space<vmem>>, %arg16: memref<2x800xf32, #tpu.memory_space<vmem>>, %arg17: memref<800xf32, #tpu.memory_space<vmem>>, %arg18: memref<!tpu.dma_semaphore, #tpu.memory_space<semaphore_mem>>, %arg19: memref<!tpu.dma_semaphore, #tpu.memory_space<semaphore_mem>>, %arg20: memref<!tpu.dma_semaphore, #tpu.memory_space<semaphore_mem>>, %arg21: memref<!tpu.dma_semaphore, #tpu.memory_space<semaphore_mem>>, %arg22: memref<!tpu.dma_semaphore, #tpu.memory_space<semaphore_mem>>) attributes {dimension_semantics = [#tpu.dimension_semantics<core_parallel>, #tpu.dimension_semantics<subcore_parallel>], iteration_bounds = array<i64: 2, 16>, scalar_prefetch = 0 : i64, scratch_operands = 16 : i64, tpu.core_type = #tpu.core_type<sc_vector_subcore>, window_params = [{transform_indices = #map}, {transform_indices = #map1}, {transform_indices = #map1}, {transform_indices = #map}, {transform_indices = #map}]} {
    %mul3A = arith.constant 2 : i32
    %mul3A_0 = arith.muli %arg1, %mul3A : i32
    %add3A = arith.addi %mul3A_0, %arg0 : i32
    %get3A = arith.constant 0 : index
    %get3A_1 = tpu.vector_load %arg8[%get3A] {strides = array<i32>} : memref<16xf32, #tpu.memory_space<vmem>>, vector<16xf32>,
    %slice3A = vector.extract_strided_slice %get3A_1 {offsets = [0], sizes = [1], strides = [1]} : vector<16xf32> to vector<1xf32>
    %squeeze3A = vector.extract %slice3A[0] : f32 from vector<1xf32>
    %slice3A_2 = vector.extract_strided_slice %get3A_1 {offsets = [1], sizes = [1], strides = [1]} : vector<16xf32> to vector<1xf32>
    %squeeze3A_3 = vector.extract %slice3A_2[0] : f32 from vector<1xf32>
    %slice3A_4 = vector.extract_strided_slice %get3A_1 {offsets = [2], sizes = [1], strides = [1]} : vector<16xf32> to vector<1xf32>
    %squeeze3A_5 = vector.extract %slice3A_4[0] : f32 from vector<1xf32>
    %slice3A_6 = vector.extract_strided_slice %get3A_1 {offsets = [3], sizes = [1], strides = [1]} : vector<16xf32> to vector<1xf32>
    %squeeze3A_7 = vector.extract %slice3A_6[0] : f32 from vector<1xf32>
    %slice3A_8 = vector.extract_strided_slice %get3A_1 {offsets = [4], sizes = [1], strides = [1]} : vector<16xf32> to vector<1xf32>
    %squeeze3A_9 = vector.extract %slice3A_8[0] : f32 from vector<1xf32>
    %slice3A_10 = vector.extract_strided_slice %get3A_1 {offsets = [5], sizes = [1], strides = [1]} : vector<16xf32> to vector<1xf32>
    %squeeze3A_11 = vector.extract %slice3A_10[0] : f32 from vector<1xf32>
    %mul3A_12 = arith.constant 20000 : i32
    %mul3A_13 = arith.muli %add3A, %mul3A_12 : i32
    %broadcast_in_dim3A = arith.constant 0 : i32
    %broadcast_in_dim3A_14 = vector.broadcast %broadcast_in_dim3A : i32 to vector<16xi32>
    %dma_start3A = arith.constant 0 : i32
    %dma_start3A_15 = arith.constant 0 : i32
    %dma_start3A_16 = tpu.memref_slice %arg9[%dma_start3A, %dma_start3A_15] : memref<32x640xi32, #tpu.memory_space<vmem>> -> memref<8x640xi32, #tpu.memory_space<vmem>>
    %dma_start3A_17 = arith.constant 0 : i32
    %dma_start3A_18 = arith.constant 0 : i32
    %dma_start3A_19 = tpu.memref_slice %arg4[%add3A, %dma_start3A_17, %dma_start3A_18] : memref<32x32x20000xi32, #tpu.memory_space<hbm>> -> memref<1x8x640xi32, #tpu.memory_space<hbm>>
    %dma_start3A_20 = tpu.memref_squeeze %dma_start3A_19 : memref<1x8x640xi32, #tpu.memory_space<hbm>> -> memref<8x640xi32, #tpu.memory_space<hbm>>
    %dma_start3A_21 = arith.constant 0 : i32
    %dma_start3A_22 = arith.constant 0 : i32
    %dma_start3A_23 = tpu.memref_slice %arg9[%dma_start3A_21, %dma_start3A_22] : memref<32x640xi32, #tpu.memory_space<vmem>> -> memref<8x640xi32, #tpu.memory_space<vmem>>
    %dma_start3A_24 = arith.constant 0 : i32
    %dma_start3A_25 = arith.constant 0 : i32
    %dma_start3A_26 = tpu.memref_slice %arg4[%add3A, %dma_start3A_24, %dma_start3A_25] : memref<32x32x20000xi32, #tpu.memory_space<hbm>> -> memref<1x8x640xi32, #tpu.memory_space<hbm>>
    %dma_start3A_27 = tpu.memref_squeeze %dma_start3A_26 : memref<1x8x640xi32, #tpu.memory_space<hbm>> -> memref<8x640xi32, #tpu.memory_space<hbm>>
    tpu.enqueue_dma source(%dma_start3A_27 : memref<8x640xi32, #tpu.memory_space<hbm>>) target(%dma_start3A_23 : memref<8x640xi32, #tpu.memory_space<vmem>>) target_semaphore(%arg18 : memref<!tpu.dma_semaphore, #tpu.memory_space<semaphore_mem>>)
    %dma_start3A_28 = arith.constant 8 : i32
    %dma_start3A_29 = arith.constant 0 : i32
    %dma_start3A_30 = tpu.memref_slice %arg9[%dma_start3A_28, %dma_start3A_29] : memref<32x640xi32, #tpu.memory_space<vmem>> -> memref<8x640xi32, #tpu.memory_space<vmem>>
    %dma_start3A_31 = arith.constant 8 : i32
    %dma_start3A_32 = arith.constant 0 : i32
    %dma_start3A_33 = tpu.memref_slice %arg4[%add3A, %dma_start3A_31, %dma_start3A_32] : memref<32x32x20000xi32, #tpu.memory_space<hbm>> -> memref<1x8x640xi32, #tpu.memory_space<hbm>>
    %dma_start3A_34 = tpu.memref_squeeze %dma_start3A_33 : memref<1x8x640xi32, #tpu.memory_space<hbm>> -> memref<8x640xi32, #tpu.memory_space<hbm>>
    %dma_start3A_35 = arith.constant 8 : i32
    %dma_start3A_36 = arith.constant 0 : i32
    %dma_start3A_37 = tpu.memref_slice %arg9[%dma_start3A_35, %dma_start3A_36] : memref<32x640xi32, #tpu.memory_space<vmem>> -> memref<8x640xi32, #tpu.memory_space<vmem>>
    %dma_start3A_38 = arith.constant 8 : i32
    %dma_start3A_39 = arith.constant 0 : i32
    %dma_start3A_40 = tpu.memref_slice %arg4[%add3A, %dma_start3A_38, %dma_start3A_39] : memref<32x32x20000xi32, #tpu.memory_space<hbm>> -> memref<1x8x640xi32, #tpu.memory_space<hbm>>
    %dma_start3A_41 = tpu.memref_squeeze %dma_start3A_40 : memref<1x8x640xi32, #tpu.memory_space<hbm>> -> memref<8x640xi32, #tpu.memory_space<hbm>>
    tpu.enqueue_dma source(%dma_start3A_41 : memref<8x640xi32, #tpu.memory_space<hbm>>) target(%dma_start3A_37 : memref<8x640xi32, #tpu.memory_space<vmem>>) target_semaphore(%arg18 : memref<!tpu.dma_semaphore, #tpu.memory_space<semaphore_mem>>)
    %dma_start3A_42 = arith.constant 16 : i32
    %dma_start3A_43 = arith.constant 0 : i32
    %dma_start3A_44 = tpu.memref_slice %arg9[%dma_start3A_42, %dma_start3A_43] : memref<32x640xi32, #tpu.memory_space<vmem>> -> memref<8x640xi32, #tpu.memory_space<vmem>>
    %dma_start3A_45 = arith.constant 16 : i32
    %dma_start3A_46 = arith.constant 0 : i32
    %dma_start3A_47 = tpu.memref_slice %arg4[%add3A, %dma_start3A_45, %dma_start3A_46] : memref<32x32x20000xi32, #tpu.memory_space<hbm>> -> memref<1x8x640xi32, #tpu.memory_space<hbm>>
    %dma_start3A_48 = tpu.memref_squeeze %dma_start3A_47 : memref<1x8x640xi32, #tpu.memory_space<hbm>> -> memref<8x640xi32, #tpu.memory_space<hbm>>
    %dma_start3A_49 = arith.constant 16 : i32
    %dma_start3A_50 = arith.constant 0 : i32
    %dma_start3A_51 = tpu.memref_slice %arg9[%dma_start3A_49, %dma_start3A_50] : memref<32x640xi32, #tpu.memory_space<vmem>> -> memref<8x640xi32, #tpu.memory_space<vmem>>
    %dma_start3A_52 = arith.constant 16 : i32
    %dma_start3A_53 = arith.constant 0 : i32
    %dma_start3A_54 = tpu.memref_slice %arg4[%add3A, %dma_start3A_52, %dma_start3A_53] : memref<32x32x20000xi32, #tpu.memory_space<hbm>> -> memref<1x8x640xi32, #tpu.memory_space<hbm>>
    %dma_start3A_55 = tpu.memref_squeeze %dma_start3A_54 : memref<1x8x640xi32, #tpu.memory_space<hbm>> -> memref<8x640xi32, #tpu.memory_space<hbm>>
    tpu.enqueue_dma source(%dma_start3A_55 : memref<8x640xi32, #tpu.memory_space<hbm>>) target(%dma_start3A_51 : memref<8x640xi32, #tpu.memory_space<vmem>>) target_semaphore(%arg18 : memref<!tpu.dma_semaphore, #tpu.memory_space<semaphore_mem>>)
    %dma_start3A_56 = arith.constant 24 : i32
    %dma_start3A_57 = arith.constant 0 : i32
    %dma_start3A_58 = tpu.memref_slice %arg9[%dma_start3A_56, %dma_start3A_57] : memref<32x640xi32, #tpu.memory_space<vmem>> -> memref<8x640xi32, #tpu.memory_space<vmem>>
    %dma_start3A_59 = arith.constant 24 : i32
    %dma_start3A_60 = arith.constant 0 : i32
    %dma_start3A_61 = tpu.memref_slice %arg4[%add3A, %dma_start3A_59, %dma_start3A_60] : memref<32x32x20000xi32, #tpu.memory_space<hbm>> -> memref<1x8x640xi32, #tpu.memory_space<hbm>>
    %dma_start3A_62 = tpu.memref_squeeze %dma_start3A_61 : memref<1x8x640xi32, #tpu.memory_space<hbm>> -> memref<8x640xi32, #tpu.memory_space<hbm>>
    %dma_start3A_63 = arith.constant 24 : i32
    %dma_start3A_64 = arith.constant 0 : i32
    %dma_start3A_65 = tpu.memref_slice %arg9[%dma_start3A_63, %dma_start3A_64] : memref<32x640xi32, #tpu.memory_space<vmem>> -> memref<8x640xi32, #tpu.memory_space<vmem>>
    %dma_start3A_66 = arith.constant 24 : i32
    %dma_start3A_67 = arith.constant 0 : i32
    %dma_start3A_68 = tpu.memref_slice %arg4[%add3A, %dma_start3A_66, %dma_start3A_67] : memref<32x32x20000xi32, #tpu.memory_space<hbm>> -> memref<1x8x640xi32, #tpu.memory_space<hbm>>
    %dma_start3A_69 = tpu.memref_squeeze %dma_start3A_68 : memref<1x8x640xi32, #tpu.memory_space<hbm>> -> memref<8x640xi32, #tpu.memory_space<hbm>>
    tpu.enqueue_dma source(%dma_start3A_69 : memref<8x640xi32, #tpu.memory_space<hbm>>) target(%dma_start3A_65 : memref<8x640xi32, #tpu.memory_space<vmem>>) target_semaphore(%arg18 : memref<!tpu.dma_semaphore, #tpu.memory_space<semaphore_mem>>)
    %dma_start3A_70 = arith.constant 0 : i32
    %dma_start3A_71 = arith.constant 0 : i32
    %dma_start3A_72 = tpu.memref_slice %arg3[%add3A, %dma_start3A_70, %dma_start3A_71] : memref<32x2x20000xf32, #tpu.memory_space<hbm>> -> memref<1x2x640xf32, #tpu.memory_space<hbm>>
    %dma_start3A_73 = tpu.memref_squeeze %dma_start3A_72 : memref<1x2x640xf32, #tpu.memory_space<hbm>> -> memref<2x640xf32, #tpu.memory_space<hbm>>
    %dma_start3A_74 = arith.constant 0 : i32
    %dma_start3A_75 = arith.constant 0 : i32
    %dma_start3A_76 = tpu.memref_slice %arg3[%add3A, %dma_start3A_74, %dma_start3A_75] : memref<32x2x20000xf32, #tpu.memory_space<hbm>> -> memref<1x2x640xf32, #tpu.memory_space<hbm>>
    %dma_start3A_77 = tpu.memref_squeeze %dma_start3A_76 : memref<1x2x640xf32, #tpu.memory_space<hbm>> -> memref<2x640xf32, #tpu.memory_space<hbm>>
    tpu.enqueue_dma source(%dma_start3A_77 : memref<2x640xf32, #tpu.memory_space<hbm>>) target(%arg11 : memref<2x640xf32, #tpu.memory_space<vmem>>) target_semaphore(%arg18 : memref<!tpu.dma_semaphore, #tpu.memory_space<semaphore_mem>>)
    %dma_start3A_78 = arith.constant 0 : i32
    %dma_start3A_79 = arith.constant 0 : i32
    %dma_start3A_80 = tpu.memref_slice %arg10[%dma_start3A_78, %dma_start3A_79] : memref<32x640xi32, #tpu.memory_space<vmem>> -> memref<8x640xi32, #tpu.memory_space<vmem>>
    %dma_start3A_81 = arith.constant 0 : i32
    %dma_start3A_82 = arith.constant 640 : i32
    %dma_start3A_83 = tpu.memref_slice %arg4[%add3A, %dma_start3A_81, %dma_start3A_82] : memref<32x32x20000xi32, #tpu.memory_space<hbm>> -> memref<1x8x640xi32, #tpu.memory_space<hbm>>
    %dma_start3A_84 = tpu.memref_squeeze %dma_start3A_83 : memref<1x8x640xi32, #tpu.memory_space<hbm>> -> memref<8x640xi32, #tpu.memory_space<hbm>>
    %dma_start3A_85 = arith.constant 0 : i32
    %dma_start3A_86 = arith.constant 0 : i32
    %dma_start3A_87 = tpu.memref_slice %arg10[%dma_start3A_85, %dma_start3A_86] : memref<32x640xi32, #tpu.memory_space<vmem>> -> memref<8x640xi32, #tpu.memory_space<vmem>>
    %dma_start3A_88 = arith.constant 0 : i32
    %dma_start3A_89 = arith.constant 640 : i32
    %dma_start3A_90 = tpu.memref_slice %arg4[%add3A, %dma_start3A_88, %dma_start3A_89] : memref<32x32x20000xi32, #tpu.memory_space<hbm>> -> memref<1x8x640xi32, #tpu.memory_space<hbm>>
    %dma_start3A_91 = tpu.memref_squeeze %dma_start3A_90 : memref<1x8x640xi32, #tpu.memory_space<hbm>> -> memref<8x640xi32, #tpu.memory_space<hbm>>
    tpu.enqueue_dma source(%dma_start3A_91 : memref<8x640xi32, #tpu.memory_space<hbm>>) target(%dma_start3A_87 : memref<8x640xi32, #tpu.memory_space<vmem>>) target_semaphore(%arg19 : memref<!tpu.dma_semaphore, #tpu.memory_space<semaphore_mem>>)
    %dma_start3A_92 = arith.constant 8 : i32
    %dma_start3A_93 = arith.constant 0 : i32
    %dma_start3A_94 = tpu.memref_slice %arg10[%dma_start3A_92, %dma_start3A_93] : memref<32x640xi32, #tpu.memory_space<vmem>> -> memref<8x640xi32, #tpu.memory_space<vmem>>
    %dma_start3A_95 = arith.constant 8 : i32
    %dma_start3A_96 = arith.constant 640 : i32
    %dma_start3A_97 = tpu.memref_slice %arg4[%add3A, %dma_start3A_95, %dma_start3A_96] : memref<32x32x20000xi32, #tpu.memory_space<hbm>> -> memref<1x8x640xi32, #tpu.memory_space<hbm>>
    %dma_start3A_98 = tpu.memref_squeeze %dma_start3A_97 : memref<1x8x640xi32, #tpu.memory_space<hbm>> -> memref<8x640xi32, #tpu.memory_space<hbm>>
    %dma_start3A_99 = arith.constant 8 : i32
    %dma_start3A_100 = arith.constant 0 : i32
    %dma_start3A_101 = tpu.memref_slice %arg10[%dma_start3A_99, %dma_start3A_100] : memref<32x640xi32, #tpu.memory_space<vmem>> -> memref<8x640xi32, #tpu.memory_space<vmem>>
    %dma_start3A_102 = arith.constant 8 : i32
    %dma_start3A_103 = arith.constant 640 : i32
    %dma_start3A_104 = tpu.memref_slice %arg4[%add3A, %dma_start3A_102, %dma_start3A_103] : memref<32x32x20000xi32, #tpu.memory_space<hbm>> -> memref<1x8x640xi32, #tpu.memory_space<hbm>>
    %dma_start3A_105 = tpu.memref_squeeze %dma_start3A_104 : memref<1x8x640xi32, #tpu.memory_space<hbm>> -> memref<8x640xi32, #tpu.memory_space<hbm>>
    tpu.enqueue_dma source(%dma_start3A_105 : memref<8x640xi32, #tpu.memory_space<hbm>>) target(%dma_start3A_101 : memref<8x640xi32, #tpu.memory_space<vmem>>) target_semaphore(%arg19 : memref<!tpu.dma_semaphore, #tpu.memory_space<semaphore_mem>>)
    %dma_start3A_106 = arith.constant 16 : i32
    %dma_start3A_107 = arith.constant 0 : i32
    %dma_start3A_108 = tpu.memref_slice %arg10[%dma_start3A_106, %dma_start3A_107] : memref<32x640xi32, #tpu.memory_space<vmem>> -> memref<8x640xi32, #tpu.memory_space<vmem>>
    %dma_start3A_109 = arith.constant 16 : i32
    %dma_start3A_110 = arith.constant 640 : i32
    %dma_start3A_111 = tpu.memref_slice %arg4[%add3A, %dma_start3A_109, %dma_start3A_110] : memref<32x32x20000xi32, #tpu.memory_space<hbm>> -> memref<1x8x640xi32, #tpu.memory_space<hbm>>
    %dma_start3A_112 = tpu.memref_squeeze %dma_start3A_111 : memref<1x8x640xi32, #tpu.memory_space<hbm>> -> memref<8x640xi32, #tpu.memory_space<hbm>>
    %dma_start3A_113 = arith.constant 16 : i32
    %dma_start3A_114 = arith.constant 0 : i32
    %dma_start3A_115 = tpu.memref_slice %arg10[%dma_start3A_113, %dma_start3A_114] : memref<32x640xi32, #tpu.memory_space<vmem>> -> memref<8x640xi32, #tpu.memory_space<vmem>>
    %dma_start3A_116 = arith.constant 16 : i32
    %dma_start3A_117 = arith.constant 640 : i32
    %dma_start3A_118 = tpu.memref_slice %arg4[%add3A, %dma_start3A_116, %dma_start3A_117] : memref<32x32x20000xi32, #tpu.memory_space<hbm>> -> memref<1x8x640xi32, #tpu.memory_space<hbm>>
    %dma_start3A_119 = tpu.memref_squeeze %dma_start3A_118 : memref<1x8x640xi32, #tpu.memory_space<hbm>> -> memref<8x640xi32, #tpu.memory_space<hbm>>
    tpu.enqueue_dma source(%dma_start3A_119 : memref<8x640xi32, #tpu.memory_space<hbm>>) target(%dma_start3A_115 : memref<8x640xi32, #tpu.memory_space<vmem>>) target_semaphore(%arg19 : memref<!tpu.dma_semaphore, #tpu.memory_space<semaphore_mem>>)
    %dma_start3A_120 = arith.constant 24 : i32
    %dma_start3A_121 = arith.constant 0 : i32
    %dma_start3A_122 = tpu.memref_slice %arg10[%dma_start3A_120, %dma_start3A_121] : memref<32x640xi32, #tpu.memory_space<vmem>> -> memref<8x640xi32, #tpu.memory_space<vmem>>
    %dma_start3A_123 = arith.constant 24 : i32
    %dma_start3A_124 = arith.constant 640 : i32
    %dma_start3A_125 = tpu.memref_slice %arg4[%add3A, %dma_start3A_123, %dma_start3A_124] : memref<32x32x20000xi32, #tpu.memory_space<hbm>> -> memref<1x8x640xi32, #tpu.memory_space<hbm>>
    %dma_start3A_126 = tpu.memref_squeeze %dma_start3A_125 : memref<1x8x640xi32, #tpu.memory_space<hbm>> -> memref<8x640xi32, #tpu.memory_space<hbm>>
    %dma_start3A_127 = arith.constant 24 : i32
    %dma_start3A_128 = arith.constant 0 : i32
    %dma_start3A_129 = tpu.memref_slice %arg10[%dma_start3A_127, %dma_start3A_128] : memref<32x640xi32, #tpu.memory_space<vmem>> -> memref<8x640xi32, #tpu.memory_space<vmem>>
    %dma_start3A_130 = arith.constant 24 : i32
    %dma_start3A_131 = arith.constant 640 : i32
    %dma_start3A_132 = tpu.memref_slice %arg4[%add3A, %dma_start3A_130, %dma_start3A_131] : memref<32x32x20000xi32, #tpu.memory_space<hbm>> -> memref<1x8x640xi32, #tpu.memory_space<hbm>>
    %dma_start3A_133 = tpu.memref_squeeze %dma_start3A_132 : memref<1x8x640xi32, #tpu.memory_space<hbm>> -> memref<8x640xi32, #tpu.memory_space<hbm>>
    tpu.enqueue_dma source(%dma_start3A_133 : memref<8x640xi32, #tpu.memory_space<hbm>>) target(%dma_start3A_129 : memref<8x640xi32, #tpu.memory_space<vmem>>) target_semaphore(%arg19 : memref<!tpu.dma_semaphore, #tpu.memory_space<semaphore_mem>>)
    %dma_start3A_134 = arith.constant 0 : i32
    %dma_start3A_135 = arith.constant 640 : i32
    %dma_start3A_136 = tpu.memref_slice %arg3[%add3A, %dma_start3A_134, %dma_start3A_135] : memref<32x2x20000xf32, #tpu.memory_space<hbm>> -> memref<1x2x640xf32, #tpu.memory_space<hbm>>
    %dma_start3A_137 = tpu.memref_squeeze %dma_start3A_136 : memref<1x2x640xf32, #tpu.memory_space<hbm>> -> memref<2x640xf32, #tpu.memory_space<hbm>>
    %dma_start3A_138 = arith.constant 0 : i32
    %dma_start3A_139 = arith.constant 640 : i32
    %dma_start3A_140 = tpu.memref_slice %arg3[%add3A, %dma_start3A_138, %dma_start3A_139] : memref<32x2x20000xf32, #tpu.memory_space<hbm>> -> memref<1x2x640xf32, #tpu.memory_space<hbm>>
    %dma_start3A_141 = tpu.memref_squeeze %dma_start3A_140 : memref<1x2x640xf32, #tpu.memory_space<hbm>> -> memref<2x640xf32, #tpu.memory_space<hbm>>
    tpu.enqueue_dma source(%dma_start3A_141 : memref<2x640xf32, #tpu.memory_space<hbm>>) target(%arg12 : memref<2x640xf32, #tpu.memory_space<vmem>>) target_semaphore(%arg19 : memref<!tpu.dma_semaphore, #tpu.memory_space<semaphore_mem>>)
    %mul3A_142 = arith.constant 20000 : i32
    %mul3A_143 = arith.muli %add3A, %mul3A_142 : i32
    "tpu.region"() ({
      %run_scoped3A = tpu.sem_alloc : memref<!tpu.dma_semaphore, #tpu.memory_space<semaphore_mem>>
      %dma_start3A_184 = tpu.memref_slice %arg2[%mul3A_143] : memref<640000xi32, #tpu.memory_space<hbm>> -> memref<20000xi32, #tpu.memory_space<hbm>>
      %dma_start3A_185 = tpu.memref_slice %arg2[%mul3A_143] : memref<640000xi32, #tpu.memory_space<hbm>> -> memref<20000xi32, #tpu.memory_space<hbm>>
      tpu.enqueue_dma source(%dma_start3A_185 : memref<20000xi32, #tpu.memory_space<hbm>>) target(%arg7 : memref<20000xi32, #tpu.memory_space<vmem>>) target_semaphore(%run_scoped3A : memref<!tpu.dma_semaphore, #tpu.memory_space<semaphore_mem>>)
      %dma_wait3A_186 = tpu.memref_slice %arg2[%mul3A_143] : memref<640000xi32, #tpu.memory_space<hbm>> -> memref<20000xi32, #tpu.memory_space<hbm>>
      %dma_wait3A_187 = tpu.memref_slice %arg2[%mul3A_143] : memref<640000xi32, #tpu.memory_space<hbm>> -> memref<20000xi32, #tpu.memory_space<hbm>>
      tpu.wait_dma2 semaphore(%run_scoped3A : memref<!tpu.dma_semaphore, #tpu.memory_space<semaphore_mem>>) src(%dma_wait3A_187 : memref<20000xi32, #tpu.memory_space<hbm>>) dst(%arg7 : memref<20000xi32, #tpu.memory_space<vmem>>)
      tpu.yield
    }) : () -> ()
    %mul3A_144 = arith.constant 16 : i32
    %mul3A_145 = arith.muli %add3A, %mul3A_144 : i32
    "tpu.region"() ({
      %run_scoped3A = tpu.sem_alloc : memref<!tpu.dma_semaphore, #tpu.memory_space<semaphore_mem>>
      %dma_start3A_184 = tpu.memref_slice %arg5[%mul3A_145] : memref<512xf32, #tpu.memory_space<hbm>> -> memref<16xf32, #tpu.memory_space<hbm>>
      %dma_start3A_185 = tpu.memref_slice %arg5[%mul3A_145] : memref<512xf32, #tpu.memory_space<hbm>> -> memref<16xf32, #tpu.memory_space<hbm>>
      tpu.enqueue_dma source(%dma_start3A_185 : memref<16xf32, #tpu.memory_space<hbm>>) target(%arg8 : memref<16xf32, #tpu.memory_space<vmem>>) target_semaphore(%run_scoped3A : memref<!tpu.dma_semaphore, #tpu.memory_space<semaphore_mem>>)
      %dma_wait3A_186 = tpu.memref_slice %arg5[%mul3A_145] : memref<512xf32, #tpu.memory_space<hbm>> -> memref<16xf32, #tpu.memory_space<hbm>>
      %dma_wait3A_187 = tpu.memref_slice %arg5[%mul3A_145] : memref<512xf32, #tpu.memory_space<hbm>> -> memref<16xf32, #tpu.memory_space<hbm>>
      tpu.wait_dma2 semaphore(%run_scoped3A : memref<!tpu.dma_semaphore, #tpu.memory_space<semaphore_mem>>) src(%dma_wait3A_187 : memref<16xf32, #tpu.memory_space<hbm>>) dst(%arg8 : memref<16xf32, #tpu.memory_space<vmem>>)
      tpu.yield
    }) : () -> ()
    %scan3A = arith.constant 0 : i32
    %scan3A_146 = arith.constant 0 : i32
    %scan3A_147 = arith.constant 15 : i32
    %scan3A_148 = arith.addi %scan3A_146, %scan3A_147 : i32
    %scan3A_149 = arith.constant 1 : i32
    scf.for %scan3A_184 = %scan3A_146 to %scan3A_148 step %scan3A_149  : i32 {
      %mul3A_185 = arith.constant 2 : i32
      %mul3A_186 = arith.muli %mul3A_185, %scan3A_184 : i32
      %add3A_187 = arith.constant 0 : i32
      %add3A_188 = arith.addi %mul3A_186, %add3A_187 : i32
      %mul3A_189 = arith.constant 640 : i32
      %mul3A_190 = arith.muli %add3A_188, %mul3A_189 : i32
      %dma_wait3A_191 = arith.constant 0 : i32
      %dma_wait3A_192 = arith.constant 0 : i32
      %dma_wait3A_193 = arith.constant 0 : i32
      %dma_wait3A_194 = tpu.memref_slice %arg4[%dma_wait3A_191, %dma_wait3A_192, %dma_wait3A_193] : memref<32x32x20000xi32, #tpu.memory_space<hbm>> -> memref<1x32x640xi32, #tpu.memory_space<hbm>>
      %dma_wait3A_195 = tpu.memref_squeeze %dma_wait3A_194 : memref<1x32x640xi32, #tpu.memory_space<hbm>> -> memref<32x640xi32, #tpu.memory_space<hbm>>
      %dma_wait3A_196 = arith.constant 0 : i32
      %dma_wait3A_197 = arith.constant 0 : i32
      %dma_wait3A_198 = tpu.memref_slice %arg4[%dma_wait3A_191, %dma_wait3A_196, %dma_wait3A_197] : memref<32x32x20000xi32, #tpu.memory_space<hbm>> -> memref<1x32x640xi32, #tpu.memory_space<hbm>>
      %dma_wait3A_199 = tpu.memref_squeeze %dma_wait3A_198 : memref<1x32x640xi32, #tpu.memory_space<hbm>> -> memref<32x640xi32, #tpu.memory_space<hbm>>
      tpu.wait_dma2 semaphore(%arg18 : memref<!tpu.dma_semaphore, #tpu.memory_space<semaphore_mem>>) src(%dma_wait3A_199 : memref<32x640xi32, #tpu.memory_space<hbm>>) dst(%arg9 : memref<32x640xi32, #tpu.memory_space<vmem>>)
      %dma_wait3A_200 = arith.constant 0 : i32
      %dma_wait3A_201 = arith.constant 0 : i32
      %dma_wait3A_202 = arith.constant 0 : i32
      %dma_wait3A_203 = tpu.memref_slice %arg3[%dma_wait3A_200, %dma_wait3A_201, %dma_wait3A_202] : memref<32x2x20000xf32, #tpu.memory_space<hbm>> -> memref<1x2x640xf32, #tpu.memory_space<hbm>>
      %dma_wait3A_204 = tpu.memref_squeeze %dma_wait3A_203 : memref<1x2x640xf32, #tpu.memory_space<hbm>> -> memref<2x640xf32, #tpu.memory_space<hbm>>
      %dma_wait3A_205 = arith.constant 0 : i32
      %dma_wait3A_206 = arith.constant 0 : i32
      %dma_wait3A_207 = tpu.memref_slice %arg3[%dma_wait3A_200, %dma_wait3A_205, %dma_wait3A_206] : memref<32x2x20000xf32, #tpu.memory_space<hbm>> -> memref<1x2x640xf32, #tpu.memory_space<hbm>>
      %dma_wait3A_208 = tpu.memref_squeeze %dma_wait3A_207 : memref<1x2x640xf32, #tpu.memory_space<hbm>> -> memref<2x640xf32, #tpu.memory_space<hbm>>
      tpu.wait_dma2 semaphore(%arg18 : memref<!tpu.dma_semaphore, #tpu.memory_space<semaphore_mem>>) src(%dma_wait3A_208 : memref<2x640xf32, #tpu.memory_space<hbm>>) dst(%arg11 : memref<2x640xf32, #tpu.memory_space<vmem>>)
      %gt3A = arith.constant 0 : i32
      %gt3A_209 = arith.cmpi sgt, %scan3A_184, %gt3A : i32
      %convert_element_type3A = arith.extui %gt3A_209 : i1 to i32
      %cond3A = arith.constant 0 : i32
      %cond3A_210 = arith.cmpi ne, %convert_element_type3A, %cond3A : i32
      scf.if %cond3A_210 {
        %dma_wait3A_275 = tpu.memref_slice %arg6[%mul3A_13] : memref<640000xf32, #tpu.memory_space<hbm>> -> memref<640xf32, #tpu.memory_space<hbm>>
        %dma_wait3A_276 = tpu.memref_slice %arg6[%mul3A_13] : memref<640000xf32, #tpu.memory_space<hbm>> -> memref<640xf32, #tpu.memory_space<hbm>>
        tpu.wait_dma2 semaphore(%arg21 : memref<!tpu.dma_semaphore, #tpu.memory_space<semaphore_mem>>) src(%arg13 : memref<640xf32, #tpu.memory_space<vmem>>) dst(%dma_wait3A_276 : memref<640xf32, #tpu.memory_space<hbm>>)
      } else {
      }
      %scan3A_211 = arith.constant 0 : i32
      %scan3A_212 = arith.constant 0 : i32
      %scan3A_213 = arith.constant 40 : i32
      %scan3A_214 = arith.addi %scan3A_212, %scan3A_213 : i32
      %scan3A_215 = arith.constant 1 : i32
      scf.for %scan3A_275 = %scan3A_212 to %scan3A_214 step %scan3A_215  : i32 {
        %mul3A_276 = arith.constant 16 : i32
        %mul3A_277 = arith.muli %scan3A_275, %mul3A_276 : i32
        %broadcast_in_dim3A_278 = arith.constant 0.000000e+00 : f32
        %broadcast_in_dim3A_279 = vector.broadcast %broadcast_in_dim3A_278 : f32 to vector<16xf32>
        %broadcast_in_dim3A_280 = arith.constant 0.000000e+00 : f32
        %broadcast_in_dim3A_281 = vector.broadcast %broadcast_in_dim3A_280 : f32 to vector<16xf32>
        %broadcast_in_dim3A_282 = arith.constant 0.000000e+00 : f32
        %broadcast_in_dim3A_283 = vector.broadcast %broadcast_in_dim3A_282 : f32 to vector<16xf32>
        %broadcast_in_dim3A_284 = arith.constant 0.000000e+00 : f32
        %broadcast_in_dim3A_285 = vector.broadcast %broadcast_in_dim3A_284 : f32 to vector<16xf32>
        %broadcast_in_dim3A_286 = arith.constant 0.000000e+00 : f32
        %broadcast_in_dim3A_287 = vector.broadcast %broadcast_in_dim3A_286 : f32 to vector<16xf32>
        %broadcast_in_dim3A_288 = arith.constant 0.000000e+00 : f32
        %broadcast_in_dim3A_289 = vector.broadcast %broadcast_in_dim3A_288 : f32 to vector<16xf32>
        %broadcast_in_dim3A_290 = arith.constant 0.000000e+00 : f32
        %broadcast_in_dim3A_291 = vector.broadcast %broadcast_in_dim3A_290 : f32 to vector<16xf32>
        %broadcast_in_dim3A_292 = arith.constant 0.000000e+00 : f32
        %broadcast_in_dim3A_293 = vector.broadcast %broadcast_in_dim3A_292 : f32 to vector<16xf32>
        %get3A_294 = arith.constant 0 : i32
        %get3A_295 = arith.index_cast %get3A_294 : i32 to index
        %get3A_296 = arith.index_cast %mul3A_277 : i32 to index
        %get3A_297 = tpu.vector_load %arg9[%get3A_295, %get3A_296] {strides = array<i32>} : memref<32x640xi32, #tpu.memory_space<vmem>>, vector<16xi32>,
        %gather3A = tpu.vector_load_idx %arg7[%get3A_297] : memref<20000xi32, #tpu.memory_space<vmem>>[vector<16xi32>], vector<16xi32>,
        %bitcast3A = vector.bitcast %gather3A : vector<16xi32> to vector<32xbf16>
        %unpack3A = tpu.unpack_subelements %bitcast3A, 0 {pack_format = #tpu.pack_format<interleaved>} : vector<32xbf16> -> vector<16xf32>
        %unpack3A_298 = tpu.unpack_subelements %bitcast3A, 1 {pack_format = #tpu.pack_format<interleaved>} : vector<32xbf16> -> vector<16xf32>
        %add3A_299 = arith.addf %broadcast_in_dim3A_279, %unpack3A : vector<16xf32>
        %add3A_300 = arith.addf %broadcast_in_dim3A_287, %unpack3A_298 : vector<16xf32>
        %get3A_301 = arith.constant 1 : i32
        %get3A_302 = arith.index_cast %get3A_301 : i32 to index
        %get3A_303 = arith.index_cast %mul3A_277 : i32 to index
        %get3A_304 = tpu.vector_load %arg9[%get3A_302, %get3A_303] {strides = array<i32>} : memref<32x640xi32, #tpu.memory_space<vmem>>, vector<16xi32>,
        %gather3A_305 = tpu.vector_load_idx %arg7[%get3A_304] : memref<20000xi32, #tpu.memory_space<vmem>>[vector<16xi32>], vector<16xi32>,
        %bitcast3A_306 = vector.bitcast %gather3A_305 : vector<16xi32> to vector<32xbf16>
        %unpack3A_307 = tpu.unpack_subelements %bitcast3A_306, 0 {pack_format = #tpu.pack_format<interleaved>} : vector<32xbf16> -> vector<16xf32>
        %unpack3A_308 = tpu.unpack_subelements %bitcast3A_306, 1 {pack_format = #tpu.pack_format<interleaved>} : vector<32xbf16> -> vector<16xf32>
        %add3A_309 = arith.addf %broadcast_in_dim3A_281, %unpack3A_307 : vector<16xf32>
        %add3A_310 = arith.addf %broadcast_in_dim3A_289, %unpack3A_308 : vector<16xf32>
        %get3A_311 = arith.constant 2 : i32
        %get3A_312 = arith.index_cast %get3A_311 : i32 to index
        %get3A_313 = arith.index_cast %mul3A_277 : i32 to index
        %get3A_314 = tpu.vector_load %arg9[%get3A_312, %get3A_313] {strides = array<i32>} : memref<32x640xi32, #tpu.memory_space<vmem>>, vector<16xi32>,
        %gather3A_315 = tpu.vector_load_idx %arg7[%get3A_314] : memref<20000xi32, #tpu.memory_space<vmem>>[vector<16xi32>], vector<16xi32>,
        %bitcast3A_316 = vector.bitcast %gather3A_315 : vector<16xi32> to vector<32xbf16>
        %unpack3A_317 = tpu.unpack_subelements %bitcast3A_316, 0 {pack_format = #tpu.pack_format<interleaved>} : vector<32xbf16> -> vector<16xf32>
        %unpack3A_318 = tpu.unpack_subelements %bitcast3A_316, 1 {pack_format = #tpu.pack_format<interleaved>} : vector<32xbf16> -> vector<16xf32>
        %add3A_319 = arith.addf %broadcast_in_dim3A_283, %unpack3A_317 : vector<16xf32>
        %add3A_320 = arith.addf %broadcast_in_dim3A_291, %unpack3A_318 : vector<16xf32>
        %get3A_321 = arith.constant 3 : i32
        %get3A_322 = arith.index_cast %get3A_321 : i32 to index
        %get3A_323 = arith.index_cast %mul3A_277 : i32 to index
        %get3A_324 = tpu.vector_load %arg9[%get3A_322, %get3A_323] {strides = array<i32>} : memref<32x640xi32, #tpu.memory_space<vmem>>, vector<16xi32>,
        %gather3A_325 = tpu.vector_load_idx %arg7[%get3A_324] : memref<20000xi32, #tpu.memory_space<vmem>>[vector<16xi32>], vector<16xi32>,
        %bitcast3A_326 = vector.bitcast %gather3A_325 : vector<16xi32> to vector<32xbf16>
        %unpack3A_327 = tpu.unpack_subelements %bitcast3A_326, 0 {pack_format = #tpu.pack_format<interleaved>} : vector<32xbf16> -> vector<16xf32>
        %unpack3A_328 = tpu.unpack_subelements %bitcast3A_326, 1 {pack_format = #tpu.pack_format<interleaved>} : vector<32xbf16> -> vector<16xf32>
        %add3A_329 = arith.addf %broadcast_in_dim3A_285, %unpack3A_327 : vector<16xf32>
        %add3A_330 = arith.addf %broadcast_in_dim3A_293, %unpack3A_328 : vector<16xf32>
        %get3A_331 = arith.constant 4 : i32
        %get3A_332 = arith.index_cast %get3A_331 : i32 to index
        %get3A_333 = arith.index_cast %mul3A_277 : i32 to index
        %get3A_334 = tpu.vector_load %arg9[%get3A_332, %get3A_333] {strides = array<i32>} : memref<32x640xi32, #tpu.memory_space<vmem>>, vector<16xi32>,
        %gather3A_335 = tpu.vector_load_idx %arg7[%get3A_334] : memref<20000xi32, #tpu.memory_space<vmem>>[vector<16xi32>], vector<16xi32>,
        %bitcast3A_336 = vector.bitcast %gather3A_335 : vector<16xi32> to vector<32xbf16>
        %unpack3A_337 = tpu.unpack_subelements %bitcast3A_336, 0 {pack_format = #tpu.pack_format<interleaved>} : vector<32xbf16> -> vector<16xf32>
        %unpack3A_338 = tpu.unpack_subelements %bitcast3A_336, 1 {pack_format = #tpu.pack_format<interleaved>} : vector<32xbf16> -> vector<16xf32>
        %add3A_339 = arith.addf %add3A_299, %unpack3A_337 : vector<16xf32>
        %add3A_340 = arith.addf %add3A_300, %unpack3A_338 : vector<16xf32>
        %get3A_341 = arith.constant 5 : i32
        %get3A_342 = arith.index_cast %get3A_341 : i32 to index
        %get3A_343 = arith.index_cast %mul3A_277 : i32 to index
        %get3A_344 = tpu.vector_load %arg9[%get3A_342, %get3A_343] {strides = array<i32>} : memref<32x640xi32, #tpu.memory_space<vmem>>, vector<16xi32>,
        %gather3A_345 = tpu.vector_load_idx %arg7[%get3A_344] : memref<20000xi32, #tpu.memory_space<vmem>>[vector<16xi32>], vector<16xi32>,
        %bitcast3A_346 = vector.bitcast %gather3A_345 : vector<16xi32> to vector<32xbf16>
        %unpack3A_347 = tpu.unpack_subelements %bitcast3A_346, 0 {pack_format = #tpu.pack_format<interleaved>} : vector<32xbf16> -> vector<16xf32>
        %unpack3A_348 = tpu.unpack_subelements %bitcast3A_346, 1 {pack_format = #tpu.pack_format<interleaved>} : vector<32xbf16> -> vector<16xf32>
        %add3A_349 = arith.addf %add3A_309, %unpack3A_347 : vector<16xf32>
        %add3A_350 = arith.addf %add3A_310, %unpack3A_348 : vector<16xf32>
        %get3A_351 = arith.constant 6 : i32
        %get3A_352 = arith.index_cast %get3A_351 : i32 to index
        %get3A_353 = arith.index_cast %mul3A_277 : i32 to index
        %get3A_354 = tpu.vector_load %arg9[%get3A_352, %get3A_353] {strides = array<i32>} : memref<32x640xi32, #tpu.memory_space<vmem>>, vector<16xi32>,
        %gather3A_355 = tpu.vector_load_idx %arg7[%get3A_354] : memref<20000xi32, #tpu.memory_space<vmem>>[vector<16xi32>], vector<16xi32>,
        %bitcast3A_356 = vector.bitcast %gather3A_355 : vector<16xi32> to vector<32xbf16>
        %unpack3A_357 = tpu.unpack_subelements %bitcast3A_356, 0 {pack_format = #tpu.pack_format<interleaved>} : vector<32xbf16> -> vector<16xf32>
        %unpack3A_358 = tpu.unpack_subelements %bitcast3A_356, 1 {pack_format = #tpu.pack_format<interleaved>} : vector<32xbf16> -> vector<16xf32>
        %add3A_359 = arith.addf %add3A_319, %unpack3A_357 : vector<16xf32>
        %add3A_360 = arith.addf %add3A_320, %unpack3A_358 : vector<16xf32>
        %get3A_361 = arith.constant 7 : i32
        %get3A_362 = arith.index_cast %get3A_361 : i32 to index
        %get3A_363 = arith.index_cast %mul3A_277 : i32 to index
        %get3A_364 = tpu.vector_load %arg9[%get3A_362, %get3A_363] {strides = array<i32>} : memref<32x640xi32, #tpu.memory_space<vmem>>, vector<16xi32>,
        %gather3A_365 = tpu.vector_load_idx %arg7[%get3A_364] : memref<20000xi32, #tpu.memory_space<vmem>>[vector<16xi32>], vector<16xi32>,
        %bitcast3A_366 = vector.bitcast %gather3A_365 : vector<16xi32> to vector<32xbf16>
        %unpack3A_367 = tpu.unpack_subelements %bitcast3A_366, 0 {pack_format = #tpu.pack_format<interleaved>} : vector<32xbf16> -> vector<16xf32>
        %unpack3A_368 = tpu.unpack_subelements %bitcast3A_366, 1 {pack_format = #tpu.pack_format<interleaved>} : vector<32xbf16> -> vector<16xf32>
        %add3A_369 = arith.addf %add3A_329, %unpack3A_367 : vector<16xf32>
        %add3A_370 = arith.addf %add3A_330, %unpack3A_368 : vector<16xf32>
        %get3A_371 = arith.constant 8 : i32
        %get3A_372 = arith.index_cast %get3A_371 : i32 to index
        %get3A_373 = arith.index_cast %mul3A_277 : i32 to index
        %get3A_374 = tpu.vector_load %arg9[%get3A_372, %get3A_373] {strides = array<i32>} : memref<32x640xi32, #tpu.memory_space<vmem>>, vector<16xi32>,
        %gather3A_375 = tpu.vector_load_idx %arg7[%get3A_374] : memref<20000xi32, #tpu.memory_space<vmem>>[vector<16xi32>], vector<16xi32>,
        %bitcast3A_376 = vector.bitcast %gather3A_375 : vector<16xi32> to vector<32xbf16>
        %unpack3A_377 = tpu.unpack_subelements %bitcast3A_376, 0 {pack_format = #tpu.pack_format<interleaved>} : vector<32xbf16> -> vector<16xf32>
        %unpack3A_378 = tpu.unpack_subelements %bitcast3A_376, 1 {pack_format = #tpu.pack_format<interleaved>} : vector<32xbf16> -> vector<16xf32>
        %add3A_379 = arith.addf %add3A_339, %unpack3A_377 : vector<16xf32>
        %add3A_380 = arith.addf %add3A_340, %unpack3A_378 : vector<16xf32>
        %get3A_381 = arith.constant 9 : i32
        %get3A_382 = arith.index_cast %get3A_381 : i32 to index
        %get3A_383 = arith.index_cast %mul3A_277 : i32 to index
        %get3A_384 = tpu.vector_load %arg9[%get3A_382, %get3A_383] {strides = array<i32>} : memref<32x640xi32, #tpu.memory_space<vmem>>, vector<16xi32>,
        %gather3A_385 = tpu.vector_load_idx %arg7[%get3A_384] : memref<20000xi32, #tpu.memory_space<vmem>>[vector<16xi32>], vector<16xi32>,
        %bitcast3A_386 = vector.bitcast %gather3A_385 : vector<16xi32> to vector<32xbf16>
        %unpack3A_387 = tpu.unpack_subelements %bitcast3A_386, 0 {pack_format = #tpu.pack_format<interleaved>} : vector<32xbf16> -> vector<16xf32>
        %unpack3A_388 = tpu.unpack_subelements %bitcast3A_386, 1 {pack_format = #tpu.pack_format<interleaved>} : vector<32xbf16> -> vector<16xf32>
        %add3A_389 = arith.addf %add3A_349, %unpack3A_387 : vector<16xf32>
        %add3A_390 = arith.addf %add3A_350, %unpack3A_388 : vector<16xf32>
        %get3A_391 = arith.constant 10 : i32
        %get3A_392 = arith.index_cast %get3A_391 : i32 to index
        %get3A_393 = arith.index_cast %mul3A_277 : i32 to index
        %get3A_394 = tpu.vector_load %arg9[%get3A_392, %get3A_393] {strides = array<i32>} : memref<32x640xi32, #tpu.memory_space<vmem>>, vector<16xi32>,
        %gather3A_395 = tpu.vector_load_idx %arg7[%get3A_394] : memref<20000xi32, #tpu.memory_space<vmem>>[vector<16xi32>], vector<16xi32>,
        %bitcast3A_396 = vector.bitcast %gather3A_395 : vector<16xi32> to vector<32xbf16>
        %unpack3A_397 = tpu.unpack_subelements %bitcast3A_396, 0 {pack_format = #tpu.pack_format<interleaved>} : vector<32xbf16> -> vector<16xf32>
        %unpack3A_398 = tpu.unpack_subelements %bitcast3A_396, 1 {pack_format = #tpu.pack_format<interleaved>} : vector<32xbf16> -> vector<16xf32>
        %add3A_399 = arith.addf %add3A_359, %unpack3A_397 : vector<16xf32>
        %add3A_400 = arith.addf %add3A_360, %unpack3A_398 : vector<16xf32>
        %get3A_401 = arith.constant 11 : i32
        %get3A_402 = arith.index_cast %get3A_401 : i32 to index
        %get3A_403 = arith.index_cast %mul3A_277 : i32 to index
        %get3A_404 = tpu.vector_load %arg9[%get3A_402, %get3A_403] {strides = array<i32>} : memref<32x640xi32, #tpu.memory_space<vmem>>, vector<16xi32>,
        %gather3A_405 = tpu.vector_load_idx %arg7[%get3A_404] : memref<20000xi32, #tpu.memory_space<vmem>>[vector<16xi32>], vector<16xi32>,
        %bitcast3A_406 = vector.bitcast %gather3A_405 : vector<16xi32> to vector<32xbf16>
        %unpack3A_407 = tpu.unpack_subelements %bitcast3A_406, 0 {pack_format = #tpu.pack_format<interleaved>} : vector<32xbf16> -> vector<16xf32>
        %unpack3A_408 = tpu.unpack_subelements %bitcast3A_406, 1 {pack_format = #tpu.pack_format<interleaved>} : vector<32xbf16> -> vector<16xf32>
        %add3A_409 = arith.addf %add3A_369, %unpack3A_407 : vector<16xf32>
        %add3A_410 = arith.addf %add3A_370, %unpack3A_408 : vector<16xf32>
        %get3A_411 = arith.constant 12 : i32
        %get3A_412 = arith.index_cast %get3A_411 : i32 to index
        %get3A_413 = arith.index_cast %mul3A_277 : i32 to index
        %get3A_414 = tpu.vector_load %arg9[%get3A_412, %get3A_413] {strides = array<i32>} : memref<32x640xi32, #tpu.memory_space<vmem>>, vector<16xi32>,
        %gather3A_415 = tpu.vector_load_idx %arg7[%get3A_414] : memref<20000xi32, #tpu.memory_space<vmem>>[vector<16xi32>], vector<16xi32>,
        %bitcast3A_416 = vector.bitcast %gather3A_415 : vector<16xi32> to vector<32xbf16>
        %unpack3A_417 = tpu.unpack_subelements %bitcast3A_416, 0 {pack_format = #tpu.pack_format<interleaved>} : vector<32xbf16> -> vector<16xf32>
        %unpack3A_418 = tpu.unpack_subelements %bitcast3A_416, 1 {pack_format = #tpu.pack_format<interleaved>} : vector<32xbf16> -> vector<16xf32>
        %add3A_419 = arith.addf %add3A_379, %unpack3A_417 : vector<16xf32>
        %add3A_420 = arith.addf %add3A_380, %unpack3A_418 : vector<16xf32>
        %get3A_421 = arith.constant 13 : i32
        %get3A_422 = arith.index_cast %get3A_421 : i32 to index
        %get3A_423 = arith.index_cast %mul3A_277 : i32 to index
        %get3A_424 = tpu.vector_load %arg9[%get3A_422, %get3A_423] {strides = array<i32>} : memref<32x640xi32, #tpu.memory_space<vmem>>, vector<16xi32>,
        %gather3A_425 = tpu.vector_load_idx %arg7[%get3A_424] : memref<20000xi32, #tpu.memory_space<vmem>>[vector<16xi32>], vector<16xi32>,
        %bitcast3A_426 = vector.bitcast %gather3A_425 : vector<16xi32> to vector<32xbf16>
        %unpack3A_427 = tpu.unpack_subelements %bitcast3A_426, 0 {pack_format = #tpu.pack_format<interleaved>} : vector<32xbf16> -> vector<16xf32>
        %unpack3A_428 = tpu.unpack_subelements %bitcast3A_426, 1 {pack_format = #tpu.pack_format<interleaved>} : vector<32xbf16> -> vector<16xf32>
        %add3A_429 = arith.addf %add3A_389, %unpack3A_427 : vector<16xf32>
        %add3A_430 = arith.addf %add3A_390, %unpack3A_428 : vector<16xf32>
        %get3A_431 = arith.constant 14 : i32
        %get3A_432 = arith.index_cast %get3A_431 : i32 to index
        %get3A_433 = arith.index_cast %mul3A_277 : i32 to index
        %get3A_434 = tpu.vector_load %arg9[%get3A_432, %get3A_433] {strides = array<i32>} : memref<32x640xi32, #tpu.memory_space<vmem>>, vector<16xi32>,
        %gather3A_435 = tpu.vector_load_idx %arg7[%get3A_434] : memref<20000xi32, #tpu.memory_space<vmem>>[vector<16xi32>], vector<16xi32>,
        %bitcast3A_436 = vector.bitcast %gather3A_435 : vector<16xi32> to vector<32xbf16>
        %unpack3A_437 = tpu.unpack_subelements %bitcast3A_436, 0 {pack_format = #tpu.pack_format<interleaved>} : vector<32xbf16> -> vector<16xf32>
        %unpack3A_438 = tpu.unpack_subelements %bitcast3A_436, 1 {pack_format = #tpu.pack_format<interleaved>} : vector<32xbf16> -> vector<16xf32>
        %add3A_439 = arith.addf %add3A_399, %unpack3A_437 : vector<16xf32>
        %add3A_440 = arith.addf %add3A_400, %unpack3A_438 : vector<16xf32>
        %get3A_441 = arith.constant 15 : i32
        %get3A_442 = arith.index_cast %get3A_441 : i32 to index
        %get3A_443 = arith.index_cast %mul3A_277 : i32 to index
        %get3A_444 = tpu.vector_load %arg9[%get3A_442, %get3A_443] {strides = array<i32>} : memref<32x640xi32, #tpu.memory_space<vmem>>, vector<16xi32>,
        %gather3A_445 = tpu.vector_load_idx %arg7[%get3A_444] : memref<20000xi32, #tpu.memory_space<vmem>>[vector<16xi32>], vector<16xi32>,
        %bitcast3A_446 = vector.bitcast %gather3A_445 : vector<16xi32> to vector<32xbf16>
        %unpack3A_447 = tpu.unpack_subelements %bitcast3A_446, 0 {pack_format = #tpu.pack_format<interleaved>} : vector<32xbf16> -> vector<16xf32>
        %unpack3A_448 = tpu.unpack_subelements %bitcast3A_446, 1 {pack_format = #tpu.pack_format<interleaved>} : vector<32xbf16> -> vector<16xf32>
        %add3A_449 = arith.addf %add3A_409, %unpack3A_447 : vector<16xf32>
        %add3A_450 = arith.addf %add3A_410, %unpack3A_448 : vector<16xf32>
        %get3A_451 = arith.constant 16 : i32
        %get3A_452 = arith.index_cast %get3A_451 : i32 to index
        %get3A_453 = arith.index_cast %mul3A_277 : i32 to index
        %get3A_454 = tpu.vector_load %arg9[%get3A_452, %get3A_453] {strides = array<i32>} : memref<32x640xi32, #tpu.memory_space<vmem>>, vector<16xi32>,
        %gather3A_455 = tpu.vector_load_idx %arg7[%get3A_454] : memref<20000xi32, #tpu.memory_space<vmem>>[vector<16xi32>], vector<16xi32>,
        %bitcast3A_456 = vector.bitcast %gather3A_455 : vector<16xi32> to vector<32xbf16>
        %unpack3A_457 = tpu.unpack_subelements %bitcast3A_456, 0 {pack_format = #tpu.pack_format<interleaved>} : vector<32xbf16> -> vector<16xf32>
        %unpack3A_458 = tpu.unpack_subelements %bitcast3A_456, 1 {pack_format = #tpu.pack_format<interleaved>} : vector<32xbf16> -> vector<16xf32>
        %add3A_459 = arith.addf %add3A_419, %unpack3A_457 : vector<16xf32>
        %add3A_460 = arith.addf %add3A_420, %unpack3A_458 : vector<16xf32>
        %get3A_461 = arith.constant 17 : i32
        %get3A_462 = arith.index_cast %get3A_461 : i32 to index
        %get3A_463 = arith.index_cast %mul3A_277 : i32 to index
        %get3A_464 = tpu.vector_load %arg9[%get3A_462, %get3A_463] {strides = array<i32>} : memref<32x640xi32, #tpu.memory_space<vmem>>, vector<16xi32>,
        %gather3A_465 = tpu.vector_load_idx %arg7[%get3A_464] : memref<20000xi32, #tpu.memory_space<vmem>>[vector<16xi32>], vector<16xi32>,
        %bitcast3A_466 = vector.bitcast %gather3A_465 : vector<16xi32> to vector<32xbf16>
        %unpack3A_467 = tpu.unpack_subelements %bitcast3A_466, 0 {pack_format = #tpu.pack_format<interleaved>} : vector<32xbf16> -> vector<16xf32>
        %unpack3A_468 = tpu.unpack_subelements %bitcast3A_466, 1 {pack_format = #tpu.pack_format<interleaved>} : vector<32xbf16> -> vector<16xf32>
        %add3A_469 = arith.addf %add3A_429, %unpack3A_467 : vector<16xf32>
        %add3A_470 = arith.addf %add3A_430, %unpack3A_468 : vector<16xf32>
        %get3A_471 = arith.constant 18 : i32
        %get3A_472 = arith.index_cast %get3A_471 : i32 to index
        %get3A_473 = arith.index_cast %mul3A_277 : i32 to index
        %get3A_474 = tpu.vector_load %arg9[%get3A_472, %get3A_473] {strides = array<i32>} : memref<32x640xi32, #tpu.memory_space<vmem>>, vector<16xi32>,
        %gather3A_475 = tpu.vector_load_idx %arg7[%get3A_474] : memref<20000xi32, #tpu.memory_space<vmem>>[vector<16xi32>], vector<16xi32>,
        %bitcast3A_476 = vector.bitcast %gather3A_475 : vector<16xi32> to vector<32xbf16>
        %unpack3A_477 = tpu.unpack_subelements %bitcast3A_476, 0 {pack_format = #tpu.pack_format<interleaved>} : vector<32xbf16> -> vector<16xf32>
        %unpack3A_478 = tpu.unpack_subelements %bitcast3A_476, 1 {pack_format = #tpu.pack_format<interleaved>} : vector<32xbf16> -> vector<16xf32>
        %add3A_479 = arith.addf %add3A_439, %unpack3A_477 : vector<16xf32>
        %add3A_480 = arith.addf %add3A_440, %unpack3A_478 : vector<16xf32>
        %get3A_481 = arith.constant 19 : i32
        %get3A_482 = arith.index_cast %get3A_481 : i32 to index
        %get3A_483 = arith.index_cast %mul3A_277 : i32 to index
        %get3A_484 = tpu.vector_load %arg9[%get3A_482, %get3A_483] {strides = array<i32>} : memref<32x640xi32, #tpu.memory_space<vmem>>, vector<16xi32>,
        %gather3A_485 = tpu.vector_load_idx %arg7[%get3A_484] : memref<20000xi32, #tpu.memory_space<vmem>>[vector<16xi32>], vector<16xi32>,
        %bitcast3A_486 = vector.bitcast %gather3A_485 : vector<16xi32> to vector<32xbf16>
        %unpack3A_487 = tpu.unpack_subelements %bitcast3A_486, 0 {pack_format = #tpu.pack_format<interleaved>} : vector<32xbf16> -> vector<16xf32>
        %unpack3A_488 = tpu.unpack_subelements %bitcast3A_486, 1 {pack_format = #tpu.pack_format<interleaved>} : vector<32xbf16> -> vector<16xf32>
        %add3A_489 = arith.addf %add3A_449, %unpack3A_487 : vector<16xf32>
        %add3A_490 = arith.addf %add3A_450, %unpack3A_488 : vector<16xf32>
        %get3A_491 = arith.constant 20 : i32
        %get3A_492 = arith.index_cast %get3A_491 : i32 to index
        %get3A_493 = arith.index_cast %mul3A_277 : i32 to index
        %get3A_494 = tpu.vector_load %arg9[%get3A_492, %get3A_493] {strides = array<i32>} : memref<32x640xi32, #tpu.memory_space<vmem>>, vector<16xi32>,
        %gather3A_495 = tpu.vector_load_idx %arg7[%get3A_494] : memref<20000xi32, #tpu.memory_space<vmem>>[vector<16xi32>], vector<16xi32>,
        %bitcast3A_496 = vector.bitcast %gather3A_495 : vector<16xi32> to vector<32xbf16>
        %unpack3A_497 = tpu.unpack_subelements %bitcast3A_496, 0 {pack_format = #tpu.pack_format<interleaved>} : vector<32xbf16> -> vector<16xf32>
        %unpack3A_498 = tpu.unpack_subelements %bitcast3A_496, 1 {pack_format = #tpu.pack_format<interleaved>} : vector<32xbf16> -> vector<16xf32>
        %add3A_499 = arith.addf %add3A_459, %unpack3A_497 : vector<16xf32>
        %add3A_500 = arith.addf %add3A_460, %unpack3A_498 : vector<16xf32>
        %get3A_501 = arith.constant 21 : i32
        %get3A_502 = arith.index_cast %get3A_501 : i32 to index
        %get3A_503 = arith.index_cast %mul3A_277 : i32 to index
        %get3A_504 = tpu.vector_load %arg9[%get3A_502, %get3A_503] {strides = array<i32>} : memref<32x640xi32, #tpu.memory_space<vmem>>, vector<16xi32>,
        %gather3A_505 = tpu.vector_load_idx %arg7[%get3A_504] : memref<20000xi32, #tpu.memory_space<vmem>>[vector<16xi32>], vector<16xi32>,
        %bitcast3A_506 = vector.bitcast %gather3A_505 : vector<16xi32> to vector<32xbf16>
        %unpack3A_507 = tpu.unpack_subelements %bitcast3A_506, 0 {pack_format = #tpu.pack_format<interleaved>} : vector<32xbf16> -> vector<16xf32>
        %unpack3A_508 = tpu.unpack_subelements %bitcast3A_506, 1 {pack_format = #tpu.pack_format<interleaved>} : vector<32xbf16> -> vector<16xf32>
        %add3A_509 = arith.addf %add3A_469, %unpack3A_507 : vector<16xf32>
        %add3A_510 = arith.addf %add3A_470, %unpack3A_508 : vector<16xf32>
        %get3A_511 = arith.constant 22 : i32
        %get3A_512 = arith.index_cast %get3A_511 : i32 to index
        %get3A_513 = arith.index_cast %mul3A_277 : i32 to index
        %get3A_514 = tpu.vector_load %arg9[%get3A_512, %get3A_513] {strides = array<i32>} : memref<32x640xi32, #tpu.memory_space<vmem>>, vector<16xi32>,
        %gather3A_515 = tpu.vector_load_idx %arg7[%get3A_514] : memref<20000xi32, #tpu.memory_space<vmem>>[vector<16xi32>], vector<16xi32>,
        %bitcast3A_516 = vector.bitcast %gather3A_515 : vector<16xi32> to vector<32xbf16>
        %unpack3A_517 = tpu.unpack_subelements %bitcast3A_516, 0 {pack_format = #tpu.pack_format<interleaved>} : vector<32xbf16> -> vector<16xf32>
        %unpack3A_518 = tpu.unpack_subelements %bitcast3A_516, 1 {pack_format = #tpu.pack_format<interleaved>} : vector<32xbf16> -> vector<16xf32>
        %add3A_519 = arith.addf %add3A_479, %unpack3A_517 : vector<16xf32>
        %add3A_520 = arith.addf %add3A_480, %unpack3A_518 : vector<16xf32>
        %get3A_521 = arith.constant 23 : i32
        %get3A_522 = arith.index_cast %get3A_521 : i32 to index
        %get3A_523 = arith.index_cast %mul3A_277 : i32 to index
        %get3A_524 = tpu.vector_load %arg9[%get3A_522, %get3A_523] {strides = array<i32>} : memref<32x640xi32, #tpu.memory_space<vmem>>, vector<16xi32>,
        %gather3A_525 = tpu.vector_load_idx %arg7[%get3A_524] : memref<20000xi32, #tpu.memory_space<vmem>>[vector<16xi32>], vector<16xi32>,
        %bitcast3A_526 = vector.bitcast %gather3A_525 : vector<16xi32> to vector<32xbf16>
        %unpack3A_527 = tpu.unpack_subelements %bitcast3A_526, 0 {pack_format = #tpu.pack_format<interleaved>} : vector<32xbf16> -> vector<16xf32>
        %unpack3A_528 = tpu.unpack_subelements %bitcast3A_526, 1 {pack_format = #tpu.pack_format<interleaved>} : vector<32xbf16> -> vector<16xf32>
        %add3A_529 = arith.addf %add3A_489, %unpack3A_527 : vector<16xf32>
        %add3A_530 = arith.addf %add3A_490, %unpack3A_528 : vector<16xf32>
        %get3A_531 = arith.constant 24 : i32
        %get3A_532 = arith.index_cast %get3A_531 : i32 to index
        %get3A_533 = arith.index_cast %mul3A_277 : i32 to index
        %get3A_534 = tpu.vector_load %arg9[%get3A_532, %get3A_533] {strides = array<i32>} : memref<32x640xi32, #tpu.memory_space<vmem>>, vector<16xi32>,
        %gather3A_535 = tpu.vector_load_idx %arg7[%get3A_534] : memref<20000xi32, #tpu.memory_space<vmem>>[vector<16xi32>], vector<16xi32>,
        %bitcast3A_536 = vector.bitcast %gather3A_535 : vector<16xi32> to vector<32xbf16>
        %unpack3A_537 = tpu.unpack_subelements %bitcast3A_536, 0 {pack_format = #tpu.pack_format<interleaved>} : vector<32xbf16> -> vector<16xf32>
        %unpack3A_538 = tpu.unpack_subelements %bitcast3A_536, 1 {pack_format = #tpu.pack_format<interleaved>} : vector<32xbf16> -> vector<16xf32>
        %add3A_539 = arith.addf %add3A_499, %unpack3A_537 : vector<16xf32>
        %add3A_540 = arith.addf %add3A_500, %unpack3A_538 : vector<16xf32>
        %get3A_541 = arith.constant 25 : i32
        %get3A_542 = arith.index_cast %get3A_541 : i32 to index
        %get3A_543 = arith.index_cast %mul3A_277 : i32 to index
        %get3A_544 = tpu.vector_load %arg9[%get3A_542, %get3A_543] {strides = array<i32>} : memref<32x640xi32, #tpu.memory_space<vmem>>, vector<16xi32>,
        %gather3A_545 = tpu.vector_load_idx %arg7[%get3A_544] : memref<20000xi32, #tpu.memory_space<vmem>>[vector<16xi32>], vector<16xi32>,
        %bitcast3A_546 = vector.bitcast %gather3A_545 : vector<16xi32> to vector<32xbf16>
        %unpack3A_547 = tpu.unpack_subelements %bitcast3A_546, 0 {pack_format = #tpu.pack_format<interleaved>} : vector<32xbf16> -> vector<16xf32>
        %unpack3A_548 = tpu.unpack_subelements %bitcast3A_546, 1 {pack_format = #tpu.pack_format<interleaved>} : vector<32xbf16> -> vector<16xf32>
        %add3A_549 = arith.addf %add3A_509, %unpack3A_547 : vector<16xf32>
        %add3A_550 = arith.addf %add3A_510, %unpack3A_548 : vector<16xf32>
        %get3A_551 = arith.constant 26 : i32
        %get3A_552 = arith.index_cast %get3A_551 : i32 to index
        %get3A_553 = arith.index_cast %mul3A_277 : i32 to index
        %get3A_554 = tpu.vector_load %arg9[%get3A_552, %get3A_553] {strides = array<i32>} : memref<32x640xi32, #tpu.memory_space<vmem>>, vector<16xi32>,
        %gather3A_555 = tpu.vector_load_idx %arg7[%get3A_554] : memref<20000xi32, #tpu.memory_space<vmem>>[vector<16xi32>], vector<16xi32>,
        %bitcast3A_556 = vector.bitcast %gather3A_555 : vector<16xi32> to vector<32xbf16>
        %unpack3A_557 = tpu.unpack_subelements %bitcast3A_556, 0 {pack_format = #tpu.pack_format<interleaved>} : vector<32xbf16> -> vector<16xf32>
        %unpack3A_558 = tpu.unpack_subelements %bitcast3A_556, 1 {pack_format = #tpu.pack_format<interleaved>} : vector<32xbf16> -> vector<16xf32>
        %add3A_559 = arith.addf %add3A_519, %unpack3A_557 : vector<16xf32>
        %add3A_560 = arith.addf %add3A_520, %unpack3A_558 : vector<16xf32>
        %get3A_561 = arith.constant 27 : i32
        %get3A_562 = arith.index_cast %get3A_561 : i32 to index
        %get3A_563 = arith.index_cast %mul3A_277 : i32 to index
        %get3A_564 = tpu.vector_load %arg9[%get3A_562, %get3A_563] {strides = array<i32>} : memref<32x640xi32, #tpu.memory_space<vmem>>, vector<16xi32>,
        %gather3A_565 = tpu.vector_load_idx %arg7[%get3A_564] : memref<20000xi32, #tpu.memory_space<vmem>>[vector<16xi32>], vector<16xi32>,
        %bitcast3A_566 = vector.bitcast %gather3A_565 : vector<16xi32> to vector<32xbf16>
        %unpack3A_567 = tpu.unpack_subelements %bitcast3A_566, 0 {pack_format = #tpu.pack_format<interleaved>} : vector<32xbf16> -> vector<16xf32>
        %unpack3A_568 = tpu.unpack_subelements %bitcast3A_566, 1 {pack_format = #tpu.pack_format<interleaved>} : vector<32xbf16> -> vector<16xf32>
        %add3A_569 = arith.addf %add3A_529, %unpack3A_567 : vector<16xf32>
        %add3A_570 = arith.addf %add3A_530, %unpack3A_568 : vector<16xf32>
        %get3A_571 = arith.constant 28 : i32
        %get3A_572 = arith.index_cast %get3A_571 : i32 to index
        %get3A_573 = arith.index_cast %mul3A_277 : i32 to index
        %get3A_574 = tpu.vector_load %arg9[%get3A_572, %get3A_573] {strides = array<i32>} : memref<32x640xi32, #tpu.memory_space<vmem>>, vector<16xi32>,
        %gather3A_575 = tpu.vector_load_idx %arg7[%get3A_574] : memref<20000xi32, #tpu.memory_space<vmem>>[vector<16xi32>], vector<16xi32>,
        %bitcast3A_576 = vector.bitcast %gather3A_575 : vector<16xi32> to vector<32xbf16>
        %unpack3A_577 = tpu.unpack_subelements %bitcast3A_576, 0 {pack_format = #tpu.pack_format<interleaved>} : vector<32xbf16> -> vector<16xf32>
        %unpack3A_578 = tpu.unpack_subelements %bitcast3A_576, 1 {pack_format = #tpu.pack_format<interleaved>} : vector<32xbf16> -> vector<16xf32>
        %add3A_579 = arith.addf %add3A_539, %unpack3A_577 : vector<16xf32>
        %add3A_580 = arith.addf %add3A_540, %unpack3A_578 : vector<16xf32>
        %get3A_581 = arith.constant 29 : i32
        %get3A_582 = arith.index_cast %get3A_581 : i32 to index
        %get3A_583 = arith.index_cast %mul3A_277 : i32 to index
        %get3A_584 = tpu.vector_load %arg9[%get3A_582, %get3A_583] {strides = array<i32>} : memref<32x640xi32, #tpu.memory_space<vmem>>, vector<16xi32>,
        %gather3A_585 = tpu.vector_load_idx %arg7[%get3A_584] : memref<20000xi32, #tpu.memory_space<vmem>>[vector<16xi32>], vector<16xi32>,
        %bitcast3A_586 = vector.bitcast %gather3A_585 : vector<16xi32> to vector<32xbf16>
        %unpack3A_587 = tpu.unpack_subelements %bitcast3A_586, 0 {pack_format = #tpu.pack_format<interleaved>} : vector<32xbf16> -> vector<16xf32>
        %unpack3A_588 = tpu.unpack_subelements %bitcast3A_586, 1 {pack_format = #tpu.pack_format<interleaved>} : vector<32xbf16> -> vector<16xf32>
        %add3A_589 = arith.addf %add3A_549, %unpack3A_587 : vector<16xf32>
        %add3A_590 = arith.addf %add3A_550, %unpack3A_588 : vector<16xf32>
        %get3A_591 = arith.constant 30 : i32
        %get3A_592 = arith.index_cast %get3A_591 : i32 to index
        %get3A_593 = arith.index_cast %mul3A_277 : i32 to index
        %get3A_594 = tpu.vector_load %arg9[%get3A_592, %get3A_593] {strides = array<i32>} : memref<32x640xi32, #tpu.memory_space<vmem>>, vector<16xi32>,
        %gather3A_595 = tpu.vector_load_idx %arg7[%get3A_594] : memref<20000xi32, #tpu.memory_space<vmem>>[vector<16xi32>], vector<16xi32>,
        %bitcast3A_596 = vector.bitcast %gather3A_595 : vector<16xi32> to vector<32xbf16>
        %unpack3A_597 = tpu.unpack_subelements %bitcast3A_596, 0 {pack_format = #tpu.pack_format<interleaved>} : vector<32xbf16> -> vector<16xf32>
        %unpack3A_598 = tpu.unpack_subelements %bitcast3A_596, 1 {pack_format = #tpu.pack_format<interleaved>} : vector<32xbf16> -> vector<16xf32>
        %add3A_599 = arith.addf %add3A_559, %unpack3A_597 : vector<16xf32>
        %add3A_600 = arith.addf %add3A_560, %unpack3A_598 : vector<16xf32>
        %get3A_601 = arith.constant 31 : i32
        %get3A_602 = arith.index_cast %get3A_601 : i32 to index
        %get3A_603 = arith.index_cast %mul3A_277 : i32 to index
        %get3A_604 = tpu.vector_load %arg9[%get3A_602, %get3A_603] {strides = array<i32>} : memref<32x640xi32, #tpu.memory_space<vmem>>, vector<16xi32>,
        %gather3A_605 = tpu.vector_load_idx %arg7[%get3A_604] : memref<20000xi32, #tpu.memory_space<vmem>>[vector<16xi32>], vector<16xi32>,
        %bitcast3A_606 = vector.bitcast %gather3A_605 : vector<16xi32> to vector<32xbf16>
        %unpack3A_607 = tpu.unpack_subelements %bitcast3A_606, 0 {pack_format = #tpu.pack_format<interleaved>} : vector<32xbf16> -> vector<16xf32>
        %unpack3A_608 = tpu.unpack_subelements %bitcast3A_606, 1 {pack_format = #tpu.pack_format<interleaved>} : vector<32xbf16> -> vector<16xf32>
        %add3A_609 = arith.addf %add3A_569, %unpack3A_607 : vector<16xf32>
        %add3A_610 = arith.addf %add3A_570, %unpack3A_608 : vector<16xf32>
        %add3A_611 = arith.addf %add3A_579, %add3A_589 : vector<16xf32>
        %add3A_612 = arith.addf %add3A_599, %add3A_609 : vector<16xf32>
        %add3A_613 = arith.addf %add3A_611, %add3A_612 : vector<16xf32>
        %add3A_614 = arith.addf %add3A_580, %add3A_590 : vector<16xf32>
        %add3A_615 = arith.addf %add3A_600, %add3A_610 : vector<16xf32>
        %add3A_616 = arith.addf %add3A_614, %add3A_615 : vector<16xf32>
        %add3A_617 = arith.addi %mul3A_190, %mul3A_277 : i32
        %get3A_618 = arith.index_cast %add3A_617 : i32 to index
        %get3A_619 = tpu.vector_load %arg7[%get3A_618] {strides = array<i32>} : memref<20000xi32, #tpu.memory_space<vmem>>, vector<16xi32>,
        %bitcast3A_620 = vector.bitcast %get3A_619 : vector<16xi32> to vector<32xbf16>
        %unpack3A_621 = tpu.unpack_subelements %bitcast3A_620, 0 {pack_format = #tpu.pack_format<interleaved>} : vector<32xbf16> -> vector<16xf32>
        %unpack3A_622 = tpu.unpack_subelements %bitcast3A_620, 1 {pack_format = #tpu.pack_format<interleaved>} : vector<32xbf16> -> vector<16xf32>
        %mul3A_623 = vector.broadcast %squeeze3A_5 : f32 to vector<16xf32>
        %mul3A_624 = arith.mulf %mul3A_623, %add3A_613 : vector<16xf32>
        %add3A_625 = vector.broadcast %squeeze3A : f32 to vector<16xf32>
        %add3A_626 = arith.addf %add3A_625, %mul3A_624 : vector<16xf32>
        %mul3A_627 = arith.mulf %unpack3A_621, %add3A_626 : vector<16xf32>
        %mul3A_628 = vector.broadcast %squeeze3A_5 : f32 to vector<16xf32>
        %mul3A_629 = arith.mulf %mul3A_628, %add3A_616 : vector<16xf32>
        %add3A_630 = vector.broadcast %squeeze3A_3 : f32 to vector<16xf32>
        %add3A_631 = arith.addf %add3A_630, %mul3A_629 : vector<16xf32>
        %mul3A_632 = arith.mulf %unpack3A_622, %add3A_631 : vector<16xf32>
        %add3A_633 = arith.addf %mul3A_627, %mul3A_632 : vector<16xf32>
        %get3A_634 = arith.constant 0 : i32
        %get3A_635 = arith.index_cast %get3A_634 : i32 to index
        %get3A_636 = arith.index_cast %mul3A_277 : i32 to index
        %get3A_637 = tpu.vector_load %arg11[%get3A_635, %get3A_636] {strides = array<i32>} : memref<2x640xf32, #tpu.memory_space<vmem>>, vector<16xf32>,
        %sub3A = vector.broadcast %squeeze3A_9 : f32 to vector<16xf32>
        %sub3A_638 = arith.subf %get3A_637, %sub3A : vector<16xf32>
        %get3A_639 = arith.constant 1 : i32
        %get3A_640 = arith.index_cast %get3A_639 : i32 to index
        %get3A_641 = arith.index_cast %mul3A_277 : i32 to index
        %get3A_642 = tpu.vector_load %arg11[%get3A_640, %get3A_641] {strides = array<i32>} : memref<2x640xf32, #tpu.memory_space<vmem>>, vector<16xf32>,
        %sub3A_643 = vector.broadcast %squeeze3A_11 : f32 to vector<16xf32>
        %sub3A_644 = arith.subf %get3A_642, %sub3A_643 : vector<16xf32>
        %mul3A_645 = arith.mulf %sub3A_638, %sub3A_638 : vector<16xf32>
        %mul3A_646 = arith.mulf %sub3A_644, %sub3A_644 : vector<16xf32>
        %add3A_647 = arith.addf %mul3A_645, %mul3A_646 : vector<16xf32>
        %max3A = arith.constant 9.99999996E-13 : f32
        %max3A_648 = vector.broadcast %max3A : f32 to vector<16xf32>
        %max3A_649 = arith.maximumf %add3A_647, %max3A_648 : vector<16xf32>
        %bitcast3A_650 = vector.bitcast %max3A_649 : vector<16xf32> to vector<16xi32>
        %shift_right_logical3A = arith.constant 1 : i32
        %shift_right_logical3A_651 = vector.broadcast %shift_right_logical3A : i32 to vector<16xi32>
        %shift_right_logical3A_652 = arith.shrui %bitcast3A_650, %shift_right_logical3A_651 : vector<16xi32>
        %sub3A_653 = arith.constant 1597463007 : i32
        %sub3A_654 = vector.broadcast %sub3A_653 : i32 to vector<16xi32>
        %sub3A_655 = arith.subi %sub3A_654, %shift_right_logical3A_652 : vector<16xi32>
        %bitcast3A_656 = vector.bitcast %sub3A_655 : vector<16xi32> to vector<16xf32>
        %mul3A_657 = arith.constant 5.000000e-01 : f32
        %mul3A_658 = vector.broadcast %mul3A_657 : f32 to vector<16xf32>
        %mul3A_659 = arith.mulf %mul3A_658, %max3A_649 : vector<16xf32>
        %mul3A_660 = arith.mulf %mul3A_659, %bitcast3A_656 : vector<16xf32>
        %mul3A_661 = arith.mulf %mul3A_660, %bitcast3A_656 : vector<16xf32>
        %sub3A_662 = arith.constant 1.500000e+00 : f32
        %sub3A_663 = vector.broadcast %sub3A_662 : f32 to vector<16xf32>
        %sub3A_664 = arith.subf %sub3A_663, %mul3A_661 : vector<16xf32>
        %mul3A_665 = arith.mulf %bitcast3A_656, %sub3A_664 : vector<16xf32>
        %mul3A_666 = arith.mulf %mul3A_659, %mul3A_665 : vector<16xf32>
        %mul3A_667 = arith.mulf %mul3A_666, %mul3A_665 : vector<16xf32>
        %sub3A_668 = arith.constant 1.500000e+00 : f32
        %sub3A_669 = vector.broadcast %sub3A_668 : f32 to vector<16xf32>
        %sub3A_670 = arith.subf %sub3A_669, %mul3A_667 : vector<16xf32>
        %mul3A_671 = arith.mulf %mul3A_665, %sub3A_670 : vector<16xf32>
        %mul3A_672 = arith.mulf %mul3A_659, %mul3A_671 : vector<16xf32>
        %mul3A_673 = arith.mulf %mul3A_672, %mul3A_671 : vector<16xf32>
        %sub3A_674 = arith.constant 1.500000e+00 : f32
        %sub3A_675 = vector.broadcast %sub3A_674 : f32 to vector<16xf32>
        %sub3A_676 = arith.subf %sub3A_675, %mul3A_673 : vector<16xf32>
        %mul3A_677 = arith.mulf %mul3A_671, %sub3A_676 : vector<16xf32>
        %mul3A_678 = arith.mulf %max3A_649, %mul3A_677 : vector<16xf32>
        %mul3A_679 = vector.broadcast %squeeze3A_7 : f32 to vector<16xf32>
        %mul3A_680 = arith.mulf %mul3A_679, %mul3A_678 : vector<16xf32>
        %sub3A_681 = arith.subf %add3A_633, %mul3A_680 : vector<16xf32>
        %swap3A = arith.index_cast %mul3A_277 : i32 to index
        %swap3A_682 = tpu.vector_load %arg13[%swap3A] {strides = array<i32>} : memref<640xf32, #tpu.memory_space<vmem>>, vector<16xf32>,
        tpu.vector_store %arg13[%swap3A], %sub3A_681 {strides = array<i32>} : memref<640xf32, #tpu.memory_space<vmem>>, vector<16xf32>,
      }
      %scan3A_216 = arith.constant 40 : i32
      %add3A_217 = arith.addi %mul3A_13, %mul3A_190 : i32
      %dma_start3A_218 = tpu.memref_slice %arg6[%add3A_217] : memref<640000xf32, #tpu.memory_space<hbm>> -> memref<640xf32, #tpu.memory_space<hbm>>
      %dma_start3A_219 = tpu.memref_slice %arg6[%add3A_217] : memref<640000xf32, #tpu.memory_space<hbm>> -> memref<640xf32, #tpu.memory_space<hbm>>
      tpu.enqueue_dma source(%arg13 : memref<640xf32, #tpu.memory_space<vmem>>) target(%dma_start3A_219 : memref<640xf32, #tpu.memory_space<hbm>>) target_semaphore(%arg21 : memref<!tpu.dma_semaphore, #tpu.memory_space<semaphore_mem>>)
      %add3A_220 = arith.constant 2 : i32
      %add3A_221 = arith.addi %add3A_188, %add3A_220 : i32
      %lt3A = arith.constant 30 : i32
      %lt3A_222 = arith.cmpi slt, %add3A_221, %lt3A : i32
      %convert_element_type3A_223 = arith.extui %lt3A_222 : i1 to i32
      %cond3A_224 = arith.constant 0 : i32
      %cond3A_225 = arith.cmpi ne, %convert_element_type3A_223, %cond3A_224 : i32
      scf.if %cond3A_225 {
        %add3A_275 = arith.constant 2 : i32
        %add3A_276 = arith.addi %add3A_188, %add3A_275 : i32
        %mul3A_277 = arith.constant 640 : i32
        %mul3A_278 = arith.muli %add3A_276, %mul3A_277 : i32
        %dma_start3A_279 = arith.constant 0 : i32
        %dma_start3A_280 = arith.constant 0 : i32
        %dma_start3A_281 = tpu.memref_slice %arg9[%dma_start3A_279, %dma_start3A_280] : memref<32x640xi32, #tpu.memory_space<vmem>> -> memref<8x640xi32, #tpu.memory_space<vmem>>
        %dma_start3A_282 = arith.constant 0 : i32
        %dma_start3A_283 = tpu.memref_slice %arg4[%add3A, %dma_start3A_282, %mul3A_278] : memref<32x32x20000xi32, #tpu.memory_space<hbm>> -> memref<1x8x640xi32, #tpu.memory_space<hbm>>
        %dma_start3A_284 = tpu.memref_squeeze %dma_start3A_283 : memref<1x8x640xi32, #tpu.memory_space<hbm>> -> memref<8x640xi32, #tpu.memory_space<hbm>>
        %dma_start3A_285 = arith.constant 0 : i32
        %dma_start3A_286 = arith.constant 0 : i32
        %dma_start3A_287 = tpu.memref_slice %arg9[%dma_start3A_285, %dma_start3A_286] : memref<32x640xi32, #tpu.memory_space<vmem>> -> memref<8x640xi32, #tpu.memory_space<vmem>>
        %dma_start3A_288 = arith.constant 0 : i32
        %dma_start3A_289 = tpu.memref_slice %arg4[%add3A, %dma_start3A_288, %mul3A_278] : memref<32x32x20000xi32, #tpu.memory_space<hbm>> -> memref<1x8x640xi32, #tpu.memory_space<hbm>>
        %dma_start3A_290 = tpu.memref_squeeze %dma_start3A_289 : memref<1x8x640xi32, #tpu.memory_space<hbm>> -> memref<8x640xi32, #tpu.memory_space<hbm>>
        tpu.enqueue_dma source(%dma_start3A_290 : memref<8x640xi32, #tpu.memory_space<hbm>>) target(%dma_start3A_287 : memref<8x640xi32, #tpu.memory_space<vmem>>) target_semaphore(%arg18 : memref<!tpu.dma_semaphore, #tpu.memory_space<semaphore_mem>>)
        %dma_start3A_291 = arith.constant 8 : i32
        %dma_start3A_292 = arith.constant 0 : i32
        %dma_start3A_293 = tpu.memref_slice %arg9[%dma_start3A_291, %dma_start3A_292] : memref<32x640xi32, #tpu.memory_space<vmem>> -> memref<8x640xi32, #tpu.memory_space<vmem>>
        %dma_start3A_294 = arith.constant 8 : i32
        %dma_start3A_295 = tpu.memref_slice %arg4[%add3A, %dma_start3A_294, %mul3A_278] : memref<32x32x20000xi32, #tpu.memory_space<hbm>> -> memref<1x8x640xi32, #tpu.memory_space<hbm>>
        %dma_start3A_296 = tpu.memref_squeeze %dma_start3A_295 : memref<1x8x640xi32, #tpu.memory_space<hbm>> -> memref<8x640xi32, #tpu.memory_space<hbm>>
        %dma_start3A_297 = arith.constant 8 : i32
        %dma_start3A_298 = arith.constant 0 : i32
        %dma_start3A_299 = tpu.memref_slice %arg9[%dma_start3A_297, %dma_start3A_298] : memref<32x640xi32, #tpu.memory_space<vmem>> -> memref<8x640xi32, #tpu.memory_space<vmem>>
        %dma_start3A_300 = arith.constant 8 : i32
        %dma_start3A_301 = tpu.memref_slice %arg4[%add3A, %dma_start3A_300, %mul3A_278] : memref<32x32x20000xi32, #tpu.memory_space<hbm>> -> memref<1x8x640xi32, #tpu.memory_space<hbm>>
        %dma_start3A_302 = tpu.memref_squeeze %dma_start3A_301 : memref<1x8x640xi32, #tpu.memory_space<hbm>> -> memref<8x640xi32, #tpu.memory_space<hbm>>
        tpu.enqueue_dma source(%dma_start3A_302 : memref<8x640xi32, #tpu.memory_space<hbm>>) target(%dma_start3A_299 : memref<8x640xi32, #tpu.memory_space<vmem>>) target_semaphore(%arg18 : memref<!tpu.dma_semaphore, #tpu.memory_space<semaphore_mem>>)
        %dma_start3A_303 = arith.constant 16 : i32
        %dma_start3A_304 = arith.constant 0 : i32
        %dma_start3A_305 = tpu.memref_slice %arg9[%dma_start3A_303, %dma_start3A_304] : memref<32x640xi32, #tpu.memory_space<vmem>> -> memref<8x640xi32, #tpu.memory_space<vmem>>
        %dma_start3A_306 = arith.constant 16 : i32
        %dma_start3A_307 = tpu.memref_slice %arg4[%add3A, %dma_start3A_306, %mul3A_278] : memref<32x32x20000xi32, #tpu.memory_space<hbm>> -> memref<1x8x640xi32, #tpu.memory_space<hbm>>
        %dma_start3A_308 = tpu.memref_squeeze %dma_start3A_307 : memref<1x8x640xi32, #tpu.memory_space<hbm>> -> memref<8x640xi32, #tpu.memory_space<hbm>>
        %dma_start3A_309 = arith.constant 16 : i32
        %dma_start3A_310 = arith.constant 0 : i32
        %dma_start3A_311 = tpu.memref_slice %arg9[%dma_start3A_309, %dma_start3A_310] : memref<32x640xi32, #tpu.memory_space<vmem>> -> memref<8x640xi32, #tpu.memory_space<vmem>>
        %dma_start3A_312 = arith.constant 16 : i32
        %dma_start3A_313 = tpu.memref_slice %arg4[%add3A, %dma_start3A_312, %mul3A_278] : memref<32x32x20000xi32, #tpu.memory_space<hbm>> -> memref<1x8x640xi32, #tpu.memory_space<hbm>>
        %dma_start3A_314 = tpu.memref_squeeze %dma_start3A_313 : memref<1x8x640xi32, #tpu.memory_space<hbm>> -> memref<8x640xi32, #tpu.memory_space<hbm>>
        tpu.enqueue_dma source(%dma_start3A_314 : memref<8x640xi32, #tpu.memory_space<hbm>>) target(%dma_start3A_311 : memref<8x640xi32, #tpu.memory_space<vmem>>) target_semaphore(%arg18 : memref<!tpu.dma_semaphore, #tpu.memory_space<semaphore_mem>>)
        %dma_start3A_315 = arith.constant 24 : i32
        %dma_start3A_316 = arith.constant 0 : i32
        %dma_start3A_317 = tpu.memref_slice %arg9[%dma_start3A_315, %dma_start3A_316] : memref<32x640xi32, #tpu.memory_space<vmem>> -> memref<8x640xi32, #tpu.memory_space<vmem>>
        %dma_start3A_318 = arith.constant 24 : i32
        %dma_start3A_319 = tpu.memref_slice %arg4[%add3A, %dma_start3A_318, %mul3A_278] : memref<32x32x20000xi32, #tpu.memory_space<hbm>> -> memref<1x8x640xi32, #tpu.memory_space<hbm>>
        %dma_start3A_320 = tpu.memref_squeeze %dma_start3A_319 : memref<1x8x640xi32, #tpu.memory_space<hbm>> -> memref<8x640xi32, #tpu.memory_space<hbm>>
        %dma_start3A_321 = arith.constant 24 : i32
        %dma_start3A_322 = arith.constant 0 : i32
        %dma_start3A_323 = tpu.memref_slice %arg9[%dma_start3A_321, %dma_start3A_322] : memref<32x640xi32, #tpu.memory_space<vmem>> -> memref<8x640xi32, #tpu.memory_space<vmem>>
        %dma_start3A_324 = arith.constant 24 : i32
        %dma_start3A_325 = tpu.memref_slice %arg4[%add3A, %dma_start3A_324, %mul3A_278] : memref<32x32x20000xi32, #tpu.memory_space<hbm>> -> memref<1x8x640xi32, #tpu.memory_space<hbm>>
        %dma_start3A_326 = tpu.memref_squeeze %dma_start3A_325 : memref<1x8x640xi32, #tpu.memory_space<hbm>> -> memref<8x640xi32, #tpu.memory_space<hbm>>
        tpu.enqueue_dma source(%dma_start3A_326 : memref<8x640xi32, #tpu.memory_space<hbm>>) target(%dma_start3A_323 : memref<8x640xi32, #tpu.memory_space<vmem>>) target_semaphore(%arg18 : memref<!tpu.dma_semaphore, #tpu.memory_space<semaphore_mem>>)
        %dma_start3A_327 = arith.constant 0 : i32
        %dma_start3A_328 = tpu.memref_slice %arg3[%add3A, %dma_start3A_327, %mul3A_278] : memref<32x2x20000xf32, #tpu.memory_space<hbm>> -> memref<1x2x640xf32, #tpu.memory_space<hbm>>
        %dma_start3A_329 = tpu.memref_squeeze %dma_start3A_328 : memref<1x2x640xf32, #tpu.memory_space<hbm>> -> memref<2x640xf32, #tpu.memory_space<hbm>>
        %dma_start3A_330 = arith.constant 0 : i32
        %dma_start3A_331 = tpu.memref_slice %arg3[%add3A, %dma_start3A_330, %mul3A_278] : memref<32x2x20000xf32, #tpu.memory_space<hbm>> -> memref<1x2x640xf32, #tpu.memory_space<hbm>>
        %dma_start3A_332 = tpu.memref_squeeze %dma_start3A_331 : memref<1x2x640xf32, #tpu.memory_space<hbm>> -> memref<2x640xf32, #tpu.memory_space<hbm>>
        tpu.enqueue_dma source(%dma_start3A_332 : memref<2x640xf32, #tpu.memory_space<hbm>>) target(%arg11 : memref<2x640xf32, #tpu.memory_space<vmem>>) target_semaphore(%arg18 : memref<!tpu.dma_semaphore, #tpu.memory_space<semaphore_mem>>)
      } else {
      }
      %eq3A = arith.constant 14 : i32
      %eq3A_226 = arith.cmpi eq, %scan3A_184, %eq3A : i32
      %convert_element_type3A_227 = arith.extui %eq3A_226 : i1 to i32
      %cond3A_228 = arith.constant 0 : i32
      %cond3A_229 = arith.cmpi ne, %convert_element_type3A_227, %cond3A_228 : i32
      scf.if %cond3A_229 {
        %dma_start3A_275 = arith.constant 0 : i32
        %dma_start3A_276 = arith.constant 0 : i32
        %dma_start3A_277 = tpu.memref_slice %arg15[%dma_start3A_275, %dma_start3A_276] : memref<32x800xi32, #tpu.memory_space<vmem>> -> memref<8x800xi32, #tpu.memory_space<vmem>>
        %dma_start3A_278 = arith.constant 0 : i32
        %dma_start3A_279 = arith.constant 19200 : i32
        %dma_start3A_280 = tpu.memref_slice %arg4[%add3A, %dma_start3A_278, %dma_start3A_279] : memref<32x32x20000xi32, #tpu.memory_space<hbm>> -> memref<1x8x800xi32, #tpu.memory_space<hbm>>
        %dma_start3A_281 = tpu.memref_squeeze %dma_start3A_280 : memref<1x8x800xi32, #tpu.memory_space<hbm>> -> memref<8x800xi32, #tpu.memory_space<hbm>>
        %dma_start3A_282 = arith.constant 0 : i32
        %dma_start3A_283 = arith.constant 0 : i32
        %dma_start3A_284 = tpu.memref_slice %arg15[%dma_start3A_282, %dma_start3A_283] : memref<32x800xi32, #tpu.memory_space<vmem>> -> memref<8x800xi32, #tpu.memory_space<vmem>>
        %dma_start3A_285 = arith.constant 0 : i32
        %dma_start3A_286 = arith.constant 19200 : i32
        %dma_start3A_287 = tpu.memref_slice %arg4[%add3A, %dma_start3A_285, %dma_start3A_286] : memref<32x32x20000xi32, #tpu.memory_space<hbm>> -> memref<1x8x800xi32, #tpu.memory_space<hbm>>
        %dma_start3A_288 = tpu.memref_squeeze %dma_start3A_287 : memref<1x8x800xi32, #tpu.memory_space<hbm>> -> memref<8x800xi32, #tpu.memory_space<hbm>>
        tpu.enqueue_dma source(%dma_start3A_288 : memref<8x800xi32, #tpu.memory_space<hbm>>) target(%dma_start3A_284 : memref<8x800xi32, #tpu.memory_space<vmem>>) target_semaphore(%arg20 : memref<!tpu.dma_semaphore, #tpu.memory_space<semaphore_mem>>)
        %dma_start3A_289 = arith.constant 8 : i32
        %dma_start3A_290 = arith.constant 0 : i32
        %dma_start3A_291 = tpu.memref_slice %arg15[%dma_start3A_289, %dma_start3A_290] : memref<32x800xi32, #tpu.memory_space<vmem>> -> memref<8x800xi32, #tpu.memory_space<vmem>>
        %dma_start3A_292 = arith.constant 8 : i32
        %dma_start3A_293 = arith.constant 19200 : i32
        %dma_start3A_294 = tpu.memref_slice %arg4[%add3A, %dma_start3A_292, %dma_start3A_293] : memref<32x32x20000xi32, #tpu.memory_space<hbm>> -> memref<1x8x800xi32, #tpu.memory_space<hbm>>
        %dma_start3A_295 = tpu.memref_squeeze %dma_start3A_294 : memref<1x8x800xi32, #tpu.memory_space<hbm>> -> memref<8x800xi32, #tpu.memory_space<hbm>>
        %dma_start3A_296 = arith.constant 8 : i32
        %dma_start3A_297 = arith.constant 0 : i32
        %dma_start3A_298 = tpu.memref_slice %arg15[%dma_start3A_296, %dma_start3A_297] : memref<32x800xi32, #tpu.memory_space<vmem>> -> memref<8x800xi32, #tpu.memory_space<vmem>>
        %dma_start3A_299 = arith.constant 8 : i32
        %dma_start3A_300 = arith.constant 19200 : i32
        %dma_start3A_301 = tpu.memref_slice %arg4[%add3A, %dma_start3A_299, %dma_start3A_300] : memref<32x32x20000xi32, #tpu.memory_space<hbm>> -> memref<1x8x800xi32, #tpu.memory_space<hbm>>
        %dma_start3A_302 = tpu.memref_squeeze %dma_start3A_301 : memref<1x8x800xi32, #tpu.memory_space<hbm>> -> memref<8x800xi32, #tpu.memory_space<hbm>>
        tpu.enqueue_dma source(%dma_start3A_302 : memref<8x800xi32, #tpu.memory_space<hbm>>) target(%dma_start3A_298 : memref<8x800xi32, #tpu.memory_space<vmem>>) target_semaphore(%arg20 : memref<!tpu.dma_semaphore, #tpu.memory_space<semaphore_mem>>)
        %dma_start3A_303 = arith.constant 16 : i32
        %dma_start3A_304 = arith.constant 0 : i32
        %dma_start3A_305 = tpu.memref_slice %arg15[%dma_start3A_303, %dma_start3A_304] : memref<32x800xi32, #tpu.memory_space<vmem>> -> memref<8x800xi32, #tpu.memory_space<vmem>>
        %dma_start3A_306 = arith.constant 16 : i32
        %dma_start3A_307 = arith.constant 19200 : i32
        %dma_start3A_308 = tpu.memref_slice %arg4[%add3A, %dma_start3A_306, %dma_start3A_307] : memref<32x32x20000xi32, #tpu.memory_space<hbm>> -> memref<1x8x800xi32, #tpu.memory_space<hbm>>
        %dma_start3A_309 = tpu.memref_squeeze %dma_start3A_308 : memref<1x8x800xi32, #tpu.memory_space<hbm>> -> memref<8x800xi32, #tpu.memory_space<hbm>>
        %dma_start3A_310 = arith.constant 16 : i32
        %dma_start3A_311 = arith.constant 0 : i32
        %dma_start3A_312 = tpu.memref_slice %arg15[%dma_start3A_310, %dma_start3A_311] : memref<32x800xi32, #tpu.memory_space<vmem>> -> memref<8x800xi32, #tpu.memory_space<vmem>>
        %dma_start3A_313 = arith.constant 16 : i32
        %dma_start3A_314 = arith.constant 19200 : i32
        %dma_start3A_315 = tpu.memref_slice %arg4[%add3A, %dma_start3A_313, %dma_start3A_314] : memref<32x32x20000xi32, #tpu.memory_space<hbm>> -> memref<1x8x800xi32, #tpu.memory_space<hbm>>
        %dma_start3A_316 = tpu.memref_squeeze %dma_start3A_315 : memref<1x8x800xi32, #tpu.memory_space<hbm>> -> memref<8x800xi32, #tpu.memory_space<hbm>>
        tpu.enqueue_dma source(%dma_start3A_316 : memref<8x800xi32, #tpu.memory_space<hbm>>) target(%dma_start3A_312 : memref<8x800xi32, #tpu.memory_space<vmem>>) target_semaphore(%arg20 : memref<!tpu.dma_semaphore, #tpu.memory_space<semaphore_mem>>)
        %dma_start3A_317 = arith.constant 24 : i32
        %dma_start3A_318 = arith.constant 0 : i32
        %dma_start3A_319 = tpu.memref_slice %arg15[%dma_start3A_317, %dma_start3A_318] : memref<32x800xi32, #tpu.memory_space<vmem>> -> memref<8x800xi32, #tpu.memory_space<vmem>>
        %dma_start3A_320 = arith.constant 24 : i32
        %dma_start3A_321 = arith.constant 19200 : i32
        %dma_start3A_322 = tpu.memref_slice %arg4[%add3A, %dma_start3A_320, %dma_start3A_321] : memref<32x32x20000xi32, #tpu.memory_space<hbm>> -> memref<1x8x800xi32, #tpu.memory_space<hbm>>
        %dma_start3A_323 = tpu.memref_squeeze %dma_start3A_322 : memref<1x8x800xi32, #tpu.memory_space<hbm>> -> memref<8x800xi32, #tpu.memory_space<hbm>>
        %dma_start3A_324 = arith.constant 24 : i32
        %dma_start3A_325 = arith.constant 0 : i32
        %dma_start3A_326 = tpu.memref_slice %arg15[%dma_start3A_324, %dma_start3A_325] : memref<32x800xi32, #tpu.memory_space<vmem>> -> memref<8x800xi32, #tpu.memory_space<vmem>>
        %dma_start3A_327 = arith.constant 24 : i32
        %dma_start3A_328 = arith.constant 19200 : i32
        %dma_start3A_329 = tpu.memref_slice %arg4[%add3A, %dma_start3A_327, %dma_start3A_328] : memref<32x32x20000xi32, #tpu.memory_space<hbm>> -> memref<1x8x800xi32, #tpu.memory_space<hbm>>
        %dma_start3A_330 = tpu.memref_squeeze %dma_start3A_329 : memref<1x8x800xi32, #tpu.memory_space<hbm>> -> memref<8x800xi32, #tpu.memory_space<hbm>>
        tpu.enqueue_dma source(%dma_start3A_330 : memref<8x800xi32, #tpu.memory_space<hbm>>) target(%dma_start3A_326 : memref<8x800xi32, #tpu.memory_space<vmem>>) target_semaphore(%arg20 : memref<!tpu.dma_semaphore, #tpu.memory_space<semaphore_mem>>)
        %dma_start3A_331 = arith.constant 0 : i32
        %dma_start3A_332 = arith.constant 19200 : i32
        %dma_start3A_333 = tpu.memref_slice %arg3[%add3A, %dma_start3A_331, %dma_start3A_332] : memref<32x2x20000xf32, #tpu.memory_space<hbm>> -> memref<1x2x800xf32, #tpu.memory_space<hbm>>
        %dma_start3A_334 = tpu.memref_squeeze %dma_start3A_333 : memref<1x2x800xf32, #tpu.memory_space<hbm>> -> memref<2x800xf32, #tpu.memory_space<hbm>>
        %dma_start3A_335 = arith.constant 0 : i32
        %dma_start3A_336 = arith.constant 19200 : i32
        %dma_start3A_337 = tpu.memref_slice %arg3[%add3A, %dma_start3A_335, %dma_start3A_336] : memref<32x2x20000xf32, #tpu.memory_space<hbm>> -> memref<1x2x800xf32, #tpu.memory_space<hbm>>
        %dma_start3A_338 = tpu.memref_squeeze %dma_start3A_337 : memref<1x2x800xf32, #tpu.memory_space<hbm>> -> memref<2x800xf32, #tpu.memory_space<hbm>>
        tpu.enqueue_dma source(%dma_start3A_338 : memref<2x800xf32, #tpu.memory_space<hbm>>) target(%arg16 : memref<2x800xf32, #tpu.memory_space<vmem>>) target_semaphore(%arg20 : memref<!tpu.dma_semaphore, #tpu.memory_space<semaphore_mem>>)
      } else {
      }
      %mul3A_230 = arith.constant 2 : i32
      %mul3A_231 = arith.muli %mul3A_230, %scan3A_184 : i32
      %add3A_232 = arith.constant 1 : i32
      %add3A_233 = arith.addi %mul3A_231, %add3A_232 : i32
      %mul3A_234 = arith.constant 640 : i32
      %mul3A_235 = arith.muli %add3A_233, %mul3A_234 : i32
      %dma_wait3A_236 = arith.constant 0 : i32
      %dma_wait3A_237 = arith.constant 0 : i32
      %dma_wait3A_238 = arith.constant 0 : i32
      %dma_wait3A_239 = tpu.memref_slice %arg4[%dma_wait3A_236, %dma_wait3A_237, %dma_wait3A_238] : memref<32x32x20000xi32, #tpu.memory_space<hbm>> -> memref<1x32x640xi32, #tpu.memory_space<hbm>>
      %dma_wait3A_240 = tpu.memref_squeeze %dma_wait3A_239 : memref<1x32x640xi32, #tpu.memory_space<hbm>> -> memref<32x640xi32, #tpu.memory_space<hbm>>
      %dma_wait3A_241 = arith.constant 0 : i32
      %dma_wait3A_242 = arith.constant 0 : i32
      %dma_wait3A_243 = tpu.memref_slice %arg4[%dma_wait3A_236, %dma_wait3A_241, %dma_wait3A_242] : memref<32x32x20000xi32, #tpu.memory_space<hbm>> -> memref<1x32x640xi32, #tpu.memory_space<hbm>>
      %dma_wait3A_244 = tpu.memref_squeeze %dma_wait3A_243 : memref<1x32x640xi32, #tpu.memory_space<hbm>> -> memref<32x640xi32, #tpu.memory_space<hbm>>
      tpu.wait_dma2 semaphore(%arg19 : memref<!tpu.dma_semaphore, #tpu.memory_space<semaphore_mem>>) src(%dma_wait3A_244 : memref<32x640xi32, #tpu.memory_space<hbm>>) dst(%arg10 : memref<32x640xi32, #tpu.memory_space<vmem>>)
      %dma_wait3A_245 = arith.constant 0 : i32
      %dma_wait3A_246 = arith.constant 0 : i32
      %dma_wait3A_247 = arith.constant 0 : i32
      %dma_wait3A_248 = tpu.memref_slice %arg3[%dma_wait3A_245, %dma_wait3A_246, %dma_wait3A_247] : memref<32x2x20000xf32, #tpu.memory_space<hbm>> -> memref<1x2x640xf32, #tpu.memory_space<hbm>>
      %dma_wait3A_249 = tpu.memref_squeeze %dma_wait3A_248 : memref<1x2x640xf32, #tpu.memory_space<hbm>> -> memref<2x640xf32, #tpu.memory_space<hbm>>
      %dma_wait3A_250 = arith.constant 0 : i32
      %dma_wait3A_251 = arith.constant 0 : i32
      %dma_wait3A_252 = tpu.memref_slice %arg3[%dma_wait3A_245, %dma_wait3A_250, %dma_wait3A_251] : memref<32x2x20000xf32, #tpu.memory_space<hbm>> -> memref<1x2x640xf32, #tpu.memory_space<hbm>>
      %dma_wait3A_253 = tpu.memref_squeeze %dma_wait3A_252 : memref<1x2x640xf32, #tpu.memory_space<hbm>> -> memref<2x640xf32, #tpu.memory_space<hbm>>
      tpu.wait_dma2 semaphore(%arg19 : memref<!tpu.dma_semaphore, #tpu.memory_space<semaphore_mem>>) src(%dma_wait3A_253 : memref<2x640xf32, #tpu.memory_space<hbm>>) dst(%arg12 : memref<2x640xf32, #tpu.memory_space<vmem>>)
      %gt3A_254 = arith.constant 0 : i32
      %gt3A_255 = arith.cmpi sgt, %scan3A_184, %gt3A_254 : i32
      %convert_element_type3A_256 = arith.extui %gt3A_255 : i1 to i32
      %cond3A_257 = arith.constant 0 : i32
      %cond3A_258 = arith.cmpi ne, %convert_element_type3A_256, %cond3A_257 : i32
      scf.if %cond3A_258 {
        %dma_wait3A_275 = tpu.memref_slice %arg6[%mul3A_13] : memref<640000xf32, #tpu.memory_space<hbm>> -> memref<640xf32, #tpu.memory_space<hbm>>
        %dma_wait3A_276 = tpu.memref_slice %arg6[%mul3A_13] : memref<640000xf32, #tpu.memory_space<hbm>> -> memref<640xf32, #tpu.memory_space<hbm>>
        tpu.wait_dma2 semaphore(%arg22 : memref<!tpu.dma_semaphore, #tpu.memory_space<semaphore_mem>>) src(%arg14 : memref<640xf32, #tpu.memory_space<vmem>>) dst(%dma_wait3A_276 : memref<640xf32, #tpu.memory_space<hbm>>)
      } else {
      }
      %scan3A_259 = arith.constant 0 : i32
      %scan3A_260 = arith.constant 0 : i32
      %scan3A_261 = arith.constant 40 : i32
      %scan3A_262 = arith.addi %scan3A_260, %scan3A_261 : i32
      %scan3A_263 = arith.constant 1 : i32
      scf.for %scan3A_275 = %scan3A_260 to %scan3A_262 step %scan3A_263  : i32 {
        %mul3A_276 = arith.constant 16 : i32
        %mul3A_277 = arith.muli %scan3A_275, %mul3A_276 : i32
        %broadcast_in_dim3A_278 = arith.constant 0.000000e+00 : f32
        %broadcast_in_dim3A_279 = vector.broadcast %broadcast_in_dim3A_278 : f32 to vector<16xf32>
        %broadcast_in_dim3A_280 = arith.constant 0.000000e+00 : f32
        %broadcast_in_dim3A_281 = vector.broadcast %broadcast_in_dim3A_280 : f32 to vector<16xf32>
        %broadcast_in_dim3A_282 = arith.constant 0.000000e+00 : f32
        %broadcast_in_dim3A_283 = vector.broadcast %broadcast_in_dim3A_282 : f32 to vector<16xf32>
        %broadcast_in_dim3A_284 = arith.constant 0.000000e+00 : f32
        %broadcast_in_dim3A_285 = vector.broadcast %broadcast_in_dim3A_284 : f32 to vector<16xf32>
        %broadcast_in_dim3A_286 = arith.constant 0.000000e+00 : f32
        %broadcast_in_dim3A_287 = vector.broadcast %broadcast_in_dim3A_286 : f32 to vector<16xf32>
        %broadcast_in_dim3A_288 = arith.constant 0.000000e+00 : f32
        %broadcast_in_dim3A_289 = vector.broadcast %broadcast_in_dim3A_288 : f32 to vector<16xf32>
        %broadcast_in_dim3A_290 = arith.constant 0.000000e+00 : f32
        %broadcast_in_dim3A_291 = vector.broadcast %broadcast_in_dim3A_290 : f32 to vector<16xf32>
        %broadcast_in_dim3A_292 = arith.constant 0.000000e+00 : f32
        %broadcast_in_dim3A_293 = vector.broadcast %broadcast_in_dim3A_292 : f32 to vector<16xf32>
        %get3A_294 = arith.constant 0 : i32
        %get3A_295 = arith.index_cast %get3A_294 : i32 to index
        %get3A_296 = arith.index_cast %mul3A_277 : i32 to index
        %get3A_297 = tpu.vector_load %arg10[%get3A_295, %get3A_296] {strides = array<i32>} : memref<32x640xi32, #tpu.memory_space<vmem>>, vector<16xi32>,
        %gather3A = tpu.vector_load_idx %arg7[%get3A_297] : memref<20000xi32, #tpu.memory_space<vmem>>[vector<16xi32>], vector<16xi32>,
        %bitcast3A = vector.bitcast %gather3A : vector<16xi32> to vector<32xbf16>
        %unpack3A = tpu.unpack_subelements %bitcast3A, 0 {pack_format = #tpu.pack_format<interleaved>} : vector<32xbf16> -> vector<16xf32>
        %unpack3A_298 = tpu.unpack_subelements %bitcast3A, 1 {pack_format = #tpu.pack_format<interleaved>} : vector<32xbf16> -> vector<16xf32>
        %add3A_299 = arith.addf %broadcast_in_dim3A_279, %unpack3A : vector<16xf32>
        %add3A_300 = arith.addf %broadcast_in_dim3A_287, %unpack3A_298 : vector<16xf32>
        %get3A_301 = arith.constant 1 : i32
        %get3A_302 = arith.index_cast %get3A_301 : i32 to index
        %get3A_303 = arith.index_cast %mul3A_277 : i32 to index
        %get3A_304 = tpu.vector_load %arg10[%get3A_302, %get3A_303] {strides = array<i32>} : memref<32x640xi32, #tpu.memory_space<vmem>>, vector<16xi32>,
        %gather3A_305 = tpu.vector_load_idx %arg7[%get3A_304] : memref<20000xi32, #tpu.memory_space<vmem>>[vector<16xi32>], vector<16xi32>,
        %bitcast3A_306 = vector.bitcast %gather3A_305 : vector<16xi32> to vector<32xbf16>
        %unpack3A_307 = tpu.unpack_subelements %bitcast3A_306, 0 {pack_format = #tpu.pack_format<interleaved>} : vector<32xbf16> -> vector<16xf32>
        %unpack3A_308 = tpu.unpack_subelements %bitcast3A_306, 1 {pack_format = #tpu.pack_format<interleaved>} : vector<32xbf16> -> vector<16xf32>
        %add3A_309 = arith.addf %broadcast_in_dim3A_281, %unpack3A_307 : vector<16xf32>
        %add3A_310 = arith.addf %broadcast_in_dim3A_289, %unpack3A_308 : vector<16xf32>
        %get3A_311 = arith.constant 2 : i32
        %get3A_312 = arith.index_cast %get3A_311 : i32 to index
        %get3A_313 = arith.index_cast %mul3A_277 : i32 to index
        %get3A_314 = tpu.vector_load %arg10[%get3A_312, %get3A_313] {strides = array<i32>} : memref<32x640xi32, #tpu.memory_space<vmem>>, vector<16xi32>,
        %gather3A_315 = tpu.vector_load_idx %arg7[%get3A_314] : memref<20000xi32, #tpu.memory_space<vmem>>[vector<16xi32>], vector<16xi32>,
        %bitcast3A_316 = vector.bitcast %gather3A_315 : vector<16xi32> to vector<32xbf16>
        %unpack3A_317 = tpu.unpack_subelements %bitcast3A_316, 0 {pack_format = #tpu.pack_format<interleaved>} : vector<32xbf16> -> vector<16xf32>
        %unpack3A_318 = tpu.unpack_subelements %bitcast3A_316, 1 {pack_format = #tpu.pack_format<interleaved>} : vector<32xbf16> -> vector<16xf32>
        %add3A_319 = arith.addf %broadcast_in_dim3A_283, %unpack3A_317 : vector<16xf32>
        %add3A_320 = arith.addf %broadcast_in_dim3A_291, %unpack3A_318 : vector<16xf32>
        %get3A_321 = arith.constant 3 : i32
        %get3A_322 = arith.index_cast %get3A_321 : i32 to index
        %get3A_323 = arith.index_cast %mul3A_277 : i32 to index
        %get3A_324 = tpu.vector_load %arg10[%get3A_322, %get3A_323] {strides = array<i32>} : memref<32x640xi32, #tpu.memory_space<vmem>>, vector<16xi32>,
        %gather3A_325 = tpu.vector_load_idx %arg7[%get3A_324] : memref<20000xi32, #tpu.memory_space<vmem>>[vector<16xi32>], vector<16xi32>,
        %bitcast3A_326 = vector.bitcast %gather3A_325 : vector<16xi32> to vector<32xbf16>
        %unpack3A_327 = tpu.unpack_subelements %bitcast3A_326, 0 {pack_format = #tpu.pack_format<interleaved>} : vector<32xbf16> -> vector<16xf32>
        %unpack3A_328 = tpu.unpack_subelements %bitcast3A_326, 1 {pack_format = #tpu.pack_format<interleaved>} : vector<32xbf16> -> vector<16xf32>
        %add3A_329 = arith.addf %broadcast_in_dim3A_285, %unpack3A_327 : vector<16xf32>
        %add3A_330 = arith.addf %broadcast_in_dim3A_293, %unpack3A_328 : vector<16xf32>
        %get3A_331 = arith.constant 4 : i32
        %get3A_332 = arith.index_cast %get3A_331 : i32 to index
        %get3A_333 = arith.index_cast %mul3A_277 : i32 to index
        %get3A_334 = tpu.vector_load %arg10[%get3A_332, %get3A_333] {strides = array<i32>} : memref<32x640xi32, #tpu.memory_space<vmem>>, vector<16xi32>,
        %gather3A_335 = tpu.vector_load_idx %arg7[%get3A_334] : memref<20000xi32, #tpu.memory_space<vmem>>[vector<16xi32>], vector<16xi32>,
        %bitcast3A_336 = vector.bitcast %gather3A_335 : vector<16xi32> to vector<32xbf16>
        %unpack3A_337 = tpu.unpack_subelements %bitcast3A_336, 0 {pack_format = #tpu.pack_format<interleaved>} : vector<32xbf16> -> vector<16xf32>
        %unpack3A_338 = tpu.unpack_subelements %bitcast3A_336, 1 {pack_format = #tpu.pack_format<interleaved>} : vector<32xbf16> -> vector<16xf32>
        %add3A_339 = arith.addf %add3A_299, %unpack3A_337 : vector<16xf32>
        %add3A_340 = arith.addf %add3A_300, %unpack3A_338 : vector<16xf32>
        %get3A_341 = arith.constant 5 : i32
        %get3A_342 = arith.index_cast %get3A_341 : i32 to index
        %get3A_343 = arith.index_cast %mul3A_277 : i32 to index
        %get3A_344 = tpu.vector_load %arg10[%get3A_342, %get3A_343] {strides = array<i32>} : memref<32x640xi32, #tpu.memory_space<vmem>>, vector<16xi32>,
        %gather3A_345 = tpu.vector_load_idx %arg7[%get3A_344] : memref<20000xi32, #tpu.memory_space<vmem>>[vector<16xi32>], vector<16xi32>,
        %bitcast3A_346 = vector.bitcast %gather3A_345 : vector<16xi32> to vector<32xbf16>
        %unpack3A_347 = tpu.unpack_subelements %bitcast3A_346, 0 {pack_format = #tpu.pack_format<interleaved>} : vector<32xbf16> -> vector<16xf32>
        %unpack3A_348 = tpu.unpack_subelements %bitcast3A_346, 1 {pack_format = #tpu.pack_format<interleaved>} : vector<32xbf16> -> vector<16xf32>
        %add3A_349 = arith.addf %add3A_309, %unpack3A_347 : vector<16xf32>
        %add3A_350 = arith.addf %add3A_310, %unpack3A_348 : vector<16xf32>
        %get3A_351 = arith.constant 6 : i32
        %get3A_352 = arith.index_cast %get3A_351 : i32 to index
        %get3A_353 = arith.index_cast %mul3A_277 : i32 to index
        %get3A_354 = tpu.vector_load %arg10[%get3A_352, %get3A_353] {strides = array<i32>} : memref<32x640xi32, #tpu.memory_space<vmem>>, vector<16xi32>,
        %gather3A_355 = tpu.vector_load_idx %arg7[%get3A_354] : memref<20000xi32, #tpu.memory_space<vmem>>[vector<16xi32>], vector<16xi32>,
        %bitcast3A_356 = vector.bitcast %gather3A_355 : vector<16xi32> to vector<32xbf16>
        %unpack3A_357 = tpu.unpack_subelements %bitcast3A_356, 0 {pack_format = #tpu.pack_format<interleaved>} : vector<32xbf16> -> vector<16xf32>
        %unpack3A_358 = tpu.unpack_subelements %bitcast3A_356, 1 {pack_format = #tpu.pack_format<interleaved>} : vector<32xbf16> -> vector<16xf32>
        %add3A_359 = arith.addf %add3A_319, %unpack3A_357 : vector<16xf32>
        %add3A_360 = arith.addf %add3A_320, %unpack3A_358 : vector<16xf32>
        %get3A_361 = arith.constant 7 : i32
        %get3A_362 = arith.index_cast %get3A_361 : i32 to index
        %get3A_363 = arith.index_cast %mul3A_277 : i32 to index
        %get3A_364 = tpu.vector_load %arg10[%get3A_362, %get3A_363] {strides = array<i32>} : memref<32x640xi32, #tpu.memory_space<vmem>>, vector<16xi32>,
        %gather3A_365 = tpu.vector_load_idx %arg7[%get3A_364] : memref<20000xi32, #tpu.memory_space<vmem>>[vector<16xi32>], vector<16xi32>,
        %bitcast3A_366 = vector.bitcast %gather3A_365 : vector<16xi32> to vector<32xbf16>
        %unpack3A_367 = tpu.unpack_subelements %bitcast3A_366, 0 {pack_format = #tpu.pack_format<interleaved>} : vector<32xbf16> -> vector<16xf32>
        %unpack3A_368 = tpu.unpack_subelements %bitcast3A_366, 1 {pack_format = #tpu.pack_format<interleaved>} : vector<32xbf16> -> vector<16xf32>
        %add3A_369 = arith.addf %add3A_329, %unpack3A_367 : vector<16xf32>
        %add3A_370 = arith.addf %add3A_330, %unpack3A_368 : vector<16xf32>
        %get3A_371 = arith.constant 8 : i32
        %get3A_372 = arith.index_cast %get3A_371 : i32 to index
        %get3A_373 = arith.index_cast %mul3A_277 : i32 to index
        %get3A_374 = tpu.vector_load %arg10[%get3A_372, %get3A_373] {strides = array<i32>} : memref<32x640xi32, #tpu.memory_space<vmem>>, vector<16xi32>,
        %gather3A_375 = tpu.vector_load_idx %arg7[%get3A_374] : memref<20000xi32, #tpu.memory_space<vmem>>[vector<16xi32>], vector<16xi32>,
        %bitcast3A_376 = vector.bitcast %gather3A_375 : vector<16xi32> to vector<32xbf16>
        %unpack3A_377 = tpu.unpack_subelements %bitcast3A_376, 0 {pack_format = #tpu.pack_format<interleaved>} : vector<32xbf16> -> vector<16xf32>
        %unpack3A_378 = tpu.unpack_subelements %bitcast3A_376, 1 {pack_format = #tpu.pack_format<interleaved>} : vector<32xbf16> -> vector<16xf32>
        %add3A_379 = arith.addf %add3A_339, %unpack3A_377 : vector<16xf32>
        %add3A_380 = arith.addf %add3A_340, %unpack3A_378 : vector<16xf32>
        %get3A_381 = arith.constant 9 : i32
        %get3A_382 = arith.index_cast %get3A_381 : i32 to index
        %get3A_383 = arith.index_cast %mul3A_277 : i32 to index
        %get3A_384 = tpu.vector_load %arg10[%get3A_382, %get3A_383] {strides = array<i32>} : memref<32x640xi32, #tpu.memory_space<vmem>>, vector<16xi32>,
        %gather3A_385 = tpu.vector_load_idx %arg7[%get3A_384] : memref<20000xi32, #tpu.memory_space<vmem>>[vector<16xi32>], vector<16xi32>,
        %bitcast3A_386 = vector.bitcast %gather3A_385 : vector<16xi32> to vector<32xbf16>
        %unpack3A_387 = tpu.unpack_subelements %bitcast3A_386, 0 {pack_format = #tpu.pack_format<interleaved>} : vector<32xbf16> -> vector<16xf32>
        %unpack3A_388 = tpu.unpack_subelements %bitcast3A_386, 1 {pack_format = #tpu.pack_format<interleaved>} : vector<32xbf16> -> vector<16xf32>
        %add3A_389 = arith.addf %add3A_349, %unpack3A_387 : vector<16xf32>
        %add3A_390 = arith.addf %add3A_350, %unpack3A_388 : vector<16xf32>
        %get3A_391 = arith.constant 10 : i32
        %get3A_392 = arith.index_cast %get3A_391 : i32 to index
        %get3A_393 = arith.index_cast %mul3A_277 : i32 to index
        %get3A_394 = tpu.vector_load %arg10[%get3A_392, %get3A_393] {strides = array<i32>} : memref<32x640xi32, #tpu.memory_space<vmem>>, vector<16xi32>,
        %gather3A_395 = tpu.vector_load_idx %arg7[%get3A_394] : memref<20000xi32, #tpu.memory_space<vmem>>[vector<16xi32>], vector<16xi32>,
        %bitcast3A_396 = vector.bitcast %gather3A_395 : vector<16xi32> to vector<32xbf16>
        %unpack3A_397 = tpu.unpack_subelements %bitcast3A_396, 0 {pack_format = #tpu.pack_format<interleaved>} : vector<32xbf16> -> vector<16xf32>
        %unpack3A_398 = tpu.unpack_subelements %bitcast3A_396, 1 {pack_format = #tpu.pack_format<interleaved>} : vector<32xbf16> -> vector<16xf32>
        %add3A_399 = arith.addf %add3A_359, %unpack3A_397 : vector<16xf32>
        %add3A_400 = arith.addf %add3A_360, %unpack3A_398 : vector<16xf32>
        %get3A_401 = arith.constant 11 : i32
        %get3A_402 = arith.index_cast %get3A_401 : i32 to index
        %get3A_403 = arith.index_cast %mul3A_277 : i32 to index
        %get3A_404 = tpu.vector_load %arg10[%get3A_402, %get3A_403] {strides = array<i32>} : memref<32x640xi32, #tpu.memory_space<vmem>>, vector<16xi32>,
        %gather3A_405 = tpu.vector_load_idx %arg7[%get3A_404] : memref<20000xi32, #tpu.memory_space<vmem>>[vector<16xi32>], vector<16xi32>,
        %bitcast3A_406 = vector.bitcast %gather3A_405 : vector<16xi32> to vector<32xbf16>
        %unpack3A_407 = tpu.unpack_subelements %bitcast3A_406, 0 {pack_format = #tpu.pack_format<interleaved>} : vector<32xbf16> -> vector<16xf32>
        %unpack3A_408 = tpu.unpack_subelements %bitcast3A_406, 1 {pack_format = #tpu.pack_format<interleaved>} : vector<32xbf16> -> vector<16xf32>
        %add3A_409 = arith.addf %add3A_369, %unpack3A_407 : vector<16xf32>
        %add3A_410 = arith.addf %add3A_370, %unpack3A_408 : vector<16xf32>
        %get3A_411 = arith.constant 12 : i32
        %get3A_412 = arith.index_cast %get3A_411 : i32 to index
        %get3A_413 = arith.index_cast %mul3A_277 : i32 to index
        %get3A_414 = tpu.vector_load %arg10[%get3A_412, %get3A_413] {strides = array<i32>} : memref<32x640xi32, #tpu.memory_space<vmem>>, vector<16xi32>,
        %gather3A_415 = tpu.vector_load_idx %arg7[%get3A_414] : memref<20000xi32, #tpu.memory_space<vmem>>[vector<16xi32>], vector<16xi32>,
        %bitcast3A_416 = vector.bitcast %gather3A_415 : vector<16xi32> to vector<32xbf16>
        %unpack3A_417 = tpu.unpack_subelements %bitcast3A_416, 0 {pack_format = #tpu.pack_format<interleaved>} : vector<32xbf16> -> vector<16xf32>
        %unpack3A_418 = tpu.unpack_subelements %bitcast3A_416, 1 {pack_format = #tpu.pack_format<interleaved>} : vector<32xbf16> -> vector<16xf32>
        %add3A_419 = arith.addf %add3A_379, %unpack3A_417 : vector<16xf32>
        %add3A_420 = arith.addf %add3A_380, %unpack3A_418 : vector<16xf32>
        %get3A_421 = arith.constant 13 : i32
        %get3A_422 = arith.index_cast %get3A_421 : i32 to index
        %get3A_423 = arith.index_cast %mul3A_277 : i32 to index
        %get3A_424 = tpu.vector_load %arg10[%get3A_422, %get3A_423] {strides = array<i32>} : memref<32x640xi32, #tpu.memory_space<vmem>>, vector<16xi32>,
        %gather3A_425 = tpu.vector_load_idx %arg7[%get3A_424] : memref<20000xi32, #tpu.memory_space<vmem>>[vector<16xi32>], vector<16xi32>,
        %bitcast3A_426 = vector.bitcast %gather3A_425 : vector<16xi32> to vector<32xbf16>
        %unpack3A_427 = tpu.unpack_subelements %bitcast3A_426, 0 {pack_format = #tpu.pack_format<interleaved>} : vector<32xbf16> -> vector<16xf32>
        %unpack3A_428 = tpu.unpack_subelements %bitcast3A_426, 1 {pack_format = #tpu.pack_format<interleaved>} : vector<32xbf16> -> vector<16xf32>
        %add3A_429 = arith.addf %add3A_389, %unpack3A_427 : vector<16xf32>
        %add3A_430 = arith.addf %add3A_390, %unpack3A_428 : vector<16xf32>
        %get3A_431 = arith.constant 14 : i32
        %get3A_432 = arith.index_cast %get3A_431 : i32 to index
        %get3A_433 = arith.index_cast %mul3A_277 : i32 to index
        %get3A_434 = tpu.vector_load %arg10[%get3A_432, %get3A_433] {strides = array<i32>} : memref<32x640xi32, #tpu.memory_space<vmem>>, vector<16xi32>,
        %gather3A_435 = tpu.vector_load_idx %arg7[%get3A_434] : memref<20000xi32, #tpu.memory_space<vmem>>[vector<16xi32>], vector<16xi32>,
        %bitcast3A_436 = vector.bitcast %gather3A_435 : vector<16xi32> to vector<32xbf16>
        %unpack3A_437 = tpu.unpack_subelements %bitcast3A_436, 0 {pack_format = #tpu.pack_format<interleaved>} : vector<32xbf16> -> vector<16xf32>
        %unpack3A_438 = tpu.unpack_subelements %bitcast3A_436, 1 {pack_format = #tpu.pack_format<interleaved>} : vector<32xbf16> -> vector<16xf32>
        %add3A_439 = arith.addf %add3A_399, %unpack3A_437 : vector<16xf32>
        %add3A_440 = arith.addf %add3A_400, %unpack3A_438 : vector<16xf32>
        %get3A_441 = arith.constant 15 : i32
        %get3A_442 = arith.index_cast %get3A_441 : i32 to index
        %get3A_443 = arith.index_cast %mul3A_277 : i32 to index
        %get3A_444 = tpu.vector_load %arg10[%get3A_442, %get3A_443] {strides = array<i32>} : memref<32x640xi32, #tpu.memory_space<vmem>>, vector<16xi32>,
        %gather3A_445 = tpu.vector_load_idx %arg7[%get3A_444] : memref<20000xi32, #tpu.memory_space<vmem>>[vector<16xi32>], vector<16xi32>,
        %bitcast3A_446 = vector.bitcast %gather3A_445 : vector<16xi32> to vector<32xbf16>
        %unpack3A_447 = tpu.unpack_subelements %bitcast3A_446, 0 {pack_format = #tpu.pack_format<interleaved>} : vector<32xbf16> -> vector<16xf32>
        %unpack3A_448 = tpu.unpack_subelements %bitcast3A_446, 1 {pack_format = #tpu.pack_format<interleaved>} : vector<32xbf16> -> vector<16xf32>
        %add3A_449 = arith.addf %add3A_409, %unpack3A_447 : vector<16xf32>
        %add3A_450 = arith.addf %add3A_410, %unpack3A_448 : vector<16xf32>
        %get3A_451 = arith.constant 16 : i32
        %get3A_452 = arith.index_cast %get3A_451 : i32 to index
        %get3A_453 = arith.index_cast %mul3A_277 : i32 to index
        %get3A_454 = tpu.vector_load %arg10[%get3A_452, %get3A_453] {strides = array<i32>} : memref<32x640xi32, #tpu.memory_space<vmem>>, vector<16xi32>,
        %gather3A_455 = tpu.vector_load_idx %arg7[%get3A_454] : memref<20000xi32, #tpu.memory_space<vmem>>[vector<16xi32>], vector<16xi32>,
        %bitcast3A_456 = vector.bitcast %gather3A_455 : vector<16xi32> to vector<32xbf16>
        %unpack3A_457 = tpu.unpack_subelements %bitcast3A_456, 0 {pack_format = #tpu.pack_format<interleaved>} : vector<32xbf16> -> vector<16xf32>
        %unpack3A_458 = tpu.unpack_subelements %bitcast3A_456, 1 {pack_format = #tpu.pack_format<interleaved>} : vector<32xbf16> -> vector<16xf32>
        %add3A_459 = arith.addf %add3A_419, %unpack3A_457 : vector<16xf32>
        %add3A_460 = arith.addf %add3A_420, %unpack3A_458 : vector<16xf32>
        %get3A_461 = arith.constant 17 : i32
        %get3A_462 = arith.index_cast %get3A_461 : i32 to index
        %get3A_463 = arith.index_cast %mul3A_277 : i32 to index
        %get3A_464 = tpu.vector_load %arg10[%get3A_462, %get3A_463] {strides = array<i32>} : memref<32x640xi32, #tpu.memory_space<vmem>>, vector<16xi32>,
        %gather3A_465 = tpu.vector_load_idx %arg7[%get3A_464] : memref<20000xi32, #tpu.memory_space<vmem>>[vector<16xi32>], vector<16xi32>,
        %bitcast3A_466 = vector.bitcast %gather3A_465 : vector<16xi32> to vector<32xbf16>
        %unpack3A_467 = tpu.unpack_subelements %bitcast3A_466, 0 {pack_format = #tpu.pack_format<interleaved>} : vector<32xbf16> -> vector<16xf32>
        %unpack3A_468 = tpu.unpack_subelements %bitcast3A_466, 1 {pack_format = #tpu.pack_format<interleaved>} : vector<32xbf16> -> vector<16xf32>
        %add3A_469 = arith.addf %add3A_429, %unpack3A_467 : vector<16xf32>
        %add3A_470 = arith.addf %add3A_430, %unpack3A_468 : vector<16xf32>
        %get3A_471 = arith.constant 18 : i32
        %get3A_472 = arith.index_cast %get3A_471 : i32 to index
        %get3A_473 = arith.index_cast %mul3A_277 : i32 to index
        %get3A_474 = tpu.vector_load %arg10[%get3A_472, %get3A_473] {strides = array<i32>} : memref<32x640xi32, #tpu.memory_space<vmem>>, vector<16xi32>,
        %gather3A_475 = tpu.vector_load_idx %arg7[%get3A_474] : memref<20000xi32, #tpu.memory_space<vmem>>[vector<16xi32>], vector<16xi32>,
        %bitcast3A_476 = vector.bitcast %gather3A_475 : vector<16xi32> to vector<32xbf16>
        %unpack3A_477 = tpu.unpack_subelements %bitcast3A_476, 0 {pack_format = #tpu.pack_format<interleaved>} : vector<32xbf16> -> vector<16xf32>
        %unpack3A_478 = tpu.unpack_subelements %bitcast3A_476, 1 {pack_format = #tpu.pack_format<interleaved>} : vector<32xbf16> -> vector<16xf32>
        %add3A_479 = arith.addf %add3A_439, %unpack3A_477 : vector<16xf32>
        %add3A_480 = arith.addf %add3A_440, %unpack3A_478 : vector<16xf32>
        %get3A_481 = arith.constant 19 : i32
        %get3A_482 = arith.index_cast %get3A_481 : i32 to index
        %get3A_483 = arith.index_cast %mul3A_277 : i32 to index
        %get3A_484 = tpu.vector_load %arg10[%get3A_482, %get3A_483] {strides = array<i32>} : memref<32x640xi32, #tpu.memory_space<vmem>>, vector<16xi32>,
        %gather3A_485 = tpu.vector_load_idx %arg7[%get3A_484] : memref<20000xi32, #tpu.memory_space<vmem>>[vector<16xi32>], vector<16xi32>,
        %bitcast3A_486 = vector.bitcast %gather3A_485 : vector<16xi32> to vector<32xbf16>
        %unpack3A_487 = tpu.unpack_subelements %bitcast3A_486, 0 {pack_format = #tpu.pack_format<interleaved>} : vector<32xbf16> -> vector<16xf32>
        %unpack3A_488 = tpu.unpack_subelements %bitcast3A_486, 1 {pack_format = #tpu.pack_format<interleaved>} : vector<32xbf16> -> vector<16xf32>
        %add3A_489 = arith.addf %add3A_449, %unpack3A_487 : vector<16xf32>
        %add3A_490 = arith.addf %add3A_450, %unpack3A_488 : vector<16xf32>
        %get3A_491 = arith.constant 20 : i32
        %get3A_492 = arith.index_cast %get3A_491 : i32 to index
        %get3A_493 = arith.index_cast %mul3A_277 : i32 to index
        %get3A_494 = tpu.vector_load %arg10[%get3A_492, %get3A_493] {strides = array<i32>} : memref<32x640xi32, #tpu.memory_space<vmem>>, vector<16xi32>,
        %gather3A_495 = tpu.vector_load_idx %arg7[%get3A_494] : memref<20000xi32, #tpu.memory_space<vmem>>[vector<16xi32>], vector<16xi32>,
        %bitcast3A_496 = vector.bitcast %gather3A_495 : vector<16xi32> to vector<32xbf16>
        %unpack3A_497 = tpu.unpack_subelements %bitcast3A_496, 0 {pack_format = #tpu.pack_format<interleaved>} : vector<32xbf16> -> vector<16xf32>
        %unpack3A_498 = tpu.unpack_subelements %bitcast3A_496, 1 {pack_format = #tpu.pack_format<interleaved>} : vector<32xbf16> -> vector<16xf32>
        %add3A_499 = arith.addf %add3A_459, %unpack3A_497 : vector<16xf32>
        %add3A_500 = arith.addf %add3A_460, %unpack3A_498 : vector<16xf32>
        %get3A_501 = arith.constant 21 : i32
        %get3A_502 = arith.index_cast %get3A_501 : i32 to index
        %get3A_503 = arith.index_cast %mul3A_277 : i32 to index
        %get3A_504 = tpu.vector_load %arg10[%get3A_502, %get3A_503] {strides = array<i32>} : memref<32x640xi32, #tpu.memory_space<vmem>>, vector<16xi32>,
        %gather3A_505 = tpu.vector_load_idx %arg7[%get3A_504] : memref<20000xi32, #tpu.memory_space<vmem>>[vector<16xi32>], vector<16xi32>,
        %bitcast3A_506 = vector.bitcast %gather3A_505 : vector<16xi32> to vector<32xbf16>
        %unpack3A_507 = tpu.unpack_subelements %bitcast3A_506, 0 {pack_format = #tpu.pack_format<interleaved>} : vector<32xbf16> -> vector<16xf32>
        %unpack3A_508 = tpu.unpack_subelements %bitcast3A_506, 1 {pack_format = #tpu.pack_format<interleaved>} : vector<32xbf16> -> vector<16xf32>
        %add3A_509 = arith.addf %add3A_469, %unpack3A_507 : vector<16xf32>
        %add3A_510 = arith.addf %add3A_470, %unpack3A_508 : vector<16xf32>
        %get3A_511 = arith.constant 22 : i32
        %get3A_512 = arith.index_cast %get3A_511 : i32 to index
        %get3A_513 = arith.index_cast %mul3A_277 : i32 to index
        %get3A_514 = tpu.vector_load %arg10[%get3A_512, %get3A_513] {strides = array<i32>} : memref<32x640xi32, #tpu.memory_space<vmem>>, vector<16xi32>,
        %gather3A_515 = tpu.vector_load_idx %arg7[%get3A_514] : memref<20000xi32, #tpu.memory_space<vmem>>[vector<16xi32>], vector<16xi32>,
        %bitcast3A_516 = vector.bitcast %gather3A_515 : vector<16xi32> to vector<32xbf16>
        %unpack3A_517 = tpu.unpack_subelements %bitcast3A_516, 0 {pack_format = #tpu.pack_format<interleaved>} : vector<32xbf16> -> vector<16xf32>
        %unpack3A_518 = tpu.unpack_subelements %bitcast3A_516, 1 {pack_format = #tpu.pack_format<interleaved>} : vector<32xbf16> -> vector<16xf32>
        %add3A_519 = arith.addf %add3A_479, %unpack3A_517 : vector<16xf32>
        %add3A_520 = arith.addf %add3A_480, %unpack3A_518 : vector<16xf32>
        %get3A_521 = arith.constant 23 : i32
        %get3A_522 = arith.index_cast %get3A_521 : i32 to index
        %get3A_523 = arith.index_cast %mul3A_277 : i32 to index
        %get3A_524 = tpu.vector_load %arg10[%get3A_522, %get3A_523] {strides = array<i32>} : memref<32x640xi32, #tpu.memory_space<vmem>>, vector<16xi32>,
        %gather3A_525 = tpu.vector_load_idx %arg7[%get3A_524] : memref<20000xi32, #tpu.memory_space<vmem>>[vector<16xi32>], vector<16xi32>,
        %bitcast3A_526 = vector.bitcast %gather3A_525 : vector<16xi32> to vector<32xbf16>
        %unpack3A_527 = tpu.unpack_subelements %bitcast3A_526, 0 {pack_format = #tpu.pack_format<interleaved>} : vector<32xbf16> -> vector<16xf32>
        %unpack3A_528 = tpu.unpack_subelements %bitcast3A_526, 1 {pack_format = #tpu.pack_format<interleaved>} : vector<32xbf16> -> vector<16xf32>
        %add3A_529 = arith.addf %add3A_489, %unpack3A_527 : vector<16xf32>
        %add3A_530 = arith.addf %add3A_490, %unpack3A_528 : vector<16xf32>
        %get3A_531 = arith.constant 24 : i32
        %get3A_532 = arith.index_cast %get3A_531 : i32 to index
        %get3A_533 = arith.index_cast %mul3A_277 : i32 to index
        %get3A_534 = tpu.vector_load %arg10[%get3A_532, %get3A_533] {strides = array<i32>} : memref<32x640xi32, #tpu.memory_space<vmem>>, vector<16xi32>,
        %gather3A_535 = tpu.vector_load_idx %arg7[%get3A_534] : memref<20000xi32, #tpu.memory_space<vmem>>[vector<16xi32>], vector<16xi32>,
        %bitcast3A_536 = vector.bitcast %gather3A_535 : vector<16xi32> to vector<32xbf16>
        %unpack3A_537 = tpu.unpack_subelements %bitcast3A_536, 0 {pack_format = #tpu.pack_format<interleaved>} : vector<32xbf16> -> vector<16xf32>
        %unpack3A_538 = tpu.unpack_subelements %bitcast3A_536, 1 {pack_format = #tpu.pack_format<interleaved>} : vector<32xbf16> -> vector<16xf32>
        %add3A_539 = arith.addf %add3A_499, %unpack3A_537 : vector<16xf32>
        %add3A_540 = arith.addf %add3A_500, %unpack3A_538 : vector<16xf32>
        %get3A_541 = arith.constant 25 : i32
        %get3A_542 = arith.index_cast %get3A_541 : i32 to index
        %get3A_543 = arith.index_cast %mul3A_277 : i32 to index
        %get3A_544 = tpu.vector_load %arg10[%get3A_542, %get3A_543] {strides = array<i32>} : memref<32x640xi32, #tpu.memory_space<vmem>>, vector<16xi32>,
        %gather3A_545 = tpu.vector_load_idx %arg7[%get3A_544] : memref<20000xi32, #tpu.memory_space<vmem>>[vector<16xi32>], vector<16xi32>,
        %bitcast3A_546 = vector.bitcast %gather3A_545 : vector<16xi32> to vector<32xbf16>
        %unpack3A_547 = tpu.unpack_subelements %bitcast3A_546, 0 {pack_format = #tpu.pack_format<interleaved>} : vector<32xbf16> -> vector<16xf32>
        %unpack3A_548 = tpu.unpack_subelements %bitcast3A_546, 1 {pack_format = #tpu.pack_format<interleaved>} : vector<32xbf16> -> vector<16xf32>
        %add3A_549 = arith.addf %add3A_509, %unpack3A_547 : vector<16xf32>
        %add3A_550 = arith.addf %add3A_510, %unpack3A_548 : vector<16xf32>
        %get3A_551 = arith.constant 26 : i32
        %get3A_552 = arith.index_cast %get3A_551 : i32 to index
        %get3A_553 = arith.index_cast %mul3A_277 : i32 to index
        %get3A_554 = tpu.vector_load %arg10[%get3A_552, %get3A_553] {strides = array<i32>} : memref<32x640xi32, #tpu.memory_space<vmem>>, vector<16xi32>,
        %gather3A_555 = tpu.vector_load_idx %arg7[%get3A_554] : memref<20000xi32, #tpu.memory_space<vmem>>[vector<16xi32>], vector<16xi32>,
        %bitcast3A_556 = vector.bitcast %gather3A_555 : vector<16xi32> to vector<32xbf16>
        %unpack3A_557 = tpu.unpack_subelements %bitcast3A_556, 0 {pack_format = #tpu.pack_format<interleaved>} : vector<32xbf16> -> vector<16xf32>
        %unpack3A_558 = tpu.unpack_subelements %bitcast3A_556, 1 {pack_format = #tpu.pack_format<interleaved>} : vector<32xbf16> -> vector<16xf32>
        %add3A_559 = arith.addf %add3A_519, %unpack3A_557 : vector<16xf32>
        %add3A_560 = arith.addf %add3A_520, %unpack3A_558 : vector<16xf32>
        %get3A_561 = arith.constant 27 : i32
        %get3A_562 = arith.index_cast %get3A_561 : i32 to index
        %get3A_563 = arith.index_cast %mul3A_277 : i32 to index
        %get3A_564 = tpu.vector_load %arg10[%get3A_562, %get3A_563] {strides = array<i32>} : memref<32x640xi32, #tpu.memory_space<vmem>>, vector<16xi32>,
        %gather3A_565 = tpu.vector_load_idx %arg7[%get3A_564] : memref<20000xi32, #tpu.memory_space<vmem>>[vector<16xi32>], vector<16xi32>,
        %bitcast3A_566 = vector.bitcast %gather3A_565 : vector<16xi32> to vector<32xbf16>
        %unpack3A_567 = tpu.unpack_subelements %bitcast3A_566, 0 {pack_format = #tpu.pack_format<interleaved>} : vector<32xbf16> -> vector<16xf32>
        %unpack3A_568 = tpu.unpack_subelements %bitcast3A_566, 1 {pack_format = #tpu.pack_format<interleaved>} : vector<32xbf16> -> vector<16xf32>
        %add3A_569 = arith.addf %add3A_529, %unpack3A_567 : vector<16xf32>
        %add3A_570 = arith.addf %add3A_530, %unpack3A_568 : vector<16xf32>
        %get3A_571 = arith.constant 28 : i32
        %get3A_572 = arith.index_cast %get3A_571 : i32 to index
        %get3A_573 = arith.index_cast %mul3A_277 : i32 to index
        %get3A_574 = tpu.vector_load %arg10[%get3A_572, %get3A_573] {strides = array<i32>} : memref<32x640xi32, #tpu.memory_space<vmem>>, vector<16xi32>,
        %gather3A_575 = tpu.vector_load_idx %arg7[%get3A_574] : memref<20000xi32, #tpu.memory_space<vmem>>[vector<16xi32>], vector<16xi32>,
        %bitcast3A_576 = vector.bitcast %gather3A_575 : vector<16xi32> to vector<32xbf16>
        %unpack3A_577 = tpu.unpack_subelements %bitcast3A_576, 0 {pack_format = #tpu.pack_format<interleaved>} : vector<32xbf16> -> vector<16xf32>
        %unpack3A_578 = tpu.unpack_subelements %bitcast3A_576, 1 {pack_format = #tpu.pack_format<interleaved>} : vector<32xbf16> -> vector<16xf32>
        %add3A_579 = arith.addf %add3A_539, %unpack3A_577 : vector<16xf32>
        %add3A_580 = arith.addf %add3A_540, %unpack3A_578 : vector<16xf32>
        %get3A_581 = arith.constant 29 : i32
        %get3A_582 = arith.index_cast %get3A_581 : i32 to index
        %get3A_583 = arith.index_cast %mul3A_277 : i32 to index
        %get3A_584 = tpu.vector_load %arg10[%get3A_582, %get3A_583] {strides = array<i32>} : memref<32x640xi32, #tpu.memory_space<vmem>>, vector<16xi32>,
        %gather3A_585 = tpu.vector_load_idx %arg7[%get3A_584] : memref<20000xi32, #tpu.memory_space<vmem>>[vector<16xi32>], vector<16xi32>,
        %bitcast3A_586 = vector.bitcast %gather3A_585 : vector<16xi32> to vector<32xbf16>
        %unpack3A_587 = tpu.unpack_subelements %bitcast3A_586, 0 {pack_format = #tpu.pack_format<interleaved>} : vector<32xbf16> -> vector<16xf32>
        %unpack3A_588 = tpu.unpack_subelements %bitcast3A_586, 1 {pack_format = #tpu.pack_format<interleaved>} : vector<32xbf16> -> vector<16xf32>
        %add3A_589 = arith.addf %add3A_549, %unpack3A_587 : vector<16xf32>
        %add3A_590 = arith.addf %add3A_550, %unpack3A_588 : vector<16xf32>
        %get3A_591 = arith.constant 30 : i32
        %get3A_592 = arith.index_cast %get3A_591 : i32 to index
        %get3A_593 = arith.index_cast %mul3A_277 : i32 to index
        %get3A_594 = tpu.vector_load %arg10[%get3A_592, %get3A_593] {strides = array<i32>} : memref<32x640xi32, #tpu.memory_space<vmem>>, vector<16xi32>,
        %gather3A_595 = tpu.vector_load_idx %arg7[%get3A_594] : memref<20000xi32, #tpu.memory_space<vmem>>[vector<16xi32>], vector<16xi32>,
        %bitcast3A_596 = vector.bitcast %gather3A_595 : vector<16xi32> to vector<32xbf16>
        %unpack3A_597 = tpu.unpack_subelements %bitcast3A_596, 0 {pack_format = #tpu.pack_format<interleaved>} : vector<32xbf16> -> vector<16xf32>
        %unpack3A_598 = tpu.unpack_subelements %bitcast3A_596, 1 {pack_format = #tpu.pack_format<interleaved>} : vector<32xbf16> -> vector<16xf32>
        %add3A_599 = arith.addf %add3A_559, %unpack3A_597 : vector<16xf32>
        %add3A_600 = arith.addf %add3A_560, %unpack3A_598 : vector<16xf32>
        %get3A_601 = arith.constant 31 : i32
        %get3A_602 = arith.index_cast %get3A_601 : i32 to index
        %get3A_603 = arith.index_cast %mul3A_277 : i32 to index
        %get3A_604 = tpu.vector_load %arg10[%get3A_602, %get3A_603] {strides = array<i32>} : memref<32x640xi32, #tpu.memory_space<vmem>>, vector<16xi32>,
        %gather3A_605 = tpu.vector_load_idx %arg7[%get3A_604] : memref<20000xi32, #tpu.memory_space<vmem>>[vector<16xi32>], vector<16xi32>,
        %bitcast3A_606 = vector.bitcast %gather3A_605 : vector<16xi32> to vector<32xbf16>
        %unpack3A_607 = tpu.unpack_subelements %bitcast3A_606, 0 {pack_format = #tpu.pack_format<interleaved>} : vector<32xbf16> -> vector<16xf32>
        %unpack3A_608 = tpu.unpack_subelements %bitcast3A_606, 1 {pack_format = #tpu.pack_format<interleaved>} : vector<32xbf16> -> vector<16xf32>
        %add3A_609 = arith.addf %add3A_569, %unpack3A_607 : vector<16xf32>
        %add3A_610 = arith.addf %add3A_570, %unpack3A_608 : vector<16xf32>
        %add3A_611 = arith.addf %add3A_579, %add3A_589 : vector<16xf32>
        %add3A_612 = arith.addf %add3A_599, %add3A_609 : vector<16xf32>
        %add3A_613 = arith.addf %add3A_611, %add3A_612 : vector<16xf32>
        %add3A_614 = arith.addf %add3A_580, %add3A_590 : vector<16xf32>
        %add3A_615 = arith.addf %add3A_600, %add3A_610 : vector<16xf32>
        %add3A_616 = arith.addf %add3A_614, %add3A_615 : vector<16xf32>
        %add3A_617 = arith.addi %mul3A_235, %mul3A_277 : i32
        %get3A_618 = arith.index_cast %add3A_617 : i32 to index
        %get3A_619 = tpu.vector_load %arg7[%get3A_618] {strides = array<i32>} : memref<20000xi32, #tpu.memory_space<vmem>>, vector<16xi32>,
        %bitcast3A_620 = vector.bitcast %get3A_619 : vector<16xi32> to vector<32xbf16>
        %unpack3A_621 = tpu.unpack_subelements %bitcast3A_620, 0 {pack_format = #tpu.pack_format<interleaved>} : vector<32xbf16> -> vector<16xf32>
        %unpack3A_622 = tpu.unpack_subelements %bitcast3A_620, 1 {pack_format = #tpu.pack_format<interleaved>} : vector<32xbf16> -> vector<16xf32>
        %mul3A_623 = vector.broadcast %squeeze3A_5 : f32 to vector<16xf32>
        %mul3A_624 = arith.mulf %mul3A_623, %add3A_613 : vector<16xf32>
        %add3A_625 = vector.broadcast %squeeze3A : f32 to vector<16xf32>
        %add3A_626 = arith.addf %add3A_625, %mul3A_624 : vector<16xf32>
        %mul3A_627 = arith.mulf %unpack3A_621, %add3A_626 : vector<16xf32>
        %mul3A_628 = vector.broadcast %squeeze3A_5 : f32 to vector<16xf32>
        %mul3A_629 = arith.mulf %mul3A_628, %add3A_616 : vector<16xf32>
        %add3A_630 = vector.broadcast %squeeze3A_3 : f32 to vector<16xf32>
        %add3A_631 = arith.addf %add3A_630, %mul3A_629 : vector<16xf32>
        %mul3A_632 = arith.mulf %unpack3A_622, %add3A_631 : vector<16xf32>
        %add3A_633 = arith.addf %mul3A_627, %mul3A_632 : vector<16xf32>
        %get3A_634 = arith.constant 0 : i32
        %get3A_635 = arith.index_cast %get3A_634 : i32 to index
        %get3A_636 = arith.index_cast %mul3A_277 : i32 to index
        %get3A_637 = tpu.vector_load %arg12[%get3A_635, %get3A_636] {strides = array<i32>} : memref<2x640xf32, #tpu.memory_space<vmem>>, vector<16xf32>,
        %sub3A = vector.broadcast %squeeze3A_9 : f32 to vector<16xf32>
        %sub3A_638 = arith.subf %get3A_637, %sub3A : vector<16xf32>
        %get3A_639 = arith.constant 1 : i32
        %get3A_640 = arith.index_cast %get3A_639 : i32 to index
        %get3A_641 = arith.index_cast %mul3A_277 : i32 to index
        %get3A_642 = tpu.vector_load %arg12[%get3A_640, %get3A_641] {strides = array<i32>} : memref<2x640xf32, #tpu.memory_space<vmem>>, vector<16xf32>,
        %sub3A_643 = vector.broadcast %squeeze3A_11 : f32 to vector<16xf32>
        %sub3A_644 = arith.subf %get3A_642, %sub3A_643 : vector<16xf32>
        %mul3A_645 = arith.mulf %sub3A_638, %sub3A_638 : vector<16xf32>
        %mul3A_646 = arith.mulf %sub3A_644, %sub3A_644 : vector<16xf32>
        %add3A_647 = arith.addf %mul3A_645, %mul3A_646 : vector<16xf32>
        %max3A = arith.constant 9.99999996E-13 : f32
        %max3A_648 = vector.broadcast %max3A : f32 to vector<16xf32>
        %max3A_649 = arith.maximumf %add3A_647, %max3A_648 : vector<16xf32>
        %bitcast3A_650 = vector.bitcast %max3A_649 : vector<16xf32> to vector<16xi32>
        %shift_right_logical3A = arith.constant 1 : i32
        %shift_right_logical3A_651 = vector.broadcast %shift_right_logical3A : i32 to vector<16xi32>
        %shift_right_logical3A_652 = arith.shrui %bitcast3A_650, %shift_right_logical3A_651 : vector<16xi32>
        %sub3A_653 = arith.constant 1597463007 : i32
        %sub3A_654 = vector.broadcast %sub3A_653 : i32 to vector<16xi32>
        %sub3A_655 = arith.subi %sub3A_654, %shift_right_logical3A_652 : vector<16xi32>
        %bitcast3A_656 = vector.bitcast %sub3A_655 : vector<16xi32> to vector<16xf32>
        %mul3A_657 = arith.constant 5.000000e-01 : f32
        %mul3A_658 = vector.broadcast %mul3A_657 : f32 to vector<16xf32>
        %mul3A_659 = arith.mulf %mul3A_658, %max3A_649 : vector<16xf32>
        %mul3A_660 = arith.mulf %mul3A_659, %bitcast3A_656 : vector<16xf32>
        %mul3A_661 = arith.mulf %mul3A_660, %bitcast3A_656 : vector<16xf32>
        %sub3A_662 = arith.constant 1.500000e+00 : f32
        %sub3A_663 = vector.broadcast %sub3A_662 : f32 to vector<16xf32>
        %sub3A_664 = arith.subf %sub3A_663, %mul3A_661 : vector<16xf32>
        %mul3A_665 = arith.mulf %bitcast3A_656, %sub3A_664 : vector<16xf32>
        %mul3A_666 = arith.mulf %mul3A_659, %mul3A_665 : vector<16xf32>
        %mul3A_667 = arith.mulf %mul3A_666, %mul3A_665 : vector<16xf32>
        %sub3A_668 = arith.constant 1.500000e+00 : f32
        %sub3A_669 = vector.broadcast %sub3A_668 : f32 to vector<16xf32>
        %sub3A_670 = arith.subf %sub3A_669, %mul3A_667 : vector<16xf32>
        %mul3A_671 = arith.mulf %mul3A_665, %sub3A_670 : vector<16xf32>
        %mul3A_672 = arith.mulf %mul3A_659, %mul3A_671 : vector<16xf32>
        %mul3A_673 = arith.mulf %mul3A_672, %mul3A_671 : vector<16xf32>
        %sub3A_674 = arith.constant 1.500000e+00 : f32
        %sub3A_675 = vector.broadcast %sub3A_674 : f32 to vector<16xf32>
        %sub3A_676 = arith.subf %sub3A_675, %mul3A_673 : vector<16xf32>
        %mul3A_677 = arith.mulf %mul3A_671, %sub3A_676 : vector<16xf32>
        %mul3A_678 = arith.mulf %max3A_649, %mul3A_677 : vector<16xf32>
        %mul3A_679 = vector.broadcast %squeeze3A_7 : f32 to vector<16xf32>
        %mul3A_680 = arith.mulf %mul3A_679, %mul3A_678 : vector<16xf32>
        %sub3A_681 = arith.subf %add3A_633, %mul3A_680 : vector<16xf32>
        %swap3A = arith.index_cast %mul3A_277 : i32 to index
        %swap3A_682 = tpu.vector_load %arg14[%swap3A] {strides = array<i32>} : memref<640xf32, #tpu.memory_space<vmem>>, vector<16xf32>,
        tpu.vector_store %arg14[%swap3A], %sub3A_681 {strides = array<i32>} : memref<640xf32, #tpu.memory_space<vmem>>, vector<16xf32>,
      }
      %scan3A_264 = arith.constant 40 : i32
      %add3A_265 = arith.addi %mul3A_13, %mul3A_235 : i32
      %dma_start3A_266 = tpu.memref_slice %arg6[%add3A_265] : memref<640000xf32, #tpu.memory_space<hbm>> -> memref<640xf32, #tpu.memory_space<hbm>>
      %dma_start3A_267 = tpu.memref_slice %arg6[%add3A_265] : memref<640000xf32, #tpu.memory_space<hbm>> -> memref<640xf32, #tpu.memory_space<hbm>>
      tpu.enqueue_dma source(%arg14 : memref<640xf32, #tpu.memory_space<vmem>>) target(%dma_start3A_267 : memref<640xf32, #tpu.memory_space<hbm>>) target_semaphore(%arg22 : memref<!tpu.dma_semaphore, #tpu.memory_space<semaphore_mem>>)
      %add3A_268 = arith.constant 2 : i32
      %add3A_269 = arith.addi %add3A_233, %add3A_268 : i32
      %lt3A_270 = arith.constant 30 : i32
      %lt3A_271 = arith.cmpi slt, %add3A_269, %lt3A_270 : i32
      %convert_element_type3A_272 = arith.extui %lt3A_271 : i1 to i32
      %cond3A_273 = arith.constant 0 : i32
      %cond3A_274 = arith.cmpi ne, %convert_element_type3A_272, %cond3A_273 : i32
      scf.if %cond3A_274 {
        %add3A_275 = arith.constant 2 : i32
        %add3A_276 = arith.addi %add3A_233, %add3A_275 : i32
        %mul3A_277 = arith.constant 640 : i32
        %mul3A_278 = arith.muli %add3A_276, %mul3A_277 : i32
        %dma_start3A_279 = arith.constant 0 : i32
        %dma_start3A_280 = arith.constant 0 : i32
        %dma_start3A_281 = tpu.memref_slice %arg10[%dma_start3A_279, %dma_start3A_280] : memref<32x640xi32, #tpu.memory_space<vmem>> -> memref<8x640xi32, #tpu.memory_space<vmem>>
        %dma_start3A_282 = arith.constant 0 : i32
        %dma_start3A_283 = tpu.memref_slice %arg4[%add3A, %dma_start3A_282, %mul3A_278] : memref<32x32x20000xi32, #tpu.memory_space<hbm>> -> memref<1x8x640xi32, #tpu.memory_space<hbm>>
        %dma_start3A_284 = tpu.memref_squeeze %dma_start3A_283 : memref<1x8x640xi32, #tpu.memory_space<hbm>> -> memref<8x640xi32, #tpu.memory_space<hbm>>
        %dma_start3A_285 = arith.constant 0 : i32
        %dma_start3A_286 = arith.constant 0 : i32
        %dma_start3A_287 = tpu.memref_slice %arg10[%dma_start3A_285, %dma_start3A_286] : memref<32x640xi32, #tpu.memory_space<vmem>> -> memref<8x640xi32, #tpu.memory_space<vmem>>
        %dma_start3A_288 = arith.constant 0 : i32
        %dma_start3A_289 = tpu.memref_slice %arg4[%add3A, %dma_start3A_288, %mul3A_278] : memref<32x32x20000xi32, #tpu.memory_space<hbm>> -> memref<1x8x640xi32, #tpu.memory_space<hbm>>
        %dma_start3A_290 = tpu.memref_squeeze %dma_start3A_289 : memref<1x8x640xi32, #tpu.memory_space<hbm>> -> memref<8x640xi32, #tpu.memory_space<hbm>>
        tpu.enqueue_dma source(%dma_start3A_290 : memref<8x640xi32, #tpu.memory_space<hbm>>) target(%dma_start3A_287 : memref<8x640xi32, #tpu.memory_space<vmem>>) target_semaphore(%arg19 : memref<!tpu.dma_semaphore, #tpu.memory_space<semaphore_mem>>)
        %dma_start3A_291 = arith.constant 8 : i32
        %dma_start3A_292 = arith.constant 0 : i32
        %dma_start3A_293 = tpu.memref_slice %arg10[%dma_start3A_291, %dma_start3A_292] : memref<32x640xi32, #tpu.memory_space<vmem>> -> memref<8x640xi32, #tpu.memory_space<vmem>>
        %dma_start3A_294 = arith.constant 8 : i32
        %dma_start3A_295 = tpu.memref_slice %arg4[%add3A, %dma_start3A_294, %mul3A_278] : memref<32x32x20000xi32, #tpu.memory_space<hbm>> -> memref<1x8x640xi32, #tpu.memory_space<hbm>>
        %dma_start3A_296 = tpu.memref_squeeze %dma_start3A_295 : memref<1x8x640xi32, #tpu.memory_space<hbm>> -> memref<8x640xi32, #tpu.memory_space<hbm>>
        %dma_start3A_297 = arith.constant 8 : i32
        %dma_start3A_298 = arith.constant 0 : i32
        %dma_start3A_299 = tpu.memref_slice %arg10[%dma_start3A_297, %dma_start3A_298] : memref<32x640xi32, #tpu.memory_space<vmem>> -> memref<8x640xi32, #tpu.memory_space<vmem>>
        %dma_start3A_300 = arith.constant 8 : i32
        %dma_start3A_301 = tpu.memref_slice %arg4[%add3A, %dma_start3A_300, %mul3A_278] : memref<32x32x20000xi32, #tpu.memory_space<hbm>> -> memref<1x8x640xi32, #tpu.memory_space<hbm>>
        %dma_start3A_302 = tpu.memref_squeeze %dma_start3A_301 : memref<1x8x640xi32, #tpu.memory_space<hbm>> -> memref<8x640xi32, #tpu.memory_space<hbm>>
        tpu.enqueue_dma source(%dma_start3A_302 : memref<8x640xi32, #tpu.memory_space<hbm>>) target(%dma_start3A_299 : memref<8x640xi32, #tpu.memory_space<vmem>>) target_semaphore(%arg19 : memref<!tpu.dma_semaphore, #tpu.memory_space<semaphore_mem>>)
        %dma_start3A_303 = arith.constant 16 : i32
        %dma_start3A_304 = arith.constant 0 : i32
        %dma_start3A_305 = tpu.memref_slice %arg10[%dma_start3A_303, %dma_start3A_304] : memref<32x640xi32, #tpu.memory_space<vmem>> -> memref<8x640xi32, #tpu.memory_space<vmem>>
        %dma_start3A_306 = arith.constant 16 : i32
        %dma_start3A_307 = tpu.memref_slice %arg4[%add3A, %dma_start3A_306, %mul3A_278] : memref<32x32x20000xi32, #tpu.memory_space<hbm>> -> memref<1x8x640xi32, #tpu.memory_space<hbm>>
        %dma_start3A_308 = tpu.memref_squeeze %dma_start3A_307 : memref<1x8x640xi32, #tpu.memory_space<hbm>> -> memref<8x640xi32, #tpu.memory_space<hbm>>
        %dma_start3A_309 = arith.constant 16 : i32
        %dma_start3A_310 = arith.constant 0 : i32
        %dma_start3A_311 = tpu.memref_slice %arg10[%dma_start3A_309, %dma_start3A_310] : memref<32x640xi32, #tpu.memory_space<vmem>> -> memref<8x640xi32, #tpu.memory_space<vmem>>
        %dma_start3A_312 = arith.constant 16 : i32
        %dma_start3A_313 = tpu.memref_slice %arg4[%add3A, %dma_start3A_312, %mul3A_278] : memref<32x32x20000xi32, #tpu.memory_space<hbm>> -> memref<1x8x640xi32, #tpu.memory_space<hbm>>
        %dma_start3A_314 = tpu.memref_squeeze %dma_start3A_313 : memref<1x8x640xi32, #tpu.memory_space<hbm>> -> memref<8x640xi32, #tpu.memory_space<hbm>>
        tpu.enqueue_dma source(%dma_start3A_314 : memref<8x640xi32, #tpu.memory_space<hbm>>) target(%dma_start3A_311 : memref<8x640xi32, #tpu.memory_space<vmem>>) target_semaphore(%arg19 : memref<!tpu.dma_semaphore, #tpu.memory_space<semaphore_mem>>)
        %dma_start3A_315 = arith.constant 24 : i32
        %dma_start3A_316 = arith.constant 0 : i32
        %dma_start3A_317 = tpu.memref_slice %arg10[%dma_start3A_315, %dma_start3A_316] : memref<32x640xi32, #tpu.memory_space<vmem>> -> memref<8x640xi32, #tpu.memory_space<vmem>>
        %dma_start3A_318 = arith.constant 24 : i32
        %dma_start3A_319 = tpu.memref_slice %arg4[%add3A, %dma_start3A_318, %mul3A_278] : memref<32x32x20000xi32, #tpu.memory_space<hbm>> -> memref<1x8x640xi32, #tpu.memory_space<hbm>>
        %dma_start3A_320 = tpu.memref_squeeze %dma_start3A_319 : memref<1x8x640xi32, #tpu.memory_space<hbm>> -> memref<8x640xi32, #tpu.memory_space<hbm>>
        %dma_start3A_321 = arith.constant 24 : i32
        %dma_start3A_322 = arith.constant 0 : i32
        %dma_start3A_323 = tpu.memref_slice %arg10[%dma_start3A_321, %dma_start3A_322] : memref<32x640xi32, #tpu.memory_space<vmem>> -> memref<8x640xi32, #tpu.memory_space<vmem>>
        %dma_start3A_324 = arith.constant 24 : i32
        %dma_start3A_325 = tpu.memref_slice %arg4[%add3A, %dma_start3A_324, %mul3A_278] : memref<32x32x20000xi32, #tpu.memory_space<hbm>> -> memref<1x8x640xi32, #tpu.memory_space<hbm>>
        %dma_start3A_326 = tpu.memref_squeeze %dma_start3A_325 : memref<1x8x640xi32, #tpu.memory_space<hbm>> -> memref<8x640xi32, #tpu.memory_space<hbm>>
        tpu.enqueue_dma source(%dma_start3A_326 : memref<8x640xi32, #tpu.memory_space<hbm>>) target(%dma_start3A_323 : memref<8x640xi32, #tpu.memory_space<vmem>>) target_semaphore(%arg19 : memref<!tpu.dma_semaphore, #tpu.memory_space<semaphore_mem>>)
        %dma_start3A_327 = arith.constant 0 : i32
        %dma_start3A_328 = tpu.memref_slice %arg3[%add3A, %dma_start3A_327, %mul3A_278] : memref<32x2x20000xf32, #tpu.memory_space<hbm>> -> memref<1x2x640xf32, #tpu.memory_space<hbm>>
        %dma_start3A_329 = tpu.memref_squeeze %dma_start3A_328 : memref<1x2x640xf32, #tpu.memory_space<hbm>> -> memref<2x640xf32, #tpu.memory_space<hbm>>
        %dma_start3A_330 = arith.constant 0 : i32
        %dma_start3A_331 = tpu.memref_slice %arg3[%add3A, %dma_start3A_330, %mul3A_278] : memref<32x2x20000xf32, #tpu.memory_space<hbm>> -> memref<1x2x640xf32, #tpu.memory_space<hbm>>
        %dma_start3A_332 = tpu.memref_squeeze %dma_start3A_331 : memref<1x2x640xf32, #tpu.memory_space<hbm>> -> memref<2x640xf32, #tpu.memory_space<hbm>>
        tpu.enqueue_dma source(%dma_start3A_332 : memref<2x640xf32, #tpu.memory_space<hbm>>) target(%arg12 : memref<2x640xf32, #tpu.memory_space<vmem>>) target_semaphore(%arg19 : memref<!tpu.dma_semaphore, #tpu.memory_space<semaphore_mem>>)
      } else {
      }
    }
    %scan3A_150 = arith.constant 15 : i32
    %dma_wait3A = arith.constant 0 : i32
    %dma_wait3A_151 = arith.constant 0 : i32
    %dma_wait3A_152 = arith.constant 19200 : i32
    %dma_wait3A_153 = tpu.memref_slice %arg4[%dma_wait3A, %dma_wait3A_151, %dma_wait3A_152] : memref<32x32x20000xi32, #tpu.memory_space<hbm>> -> memref<1x32x800xi32, #tpu.memory_space<hbm>>
    %dma_wait3A_154 = tpu.memref_squeeze %dma_wait3A_153 : memref<1x32x800xi32, #tpu.memory_space<hbm>> -> memref<32x800xi32, #tpu.memory_space<hbm>>
    %dma_wait3A_155 = arith.constant 0 : i32
    %dma_wait3A_156 = arith.constant 19200 : i32
    %dma_wait3A_157 = tpu.memref_slice %arg4[%dma_wait3A, %dma_wait3A_155, %dma_wait3A_156] : memref<32x32x20000xi32, #tpu.memory_space<hbm>> -> memref<1x32x800xi32, #tpu.memory_space<hbm>>
    %dma_wait3A_158 = tpu.memref_squeeze %dma_wait3A_157 : memref<1x32x800xi32, #tpu.memory_space<hbm>> -> memref<32x800xi32, #tpu.memory_space<hbm>>
    tpu.wait_dma2 semaphore(%arg20 : memref<!tpu.dma_semaphore, #tpu.memory_space<semaphore_mem>>) src(%dma_wait3A_158 : memref<32x800xi32, #tpu.memory_space<hbm>>) dst(%arg15 : memref<32x800xi32, #tpu.memory_space<vmem>>)
    %dma_wait3A_159 = arith.constant 0 : i32
    %dma_wait3A_160 = arith.constant 0 : i32
    %dma_wait3A_161 = arith.constant 19200 : i32
    %dma_wait3A_162 = tpu.memref_slice %arg3[%dma_wait3A_159, %dma_wait3A_160, %dma_wait3A_161] : memref<32x2x20000xf32, #tpu.memory_space<hbm>> -> memref<1x2x800xf32, #tpu.memory_space<hbm>>
    %dma_wait3A_163 = tpu.memref_squeeze %dma_wait3A_162 : memref<1x2x800xf32, #tpu.memory_space<hbm>> -> memref<2x800xf32, #tpu.memory_space<hbm>>
    %dma_wait3A_164 = arith.constant 0 : i32
    %dma_wait3A_165 = arith.constant 19200 : i32
    %dma_wait3A_166 = tpu.memref_slice %arg3[%dma_wait3A_159, %dma_wait3A_164, %dma_wait3A_165] : memref<32x2x20000xf32, #tpu.memory_space<hbm>> -> memref<1x2x800xf32, #tpu.memory_space<hbm>>
    %dma_wait3A_167 = tpu.memref_squeeze %dma_wait3A_166 : memref<1x2x800xf32, #tpu.memory_space<hbm>> -> memref<2x800xf32, #tpu.memory_space<hbm>>
    tpu.wait_dma2 semaphore(%arg20 : memref<!tpu.dma_semaphore, #tpu.memory_space<semaphore_mem>>) src(%dma_wait3A_167 : memref<2x800xf32, #tpu.memory_space<hbm>>) dst(%arg16 : memref<2x800xf32, #tpu.memory_space<vmem>>)
    %dma_wait3A_168 = tpu.memref_slice %arg6[%mul3A_13] : memref<640000xf32, #tpu.memory_space<hbm>> -> memref<640xf32, #tpu.memory_space<hbm>>
    %dma_wait3A_169 = tpu.memref_slice %arg6[%mul3A_13] : memref<640000xf32, #tpu.memory_space<hbm>> -> memref<640xf32, #tpu.memory_space<hbm>>
    tpu.wait_dma2 semaphore(%arg21 : memref<!tpu.dma_semaphore, #tpu.memory_space<semaphore_mem>>) src(%arg13 : memref<640xf32, #tpu.memory_space<vmem>>) dst(%dma_wait3A_169 : memref<640xf32, #tpu.memory_space<hbm>>)
    %scan3A_170 = arith.constant 0 : i32
    %scan3A_171 = arith.constant 0 : i32
    %scan3A_172 = arith.constant 50 : i32
    %scan3A_173 = arith.addi %scan3A_171, %scan3A_172 : i32
    %scan3A_174 = arith.constant 1 : i32
    scf.for %scan3A_184 = %scan3A_171 to %scan3A_173 step %scan3A_174  : i32 {
      %mul3A_185 = arith.constant 16 : i32
      %mul3A_186 = arith.muli %scan3A_184, %mul3A_185 : i32
      %broadcast_in_dim3A_187 = arith.constant 0.000000e+00 : f32
      %broadcast_in_dim3A_188 = vector.broadcast %broadcast_in_dim3A_187 : f32 to vector<16xf32>
      %broadcast_in_dim3A_189 = arith.constant 0.000000e+00 : f32
      %broadcast_in_dim3A_190 = vector.broadcast %broadcast_in_dim3A_189 : f32 to vector<16xf32>
      %broadcast_in_dim3A_191 = arith.constant 0.000000e+00 : f32
      %broadcast_in_dim3A_192 = vector.broadcast %broadcast_in_dim3A_191 : f32 to vector<16xf32>
      %broadcast_in_dim3A_193 = arith.constant 0.000000e+00 : f32
      %broadcast_in_dim3A_194 = vector.broadcast %broadcast_in_dim3A_193 : f32 to vector<16xf32>
      %broadcast_in_dim3A_195 = arith.constant 0.000000e+00 : f32
      %broadcast_in_dim3A_196 = vector.broadcast %broadcast_in_dim3A_195 : f32 to vector<16xf32>
      %broadcast_in_dim3A_197 = arith.constant 0.000000e+00 : f32
      %broadcast_in_dim3A_198 = vector.broadcast %broadcast_in_dim3A_197 : f32 to vector<16xf32>
      %broadcast_in_dim3A_199 = arith.constant 0.000000e+00 : f32
      %broadcast_in_dim3A_200 = vector.broadcast %broadcast_in_dim3A_199 : f32 to vector<16xf32>
      %broadcast_in_dim3A_201 = arith.constant 0.000000e+00 : f32
      %broadcast_in_dim3A_202 = vector.broadcast %broadcast_in_dim3A_201 : f32 to vector<16xf32>
      %get3A_203 = arith.constant 0 : i32
      %get3A_204 = arith.index_cast %get3A_203 : i32 to index
      %get3A_205 = arith.index_cast %mul3A_186 : i32 to index
      %get3A_206 = tpu.vector_load %arg15[%get3A_204, %get3A_205] {strides = array<i32>} : memref<32x800xi32, #tpu.memory_space<vmem>>, vector<16xi32>,
      %gather3A = tpu.vector_load_idx %arg7[%get3A_206] : memref<20000xi32, #tpu.memory_space<vmem>>[vector<16xi32>], vector<16xi32>,
      %bitcast3A = vector.bitcast %gather3A : vector<16xi32> to vector<32xbf16>
      %unpack3A = tpu.unpack_subelements %bitcast3A, 0 {pack_format = #tpu.pack_format<interleaved>} : vector<32xbf16> -> vector<16xf32>
      %unpack3A_207 = tpu.unpack_subelements %bitcast3A, 1 {pack_format = #tpu.pack_format<interleaved>} : vector<32xbf16> -> vector<16xf32>
      %add3A_208 = arith.addf %broadcast_in_dim3A_188, %unpack3A : vector<16xf32>
      %add3A_209 = arith.addf %broadcast_in_dim3A_196, %unpack3A_207 : vector<16xf32>
      %get3A_210 = arith.constant 1 : i32
      %get3A_211 = arith.index_cast %get3A_210 : i32 to index
      %get3A_212 = arith.index_cast %mul3A_186 : i32 to index
      %get3A_213 = tpu.vector_load %arg15[%get3A_211, %get3A_212] {strides = array<i32>} : memref<32x800xi32, #tpu.memory_space<vmem>>, vector<16xi32>,
      %gather3A_214 = tpu.vector_load_idx %arg7[%get3A_213] : memref<20000xi32, #tpu.memory_space<vmem>>[vector<16xi32>], vector<16xi32>,
      %bitcast3A_215 = vector.bitcast %gather3A_214 : vector<16xi32> to vector<32xbf16>
      %unpack3A_216 = tpu.unpack_subelements %bitcast3A_215, 0 {pack_format = #tpu.pack_format<interleaved>} : vector<32xbf16> -> vector<16xf32>
      %unpack3A_217 = tpu.unpack_subelements %bitcast3A_215, 1 {pack_format = #tpu.pack_format<interleaved>} : vector<32xbf16> -> vector<16xf32>
      %add3A_218 = arith.addf %broadcast_in_dim3A_190, %unpack3A_216 : vector<16xf32>
      %add3A_219 = arith.addf %broadcast_in_dim3A_198, %unpack3A_217 : vector<16xf32>
      %get3A_220 = arith.constant 2 : i32
      %get3A_221 = arith.index_cast %get3A_220 : i32 to index
      %get3A_222 = arith.index_cast %mul3A_186 : i32 to index
      %get3A_223 = tpu.vector_load %arg15[%get3A_221, %get3A_222] {strides = array<i32>} : memref<32x800xi32, #tpu.memory_space<vmem>>, vector<16xi32>,
      %gather3A_224 = tpu.vector_load_idx %arg7[%get3A_223] : memref<20000xi32, #tpu.memory_space<vmem>>[vector<16xi32>], vector<16xi32>,
      %bitcast3A_225 = vector.bitcast %gather3A_224 : vector<16xi32> to vector<32xbf16>
      %unpack3A_226 = tpu.unpack_subelements %bitcast3A_225, 0 {pack_format = #tpu.pack_format<interleaved>} : vector<32xbf16> -> vector<16xf32>
      %unpack3A_227 = tpu.unpack_subelements %bitcast3A_225, 1 {pack_format = #tpu.pack_format<interleaved>} : vector<32xbf16> -> vector<16xf32>
      %add3A_228 = arith.addf %broadcast_in_dim3A_192, %unpack3A_226 : vector<16xf32>
      %add3A_229 = arith.addf %broadcast_in_dim3A_200, %unpack3A_227 : vector<16xf32>
      %get3A_230 = arith.constant 3 : i32
      %get3A_231 = arith.index_cast %get3A_230 : i32 to index
      %get3A_232 = arith.index_cast %mul3A_186 : i32 to index
      %get3A_233 = tpu.vector_load %arg15[%get3A_231, %get3A_232] {strides = array<i32>} : memref<32x800xi32, #tpu.memory_space<vmem>>, vector<16xi32>,
      %gather3A_234 = tpu.vector_load_idx %arg7[%get3A_233] : memref<20000xi32, #tpu.memory_space<vmem>>[vector<16xi32>], vector<16xi32>,
      %bitcast3A_235 = vector.bitcast %gather3A_234 : vector<16xi32> to vector<32xbf16>
      %unpack3A_236 = tpu.unpack_subelements %bitcast3A_235, 0 {pack_format = #tpu.pack_format<interleaved>} : vector<32xbf16> -> vector<16xf32>
      %unpack3A_237 = tpu.unpack_subelements %bitcast3A_235, 1 {pack_format = #tpu.pack_format<interleaved>} : vector<32xbf16> -> vector<16xf32>
      %add3A_238 = arith.addf %broadcast_in_dim3A_194, %unpack3A_236 : vector<16xf32>
      %add3A_239 = arith.addf %broadcast_in_dim3A_202, %unpack3A_237 : vector<16xf32>
      %get3A_240 = arith.constant 4 : i32
      %get3A_241 = arith.index_cast %get3A_240 : i32 to index
      %get3A_242 = arith.index_cast %mul3A_186 : i32 to index
      %get3A_243 = tpu.vector_load %arg15[%get3A_241, %get3A_242] {strides = array<i32>} : memref<32x800xi32, #tpu.memory_space<vmem>>, vector<16xi32>,
      %gather3A_244 = tpu.vector_load_idx %arg7[%get3A_243] : memref<20000xi32, #tpu.memory_space<vmem>>[vector<16xi32>], vector<16xi32>,
      %bitcast3A_245 = vector.bitcast %gather3A_244 : vector<16xi32> to vector<32xbf16>
      %unpack3A_246 = tpu.unpack_subelements %bitcast3A_245, 0 {pack_format = #tpu.pack_format<interleaved>} : vector<32xbf16> -> vector<16xf32>
      %unpack3A_247 = tpu.unpack_subelements %bitcast3A_245, 1 {pack_format = #tpu.pack_format<interleaved>} : vector<32xbf16> -> vector<16xf32>
      %add3A_248 = arith.addf %add3A_208, %unpack3A_246 : vector<16xf32>
      %add3A_249 = arith.addf %add3A_209, %unpack3A_247 : vector<16xf32>
      %get3A_250 = arith.constant 5 : i32
      %get3A_251 = arith.index_cast %get3A_250 : i32 to index
      %get3A_252 = arith.index_cast %mul3A_186 : i32 to index
      %get3A_253 = tpu.vector_load %arg15[%get3A_251, %get3A_252] {strides = array<i32>} : memref<32x800xi32, #tpu.memory_space<vmem>>, vector<16xi32>,
      %gather3A_254 = tpu.vector_load_idx %arg7[%get3A_253] : memref<20000xi32, #tpu.memory_space<vmem>>[vector<16xi32>], vector<16xi32>,
      %bitcast3A_255 = vector.bitcast %gather3A_254 : vector<16xi32> to vector<32xbf16>
      %unpack3A_256 = tpu.unpack_subelements %bitcast3A_255, 0 {pack_format = #tpu.pack_format<interleaved>} : vector<32xbf16> -> vector<16xf32>
      %unpack3A_257 = tpu.unpack_subelements %bitcast3A_255, 1 {pack_format = #tpu.pack_format<interleaved>} : vector<32xbf16> -> vector<16xf32>
      %add3A_258 = arith.addf %add3A_218, %unpack3A_256 : vector<16xf32>
      %add3A_259 = arith.addf %add3A_219, %unpack3A_257 : vector<16xf32>
      %get3A_260 = arith.constant 6 : i32
      %get3A_261 = arith.index_cast %get3A_260 : i32 to index
      %get3A_262 = arith.index_cast %mul3A_186 : i32 to index
      %get3A_263 = tpu.vector_load %arg15[%get3A_261, %get3A_262] {strides = array<i32>} : memref<32x800xi32, #tpu.memory_space<vmem>>, vector<16xi32>,
      %gather3A_264 = tpu.vector_load_idx %arg7[%get3A_263] : memref<20000xi32, #tpu.memory_space<vmem>>[vector<16xi32>], vector<16xi32>,
      %bitcast3A_265 = vector.bitcast %gather3A_264 : vector<16xi32> to vector<32xbf16>
      %unpack3A_266 = tpu.unpack_subelements %bitcast3A_265, 0 {pack_format = #tpu.pack_format<interleaved>} : vector<32xbf16> -> vector<16xf32>
      %unpack3A_267 = tpu.unpack_subelements %bitcast3A_265, 1 {pack_format = #tpu.pack_format<interleaved>} : vector<32xbf16> -> vector<16xf32>
      %add3A_268 = arith.addf %add3A_228, %unpack3A_266 : vector<16xf32>
      %add3A_269 = arith.addf %add3A_229, %unpack3A_267 : vector<16xf32>
      %get3A_270 = arith.constant 7 : i32
      %get3A_271 = arith.index_cast %get3A_270 : i32 to index
      %get3A_272 = arith.index_cast %mul3A_186 : i32 to index
      %get3A_273 = tpu.vector_load %arg15[%get3A_271, %get3A_272] {strides = array<i32>} : memref<32x800xi32, #tpu.memory_space<vmem>>, vector<16xi32>,
      %gather3A_274 = tpu.vector_load_idx %arg7[%get3A_273] : memref<20000xi32, #tpu.memory_space<vmem>>[vector<16xi32>], vector<16xi32>,
      %bitcast3A_275 = vector.bitcast %gather3A_274 : vector<16xi32> to vector<32xbf16>
      %unpack3A_276 = tpu.unpack_subelements %bitcast3A_275, 0 {pack_format = #tpu.pack_format<interleaved>} : vector<32xbf16> -> vector<16xf32>
      %unpack3A_277 = tpu.unpack_subelements %bitcast3A_275, 1 {pack_format = #tpu.pack_format<interleaved>} : vector<32xbf16> -> vector<16xf32>
      %add3A_278 = arith.addf %add3A_238, %unpack3A_276 : vector<16xf32>
      %add3A_279 = arith.addf %add3A_239, %unpack3A_277 : vector<16xf32>
      %get3A_280 = arith.constant 8 : i32
      %get3A_281 = arith.index_cast %get3A_280 : i32 to index
      %get3A_282 = arith.index_cast %mul3A_186 : i32 to index
      %get3A_283 = tpu.vector_load %arg15[%get3A_281, %get3A_282] {strides = array<i32>} : memref<32x800xi32, #tpu.memory_space<vmem>>, vector<16xi32>,
      %gather3A_284 = tpu.vector_load_idx %arg7[%get3A_283] : memref<20000xi32, #tpu.memory_space<vmem>>[vector<16xi32>], vector<16xi32>,
      %bitcast3A_285 = vector.bitcast %gather3A_284 : vector<16xi32> to vector<32xbf16>
      %unpack3A_286 = tpu.unpack_subelements %bitcast3A_285, 0 {pack_format = #tpu.pack_format<interleaved>} : vector<32xbf16> -> vector<16xf32>
      %unpack3A_287 = tpu.unpack_subelements %bitcast3A_285, 1 {pack_format = #tpu.pack_format<interleaved>} : vector<32xbf16> -> vector<16xf32>
      %add3A_288 = arith.addf %add3A_248, %unpack3A_286 : vector<16xf32>
      %add3A_289 = arith.addf %add3A_249, %unpack3A_287 : vector<16xf32>
      %get3A_290 = arith.constant 9 : i32
      %get3A_291 = arith.index_cast %get3A_290 : i32 to index
      %get3A_292 = arith.index_cast %mul3A_186 : i32 to index
      %get3A_293 = tpu.vector_load %arg15[%get3A_291, %get3A_292] {strides = array<i32>} : memref<32x800xi32, #tpu.memory_space<vmem>>, vector<16xi32>,
      %gather3A_294 = tpu.vector_load_idx %arg7[%get3A_293] : memref<20000xi32, #tpu.memory_space<vmem>>[vector<16xi32>], vector<16xi32>,
      %bitcast3A_295 = vector.bitcast %gather3A_294 : vector<16xi32> to vector<32xbf16>
      %unpack3A_296 = tpu.unpack_subelements %bitcast3A_295, 0 {pack_format = #tpu.pack_format<interleaved>} : vector<32xbf16> -> vector<16xf32>
      %unpack3A_297 = tpu.unpack_subelements %bitcast3A_295, 1 {pack_format = #tpu.pack_format<interleaved>} : vector<32xbf16> -> vector<16xf32>
      %add3A_298 = arith.addf %add3A_258, %unpack3A_296 : vector<16xf32>
      %add3A_299 = arith.addf %add3A_259, %unpack3A_297 : vector<16xf32>
      %get3A_300 = arith.constant 10 : i32
      %get3A_301 = arith.index_cast %get3A_300 : i32 to index
      %get3A_302 = arith.index_cast %mul3A_186 : i32 to index
      %get3A_303 = tpu.vector_load %arg15[%get3A_301, %get3A_302] {strides = array<i32>} : memref<32x800xi32, #tpu.memory_space<vmem>>, vector<16xi32>,
      %gather3A_304 = tpu.vector_load_idx %arg7[%get3A_303] : memref<20000xi32, #tpu.memory_space<vmem>>[vector<16xi32>], vector<16xi32>,
      %bitcast3A_305 = vector.bitcast %gather3A_304 : vector<16xi32> to vector<32xbf16>
      %unpack3A_306 = tpu.unpack_subelements %bitcast3A_305, 0 {pack_format = #tpu.pack_format<interleaved>} : vector<32xbf16> -> vector<16xf32>
      %unpack3A_307 = tpu.unpack_subelements %bitcast3A_305, 1 {pack_format = #tpu.pack_format<interleaved>} : vector<32xbf16> -> vector<16xf32>
      %add3A_308 = arith.addf %add3A_268, %unpack3A_306 : vector<16xf32>
      %add3A_309 = arith.addf %add3A_269, %unpack3A_307 : vector<16xf32>
      %get3A_310 = arith.constant 11 : i32
      %get3A_311 = arith.index_cast %get3A_310 : i32 to index
      %get3A_312 = arith.index_cast %mul3A_186 : i32 to index
      %get3A_313 = tpu.vector_load %arg15[%get3A_311, %get3A_312] {strides = array<i32>} : memref<32x800xi32, #tpu.memory_space<vmem>>, vector<16xi32>,
      %gather3A_314 = tpu.vector_load_idx %arg7[%get3A_313] : memref<20000xi32, #tpu.memory_space<vmem>>[vector<16xi32>], vector<16xi32>,
      %bitcast3A_315 = vector.bitcast %gather3A_314 : vector<16xi32> to vector<32xbf16>
      %unpack3A_316 = tpu.unpack_subelements %bitcast3A_315, 0 {pack_format = #tpu.pack_format<interleaved>} : vector<32xbf16> -> vector<16xf32>
      %unpack3A_317 = tpu.unpack_subelements %bitcast3A_315, 1 {pack_format = #tpu.pack_format<interleaved>} : vector<32xbf16> -> vector<16xf32>
      %add3A_318 = arith.addf %add3A_278, %unpack3A_316 : vector<16xf32>
      %add3A_319 = arith.addf %add3A_279, %unpack3A_317 : vector<16xf32>
      %get3A_320 = arith.constant 12 : i32
      %get3A_321 = arith.index_cast %get3A_320 : i32 to index
      %get3A_322 = arith.index_cast %mul3A_186 : i32 to index
      %get3A_323 = tpu.vector_load %arg15[%get3A_321, %get3A_322] {strides = array<i32>} : memref<32x800xi32, #tpu.memory_space<vmem>>, vector<16xi32>,
      %gather3A_324 = tpu.vector_load_idx %arg7[%get3A_323] : memref<20000xi32, #tpu.memory_space<vmem>>[vector<16xi32>], vector<16xi32>,
      %bitcast3A_325 = vector.bitcast %gather3A_324 : vector<16xi32> to vector<32xbf16>
      %unpack3A_326 = tpu.unpack_subelements %bitcast3A_325, 0 {pack_format = #tpu.pack_format<interleaved>} : vector<32xbf16> -> vector<16xf32>
      %unpack3A_327 = tpu.unpack_subelements %bitcast3A_325, 1 {pack_format = #tpu.pack_format<interleaved>} : vector<32xbf16> -> vector<16xf32>
      %add3A_328 = arith.addf %add3A_288, %unpack3A_326 : vector<16xf32>
      %add3A_329 = arith.addf %add3A_289, %unpack3A_327 : vector<16xf32>
      %get3A_330 = arith.constant 13 : i32
      %get3A_331 = arith.index_cast %get3A_330 : i32 to index
      %get3A_332 = arith.index_cast %mul3A_186 : i32 to index
      %get3A_333 = tpu.vector_load %arg15[%get3A_331, %get3A_332] {strides = array<i32>} : memref<32x800xi32, #tpu.memory_space<vmem>>, vector<16xi32>,
      %gather3A_334 = tpu.vector_load_idx %arg7[%get3A_333] : memref<20000xi32, #tpu.memory_space<vmem>>[vector<16xi32>], vector<16xi32>,
      %bitcast3A_335 = vector.bitcast %gather3A_334 : vector<16xi32> to vector<32xbf16>
      %unpack3A_336 = tpu.unpack_subelements %bitcast3A_335, 0 {pack_format = #tpu.pack_format<interleaved>} : vector<32xbf16> -> vector<16xf32>
      %unpack3A_337 = tpu.unpack_subelements %bitcast3A_335, 1 {pack_format = #tpu.pack_format<interleaved>} : vector<32xbf16> -> vector<16xf32>
      %add3A_338 = arith.addf %add3A_298, %unpack3A_336 : vector<16xf32>
      %add3A_339 = arith.addf %add3A_299, %unpack3A_337 : vector<16xf32>
      %get3A_340 = arith.constant 14 : i32
      %get3A_341 = arith.index_cast %get3A_340 : i32 to index
      %get3A_342 = arith.index_cast %mul3A_186 : i32 to index
      %get3A_343 = tpu.vector_load %arg15[%get3A_341, %get3A_342] {strides = array<i32>} : memref<32x800xi32, #tpu.memory_space<vmem>>, vector<16xi32>,
      %gather3A_344 = tpu.vector_load_idx %arg7[%get3A_343] : memref<20000xi32, #tpu.memory_space<vmem>>[vector<16xi32>], vector<16xi32>,
      %bitcast3A_345 = vector.bitcast %gather3A_344 : vector<16xi32> to vector<32xbf16>
      %unpack3A_346 = tpu.unpack_subelements %bitcast3A_345, 0 {pack_format = #tpu.pack_format<interleaved>} : vector<32xbf16> -> vector<16xf32>
      %unpack3A_347 = tpu.unpack_subelements %bitcast3A_345, 1 {pack_format = #tpu.pack_format<interleaved>} : vector<32xbf16> -> vector<16xf32>
      %add3A_348 = arith.addf %add3A_308, %unpack3A_346 : vector<16xf32>
      %add3A_349 = arith.addf %add3A_309, %unpack3A_347 : vector<16xf32>
      %get3A_350 = arith.constant 15 : i32
      %get3A_351 = arith.index_cast %get3A_350 : i32 to index
      %get3A_352 = arith.index_cast %mul3A_186 : i32 to index
      %get3A_353 = tpu.vector_load %arg15[%get3A_351, %get3A_352] {strides = array<i32>} : memref<32x800xi32, #tpu.memory_space<vmem>>, vector<16xi32>,
      %gather3A_354 = tpu.vector_load_idx %arg7[%get3A_353] : memref<20000xi32, #tpu.memory_space<vmem>>[vector<16xi32>], vector<16xi32>,
      %bitcast3A_355 = vector.bitcast %gather3A_354 : vector<16xi32> to vector<32xbf16>
      %unpack3A_356 = tpu.unpack_subelements %bitcast3A_355, 0 {pack_format = #tpu.pack_format<interleaved>} : vector<32xbf16> -> vector<16xf32>
      %unpack3A_357 = tpu.unpack_subelements %bitcast3A_355, 1 {pack_format = #tpu.pack_format<interleaved>} : vector<32xbf16> -> vector<16xf32>
      %add3A_358 = arith.addf %add3A_318, %unpack3A_356 : vector<16xf32>
      %add3A_359 = arith.addf %add3A_319, %unpack3A_357 : vector<16xf32>
      %get3A_360 = arith.constant 16 : i32
      %get3A_361 = arith.index_cast %get3A_360 : i32 to index
      %get3A_362 = arith.index_cast %mul3A_186 : i32 to index
      %get3A_363 = tpu.vector_load %arg15[%get3A_361, %get3A_362] {strides = array<i32>} : memref<32x800xi32, #tpu.memory_space<vmem>>, vector<16xi32>,
      %gather3A_364 = tpu.vector_load_idx %arg7[%get3A_363] : memref<20000xi32, #tpu.memory_space<vmem>>[vector<16xi32>], vector<16xi32>,
      %bitcast3A_365 = vector.bitcast %gather3A_364 : vector<16xi32> to vector<32xbf16>
      %unpack3A_366 = tpu.unpack_subelements %bitcast3A_365, 0 {pack_format = #tpu.pack_format<interleaved>} : vector<32xbf16> -> vector<16xf32>
      %unpack3A_367 = tpu.unpack_subelements %bitcast3A_365, 1 {pack_format = #tpu.pack_format<interleaved>} : vector<32xbf16> -> vector<16xf32>
      %add3A_368 = arith.addf %add3A_328, %unpack3A_366 : vector<16xf32>
      %add3A_369 = arith.addf %add3A_329, %unpack3A_367 : vector<16xf32>
      %get3A_370 = arith.constant 17 : i32
      %get3A_371 = arith.index_cast %get3A_370 : i32 to index
      %get3A_372 = arith.index_cast %mul3A_186 : i32 to index
      %get3A_373 = tpu.vector_load %arg15[%get3A_371, %get3A_372] {strides = array<i32>} : memref<32x800xi32, #tpu.memory_space<vmem>>, vector<16xi32>,
      %gather3A_374 = tpu.vector_load_idx %arg7[%get3A_373] : memref<20000xi32, #tpu.memory_space<vmem>>[vector<16xi32>], vector<16xi32>,
      %bitcast3A_375 = vector.bitcast %gather3A_374 : vector<16xi32> to vector<32xbf16>
      %unpack3A_376 = tpu.unpack_subelements %bitcast3A_375, 0 {pack_format = #tpu.pack_format<interleaved>} : vector<32xbf16> -> vector<16xf32>
      %unpack3A_377 = tpu.unpack_subelements %bitcast3A_375, 1 {pack_format = #tpu.pack_format<interleaved>} : vector<32xbf16> -> vector<16xf32>
      %add3A_378 = arith.addf %add3A_338, %unpack3A_376 : vector<16xf32>
      %add3A_379 = arith.addf %add3A_339, %unpack3A_377 : vector<16xf32>
      %get3A_380 = arith.constant 18 : i32
      %get3A_381 = arith.index_cast %get3A_380 : i32 to index
      %get3A_382 = arith.index_cast %mul3A_186 : i32 to index
      %get3A_383 = tpu.vector_load %arg15[%get3A_381, %get3A_382] {strides = array<i32>} : memref<32x800xi32, #tpu.memory_space<vmem>>, vector<16xi32>,
      %gather3A_384 = tpu.vector_load_idx %arg7[%get3A_383] : memref<20000xi32, #tpu.memory_space<vmem>>[vector<16xi32>], vector<16xi32>,
      %bitcast3A_385 = vector.bitcast %gather3A_384 : vector<16xi32> to vector<32xbf16>
      %unpack3A_386 = tpu.unpack_subelements %bitcast3A_385, 0 {pack_format = #tpu.pack_format<interleaved>} : vector<32xbf16> -> vector<16xf32>
      %unpack3A_387 = tpu.unpack_subelements %bitcast3A_385, 1 {pack_format = #tpu.pack_format<interleaved>} : vector<32xbf16> -> vector<16xf32>
      %add3A_388 = arith.addf %add3A_348, %unpack3A_386 : vector<16xf32>
      %add3A_389 = arith.addf %add3A_349, %unpack3A_387 : vector<16xf32>
      %get3A_390 = arith.constant 19 : i32
      %get3A_391 = arith.index_cast %get3A_390 : i32 to index
      %get3A_392 = arith.index_cast %mul3A_186 : i32 to index
      %get3A_393 = tpu.vector_load %arg15[%get3A_391, %get3A_392] {strides = array<i32>} : memref<32x800xi32, #tpu.memory_space<vmem>>, vector<16xi32>,
      %gather3A_394 = tpu.vector_load_idx %arg7[%get3A_393] : memref<20000xi32, #tpu.memory_space<vmem>>[vector<16xi32>], vector<16xi32>,
      %bitcast3A_395 = vector.bitcast %gather3A_394 : vector<16xi32> to vector<32xbf16>
      %unpack3A_396 = tpu.unpack_subelements %bitcast3A_395, 0 {pack_format = #tpu.pack_format<interleaved>} : vector<32xbf16> -> vector<16xf32>
      %unpack3A_397 = tpu.unpack_subelements %bitcast3A_395, 1 {pack_format = #tpu.pack_format<interleaved>} : vector<32xbf16> -> vector<16xf32>
      %add3A_398 = arith.addf %add3A_358, %unpack3A_396 : vector<16xf32>
      %add3A_399 = arith.addf %add3A_359, %unpack3A_397 : vector<16xf32>
      %get3A_400 = arith.constant 20 : i32
      %get3A_401 = arith.index_cast %get3A_400 : i32 to index
      %get3A_402 = arith.index_cast %mul3A_186 : i32 to index
      %get3A_403 = tpu.vector_load %arg15[%get3A_401, %get3A_402] {strides = array<i32>} : memref<32x800xi32, #tpu.memory_space<vmem>>, vector<16xi32>,
      %gather3A_404 = tpu.vector_load_idx %arg7[%get3A_403] : memref<20000xi32, #tpu.memory_space<vmem>>[vector<16xi32>], vector<16xi32>,
      %bitcast3A_405 = vector.bitcast %gather3A_404 : vector<16xi32> to vector<32xbf16>
      %unpack3A_406 = tpu.unpack_subelements %bitcast3A_405, 0 {pack_format = #tpu.pack_format<interleaved>} : vector<32xbf16> -> vector<16xf32>
      %unpack3A_407 = tpu.unpack_subelements %bitcast3A_405, 1 {pack_format = #tpu.pack_format<interleaved>} : vector<32xbf16> -> vector<16xf32>
      %add3A_408 = arith.addf %add3A_368, %unpack3A_406 : vector<16xf32>
      %add3A_409 = arith.addf %add3A_369, %unpack3A_407 : vector<16xf32>
      %get3A_410 = arith.constant 21 : i32
      %get3A_411 = arith.index_cast %get3A_410 : i32 to index
      %get3A_412 = arith.index_cast %mul3A_186 : i32 to index
      %get3A_413 = tpu.vector_load %arg15[%get3A_411, %get3A_412] {strides = array<i32>} : memref<32x800xi32, #tpu.memory_space<vmem>>, vector<16xi32>,
      %gather3A_414 = tpu.vector_load_idx %arg7[%get3A_413] : memref<20000xi32, #tpu.memory_space<vmem>>[vector<16xi32>], vector<16xi32>,
      %bitcast3A_415 = vector.bitcast %gather3A_414 : vector<16xi32> to vector<32xbf16>
      %unpack3A_416 = tpu.unpack_subelements %bitcast3A_415, 0 {pack_format = #tpu.pack_format<interleaved>} : vector<32xbf16> -> vector<16xf32>
      %unpack3A_417 = tpu.unpack_subelements %bitcast3A_415, 1 {pack_format = #tpu.pack_format<interleaved>} : vector<32xbf16> -> vector<16xf32>
      %add3A_418 = arith.addf %add3A_378, %unpack3A_416 : vector<16xf32>
      %add3A_419 = arith.addf %add3A_379, %unpack3A_417 : vector<16xf32>
      %get3A_420 = arith.constant 22 : i32
      %get3A_421 = arith.index_cast %get3A_420 : i32 to index
      %get3A_422 = arith.index_cast %mul3A_186 : i32 to index
      %get3A_423 = tpu.vector_load %arg15[%get3A_421, %get3A_422] {strides = array<i32>} : memref<32x800xi32, #tpu.memory_space<vmem>>, vector<16xi32>,
      %gather3A_424 = tpu.vector_load_idx %arg7[%get3A_423] : memref<20000xi32, #tpu.memory_space<vmem>>[vector<16xi32>], vector<16xi32>,
      %bitcast3A_425 = vector.bitcast %gather3A_424 : vector<16xi32> to vector<32xbf16>
      %unpack3A_426 = tpu.unpack_subelements %bitcast3A_425, 0 {pack_format = #tpu.pack_format<interleaved>} : vector<32xbf16> -> vector<16xf32>
      %unpack3A_427 = tpu.unpack_subelements %bitcast3A_425, 1 {pack_format = #tpu.pack_format<interleaved>} : vector<32xbf16> -> vector<16xf32>
      %add3A_428 = arith.addf %add3A_388, %unpack3A_426 : vector<16xf32>
      %add3A_429 = arith.addf %add3A_389, %unpack3A_427 : vector<16xf32>
      %get3A_430 = arith.constant 23 : i32
      %get3A_431 = arith.index_cast %get3A_430 : i32 to index
      %get3A_432 = arith.index_cast %mul3A_186 : i32 to index
      %get3A_433 = tpu.vector_load %arg15[%get3A_431, %get3A_432] {strides = array<i32>} : memref<32x800xi32, #tpu.memory_space<vmem>>, vector<16xi32>,
      %gather3A_434 = tpu.vector_load_idx %arg7[%get3A_433] : memref<20000xi32, #tpu.memory_space<vmem>>[vector<16xi32>], vector<16xi32>,
      %bitcast3A_435 = vector.bitcast %gather3A_434 : vector<16xi32> to vector<32xbf16>
      %unpack3A_436 = tpu.unpack_subelements %bitcast3A_435, 0 {pack_format = #tpu.pack_format<interleaved>} : vector<32xbf16> -> vector<16xf32>
      %unpack3A_437 = tpu.unpack_subelements %bitcast3A_435, 1 {pack_format = #tpu.pack_format<interleaved>} : vector<32xbf16> -> vector<16xf32>
      %add3A_438 = arith.addf %add3A_398, %unpack3A_436 : vector<16xf32>
      %add3A_439 = arith.addf %add3A_399, %unpack3A_437 : vector<16xf32>
      %get3A_440 = arith.constant 24 : i32
      %get3A_441 = arith.index_cast %get3A_440 : i32 to index
      %get3A_442 = arith.index_cast %mul3A_186 : i32 to index
      %get3A_443 = tpu.vector_load %arg15[%get3A_441, %get3A_442] {strides = array<i32>} : memref<32x800xi32, #tpu.memory_space<vmem>>, vector<16xi32>,
      %gather3A_444 = tpu.vector_load_idx %arg7[%get3A_443] : memref<20000xi32, #tpu.memory_space<vmem>>[vector<16xi32>], vector<16xi32>,
      %bitcast3A_445 = vector.bitcast %gather3A_444 : vector<16xi32> to vector<32xbf16>
      %unpack3A_446 = tpu.unpack_subelements %bitcast3A_445, 0 {pack_format = #tpu.pack_format<interleaved>} : vector<32xbf16> -> vector<16xf32>
      %unpack3A_447 = tpu.unpack_subelements %bitcast3A_445, 1 {pack_format = #tpu.pack_format<interleaved>} : vector<32xbf16> -> vector<16xf32>
      %add3A_448 = arith.addf %add3A_408, %unpack3A_446 : vector<16xf32>
      %add3A_449 = arith.addf %add3A_409, %unpack3A_447 : vector<16xf32>
      %get3A_450 = arith.constant 25 : i32
      %get3A_451 = arith.index_cast %get3A_450 : i32 to index
      %get3A_452 = arith.index_cast %mul3A_186 : i32 to index
      %get3A_453 = tpu.vector_load %arg15[%get3A_451, %get3A_452] {strides = array<i32>} : memref<32x800xi32, #tpu.memory_space<vmem>>, vector<16xi32>,
      %gather3A_454 = tpu.vector_load_idx %arg7[%get3A_453] : memref<20000xi32, #tpu.memory_space<vmem>>[vector<16xi32>], vector<16xi32>,
      %bitcast3A_455 = vector.bitcast %gather3A_454 : vector<16xi32> to vector<32xbf16>
      %unpack3A_456 = tpu.unpack_subelements %bitcast3A_455, 0 {pack_format = #tpu.pack_format<interleaved>} : vector<32xbf16> -> vector<16xf32>
      %unpack3A_457 = tpu.unpack_subelements %bitcast3A_455, 1 {pack_format = #tpu.pack_format<interleaved>} : vector<32xbf16> -> vector<16xf32>
      %add3A_458 = arith.addf %add3A_418, %unpack3A_456 : vector<16xf32>
      %add3A_459 = arith.addf %add3A_419, %unpack3A_457 : vector<16xf32>
      %get3A_460 = arith.constant 26 : i32
      %get3A_461 = arith.index_cast %get3A_460 : i32 to index
      %get3A_462 = arith.index_cast %mul3A_186 : i32 to index
      %get3A_463 = tpu.vector_load %arg15[%get3A_461, %get3A_462] {strides = array<i32>} : memref<32x800xi32, #tpu.memory_space<vmem>>, vector<16xi32>,
      %gather3A_464 = tpu.vector_load_idx %arg7[%get3A_463] : memref<20000xi32, #tpu.memory_space<vmem>>[vector<16xi32>], vector<16xi32>,
      %bitcast3A_465 = vector.bitcast %gather3A_464 : vector<16xi32> to vector<32xbf16>
      %unpack3A_466 = tpu.unpack_subelements %bitcast3A_465, 0 {pack_format = #tpu.pack_format<interleaved>} : vector<32xbf16> -> vector<16xf32>
      %unpack3A_467 = tpu.unpack_subelements %bitcast3A_465, 1 {pack_format = #tpu.pack_format<interleaved>} : vector<32xbf16> -> vector<16xf32>
      %add3A_468 = arith.addf %add3A_428, %unpack3A_466 : vector<16xf32>
      %add3A_469 = arith.addf %add3A_429, %unpack3A_467 : vector<16xf32>
      %get3A_470 = arith.constant 27 : i32
      %get3A_471 = arith.index_cast %get3A_470 : i32 to index
      %get3A_472 = arith.index_cast %mul3A_186 : i32 to index
      %get3A_473 = tpu.vector_load %arg15[%get3A_471, %get3A_472] {strides = array<i32>} : memref<32x800xi32, #tpu.memory_space<vmem>>, vector<16xi32>,
      %gather3A_474 = tpu.vector_load_idx %arg7[%get3A_473] : memref<20000xi32, #tpu.memory_space<vmem>>[vector<16xi32>], vector<16xi32>,
      %bitcast3A_475 = vector.bitcast %gather3A_474 : vector<16xi32> to vector<32xbf16>
      %unpack3A_476 = tpu.unpack_subelements %bitcast3A_475, 0 {pack_format = #tpu.pack_format<interleaved>} : vector<32xbf16> -> vector<16xf32>
      %unpack3A_477 = tpu.unpack_subelements %bitcast3A_475, 1 {pack_format = #tpu.pack_format<interleaved>} : vector<32xbf16> -> vector<16xf32>
      %add3A_478 = arith.addf %add3A_438, %unpack3A_476 : vector<16xf32>
      %add3A_479 = arith.addf %add3A_439, %unpack3A_477 : vector<16xf32>
      %get3A_480 = arith.constant 28 : i32
      %get3A_481 = arith.index_cast %get3A_480 : i32 to index
      %get3A_482 = arith.index_cast %mul3A_186 : i32 to index
      %get3A_483 = tpu.vector_load %arg15[%get3A_481, %get3A_482] {strides = array<i32>} : memref<32x800xi32, #tpu.memory_space<vmem>>, vector<16xi32>,
      %gather3A_484 = tpu.vector_load_idx %arg7[%get3A_483] : memref<20000xi32, #tpu.memory_space<vmem>>[vector<16xi32>], vector<16xi32>,
      %bitcast3A_485 = vector.bitcast %gather3A_484 : vector<16xi32> to vector<32xbf16>
      %unpack3A_486 = tpu.unpack_subelements %bitcast3A_485, 0 {pack_format = #tpu.pack_format<interleaved>} : vector<32xbf16> -> vector<16xf32>
      %unpack3A_487 = tpu.unpack_subelements %bitcast3A_485, 1 {pack_format = #tpu.pack_format<interleaved>} : vector<32xbf16> -> vector<16xf32>
      %add3A_488 = arith.addf %add3A_448, %unpack3A_486 : vector<16xf32>
      %add3A_489 = arith.addf %add3A_449, %unpack3A_487 : vector<16xf32>
      %get3A_490 = arith.constant 29 : i32
      %get3A_491 = arith.index_cast %get3A_490 : i32 to index
      %get3A_492 = arith.index_cast %mul3A_186 : i32 to index
      %get3A_493 = tpu.vector_load %arg15[%get3A_491, %get3A_492] {strides = array<i32>} : memref<32x800xi32, #tpu.memory_space<vmem>>, vector<16xi32>,
      %gather3A_494 = tpu.vector_load_idx %arg7[%get3A_493] : memref<20000xi32, #tpu.memory_space<vmem>>[vector<16xi32>], vector<16xi32>,
      %bitcast3A_495 = vector.bitcast %gather3A_494 : vector<16xi32> to vector<32xbf16>
      %unpack3A_496 = tpu.unpack_subelements %bitcast3A_495, 0 {pack_format = #tpu.pack_format<interleaved>} : vector<32xbf16> -> vector<16xf32>
      %unpack3A_497 = tpu.unpack_subelements %bitcast3A_495, 1 {pack_format = #tpu.pack_format<interleaved>} : vector<32xbf16> -> vector<16xf32>
      %add3A_498 = arith.addf %add3A_458, %unpack3A_496 : vector<16xf32>
      %add3A_499 = arith.addf %add3A_459, %unpack3A_497 : vector<16xf32>
      %get3A_500 = arith.constant 30 : i32
      %get3A_501 = arith.index_cast %get3A_500 : i32 to index
      %get3A_502 = arith.index_cast %mul3A_186 : i32 to index
      %get3A_503 = tpu.vector_load %arg15[%get3A_501, %get3A_502] {strides = array<i32>} : memref<32x800xi32, #tpu.memory_space<vmem>>, vector<16xi32>,
      %gather3A_504 = tpu.vector_load_idx %arg7[%get3A_503] : memref<20000xi32, #tpu.memory_space<vmem>>[vector<16xi32>], vector<16xi32>,
      %bitcast3A_505 = vector.bitcast %gather3A_504 : vector<16xi32> to vector<32xbf16>
      %unpack3A_506 = tpu.unpack_subelements %bitcast3A_505, 0 {pack_format = #tpu.pack_format<interleaved>} : vector<32xbf16> -> vector<16xf32>
      %unpack3A_507 = tpu.unpack_subelements %bitcast3A_505, 1 {pack_format = #tpu.pack_format<interleaved>} : vector<32xbf16> -> vector<16xf32>
      %add3A_508 = arith.addf %add3A_468, %unpack3A_506 : vector<16xf32>
      %add3A_509 = arith.addf %add3A_469, %unpack3A_507 : vector<16xf32>
      %get3A_510 = arith.constant 31 : i32
      %get3A_511 = arith.index_cast %get3A_510 : i32 to index
      %get3A_512 = arith.index_cast %mul3A_186 : i32 to index
      %get3A_513 = tpu.vector_load %arg15[%get3A_511, %get3A_512] {strides = array<i32>} : memref<32x800xi32, #tpu.memory_space<vmem>>, vector<16xi32>,
      %gather3A_514 = tpu.vector_load_idx %arg7[%get3A_513] : memref<20000xi32, #tpu.memory_space<vmem>>[vector<16xi32>], vector<16xi32>,
      %bitcast3A_515 = vector.bitcast %gather3A_514 : vector<16xi32> to vector<32xbf16>
      %unpack3A_516 = tpu.unpack_subelements %bitcast3A_515, 0 {pack_format = #tpu.pack_format<interleaved>} : vector<32xbf16> -> vector<16xf32>
      %unpack3A_517 = tpu.unpack_subelements %bitcast3A_515, 1 {pack_format = #tpu.pack_format<interleaved>} : vector<32xbf16> -> vector<16xf32>
      %add3A_518 = arith.addf %add3A_478, %unpack3A_516 : vector<16xf32>
      %add3A_519 = arith.addf %add3A_479, %unpack3A_517 : vector<16xf32>
      %add3A_520 = arith.addf %add3A_488, %add3A_498 : vector<16xf32>
      %add3A_521 = arith.addf %add3A_508, %add3A_518 : vector<16xf32>
      %add3A_522 = arith.addf %add3A_520, %add3A_521 : vector<16xf32>
      %add3A_523 = arith.addf %add3A_489, %add3A_499 : vector<16xf32>
      %add3A_524 = arith.addf %add3A_509, %add3A_519 : vector<16xf32>
      %add3A_525 = arith.addf %add3A_523, %add3A_524 : vector<16xf32>
      %add3A_526 = arith.constant 19200 : i32
      %add3A_527 = arith.addi %add3A_526, %mul3A_186 : i32
      %get3A_528 = arith.index_cast %add3A_527 : i32 to index
      %get3A_529 = tpu.vector_load %arg7[%get3A_528] {strides = array<i32>} : memref<20000xi32, #tpu.memory_space<vmem>>, vector<16xi32>,
      %bitcast3A_530 = vector.bitcast %get3A_529 : vector<16xi32> to vector<32xbf16>
      %unpack3A_531 = tpu.unpack_subelements %bitcast3A_530, 0 {pack_format = #tpu.pack_format<interleaved>} : vector<32xbf16> -> vector<16xf32>
      %unpack3A_532 = tpu.unpack_subelements %bitcast3A_530, 1 {pack_format = #tpu.pack_format<interleaved>} : vector<32xbf16> -> vector<16xf32>
      %mul3A_533 = vector.broadcast %squeeze3A_5 : f32 to vector<16xf32>
      %mul3A_534 = arith.mulf %mul3A_533, %add3A_522 : vector<16xf32>
      %add3A_535 = vector.broadcast %squeeze3A : f32 to vector<16xf32>
      %add3A_536 = arith.addf %add3A_535, %mul3A_534 : vector<16xf32>
      %mul3A_537 = arith.mulf %unpack3A_531, %add3A_536 : vector<16xf32>
      %mul3A_538 = vector.broadcast %squeeze3A_5 : f32 to vector<16xf32>
      %mul3A_539 = arith.mulf %mul3A_538, %add3A_525 : vector<16xf32>
      %add3A_540 = vector.broadcast %squeeze3A_3 : f32 to vector<16xf32>
      %add3A_541 = arith.addf %add3A_540, %mul3A_539 : vector<16xf32>
      %mul3A_542 = arith.mulf %unpack3A_532, %add3A_541 : vector<16xf32>
      %add3A_543 = arith.addf %mul3A_537, %mul3A_542 : vector<16xf32>
      %get3A_544 = arith.constant 0 : i32
      %get3A_545 = arith.index_cast %get3A_544 : i32 to index
      %get3A_546 = arith.index_cast %mul3A_186 : i32 to index
      %get3A_547 = tpu.vector_load %arg16[%get3A_545, %get3A_546] {strides = array<i32>} : memref<2x800xf32, #tpu.memory_space<vmem>>, vector<16xf32>,
      %sub3A = vector.broadcast %squeeze3A_9 : f32 to vector<16xf32>
      %sub3A_548 = arith.subf %get3A_547, %sub3A : vector<16xf32>
      %get3A_549 = arith.constant 1 : i32
      %get3A_550 = arith.index_cast %get3A_549 : i32 to index
      %get3A_551 = arith.index_cast %mul3A_186 : i32 to index
      %get3A_552 = tpu.vector_load %arg16[%get3A_550, %get3A_551] {strides = array<i32>} : memref<2x800xf32, #tpu.memory_space<vmem>>, vector<16xf32>,
      %sub3A_553 = vector.broadcast %squeeze3A_11 : f32 to vector<16xf32>
      %sub3A_554 = arith.subf %get3A_552, %sub3A_553 : vector<16xf32>
      %mul3A_555 = arith.mulf %sub3A_548, %sub3A_548 : vector<16xf32>
      %mul3A_556 = arith.mulf %sub3A_554, %sub3A_554 : vector<16xf32>
      %add3A_557 = arith.addf %mul3A_555, %mul3A_556 : vector<16xf32>
      %max3A = arith.constant 9.99999996E-13 : f32
      %max3A_558 = vector.broadcast %max3A : f32 to vector<16xf32>
      %max3A_559 = arith.maximumf %add3A_557, %max3A_558 : vector<16xf32>
      %bitcast3A_560 = vector.bitcast %max3A_559 : vector<16xf32> to vector<16xi32>
      %shift_right_logical3A = arith.constant 1 : i32
      %shift_right_logical3A_561 = vector.broadcast %shift_right_logical3A : i32 to vector<16xi32>
      %shift_right_logical3A_562 = arith.shrui %bitcast3A_560, %shift_right_logical3A_561 : vector<16xi32>
      %sub3A_563 = arith.constant 1597463007 : i32
      %sub3A_564 = vector.broadcast %sub3A_563 : i32 to vector<16xi32>
      %sub3A_565 = arith.subi %sub3A_564, %shift_right_logical3A_562 : vector<16xi32>
      %bitcast3A_566 = vector.bitcast %sub3A_565 : vector<16xi32> to vector<16xf32>
      %mul3A_567 = arith.constant 5.000000e-01 : f32
      %mul3A_568 = vector.broadcast %mul3A_567 : f32 to vector<16xf32>
      %mul3A_569 = arith.mulf %mul3A_568, %max3A_559 : vector<16xf32>
      %mul3A_570 = arith.mulf %mul3A_569, %bitcast3A_566 : vector<16xf32>
      %mul3A_571 = arith.mulf %mul3A_570, %bitcast3A_566 : vector<16xf32>
      %sub3A_572 = arith.constant 1.500000e+00 : f32
      %sub3A_573 = vector.broadcast %sub3A_572 : f32 to vector<16xf32>
      %sub3A_574 = arith.subf %sub3A_573, %mul3A_571 : vector<16xf32>
      %mul3A_575 = arith.mulf %bitcast3A_566, %sub3A_574 : vector<16xf32>
      %mul3A_576 = arith.mulf %mul3A_569, %mul3A_575 : vector<16xf32>
      %mul3A_577 = arith.mulf %mul3A_576, %mul3A_575 : vector<16xf32>
      %sub3A_578 = arith.constant 1.500000e+00 : f32
      %sub3A_579 = vector.broadcast %sub3A_578 : f32 to vector<16xf32>
      %sub3A_580 = arith.subf %sub3A_579, %mul3A_577 : vector<16xf32>
      %mul3A_581 = arith.mulf %mul3A_575, %sub3A_580 : vector<16xf32>
      %mul3A_582 = arith.mulf %mul3A_569, %mul3A_581 : vector<16xf32>
      %mul3A_583 = arith.mulf %mul3A_582, %mul3A_581 : vector<16xf32>
      %sub3A_584 = arith.constant 1.500000e+00 : f32
      %sub3A_585 = vector.broadcast %sub3A_584 : f32 to vector<16xf32>
      %sub3A_586 = arith.subf %sub3A_585, %mul3A_583 : vector<16xf32>
      %mul3A_587 = arith.mulf %mul3A_581, %sub3A_586 : vector<16xf32>
      %mul3A_588 = arith.mulf %max3A_559, %mul3A_587 : vector<16xf32>
      %mul3A_589 = vector.broadcast %squeeze3A_7 : f32 to vector<16xf32>
      %mul3A_590 = arith.mulf %mul3A_589, %mul3A_588 : vector<16xf32>
      %sub3A_591 = arith.subf %add3A_543, %mul3A_590 : vector<16xf32>
      %swap3A = arith.index_cast %mul3A_186 : i32 to index
      %swap3A_592 = tpu.vector_load %arg17[%swap3A] {strides = array<i32>} : memref<800xf32, #tpu.memory_space<vmem>>, vector<16xf32>,
      tpu.vector_store %arg17[%swap3A], %sub3A_591 {strides = array<i32>} : memref<800xf32, #tpu.memory_space<vmem>>, vector<16xf32>,
    }
    %scan3A_175 = arith.constant 50 : i32
    %add3A_176 = arith.constant 19200 : i32
    %add3A_177 = arith.addi %mul3A_13, %add3A_176 : i32
    %dma_start3A_178 = tpu.memref_slice %arg6[%add3A_177] : memref<640000xf32, #tpu.memory_space<hbm>> -> memref<800xf32, #tpu.memory_space<hbm>>
    %dma_start3A_179 = tpu.memref_slice %arg6[%add3A_177] : memref<640000xf32, #tpu.memory_space<hbm>> -> memref<800xf32, #tpu.memory_space<hbm>>
    tpu.enqueue_dma source(%arg17 : memref<800xf32, #tpu.memory_space<vmem>>) target(%dma_start3A_179 : memref<800xf32, #tpu.memory_space<hbm>>) target_semaphore(%arg21 : memref<!tpu.dma_semaphore, #tpu.memory_space<semaphore_mem>>)
    %dma_wait3A_180 = tpu.memref_slice %arg6[%mul3A_13] : memref<640000xf32, #tpu.memory_space<hbm>> -> memref<640xf32, #tpu.memory_space<hbm>>
    %dma_wait3A_181 = tpu.memref_slice %arg6[%mul3A_13] : memref<640000xf32, #tpu.memory_space<hbm>> -> memref<640xf32, #tpu.memory_space<hbm>>
    tpu.wait_dma2 semaphore(%arg22 : memref<!tpu.dma_semaphore, #tpu.memory_space<semaphore_mem>>) src(%arg14 : memref<640xf32, #tpu.memory_space<vmem>>) dst(%dma_wait3A_181 : memref<640xf32, #tpu.memory_space<hbm>>)
    %dma_wait3A_182 = tpu.memref_slice %arg6[%mul3A_13] : memref<640000xf32, #tpu.memory_space<hbm>> -> memref<800xf32, #tpu.memory_space<hbm>>
    %dma_wait3A_183 = tpu.memref_slice %arg6[%mul3A_13] : memref<640000xf32, #tpu.memory_space<hbm>> -> memref<800xf32, #tpu.memory_space<hbm>>
    tpu.wait_dma2 semaphore(%arg21 : memref<!tpu.dma_semaphore, #tpu.memory_space<semaphore_mem>>) src(%arg17 : memref<800xf32, #tpu.memory_space<vmem>>) dst(%dma_wait3A_183 : memref<800xf32, #tpu.memory_space<hbm>>)
    return
  }
}

module attributes {stable_mosaic.version = 14 : i64} {
  func.func @_epilogue_body(%arg0: i32, %arg1: memref<8x20000xf32, #tpu.memory_space<vmem>>, %arg2: memref<8x20000xf32, #tpu.memory_space<vmem>>, %arg3: memref<8x20000xf32, #tpu.memory_space<vmem>>) attributes {dimension_semantics = [#tpu.dimension_semantics<arbitrary>], iteration_bounds = array<i64: 4>, scalar_prefetch = 0 : i64, scratch_operands = 0 : i64, tpu.core_type = #tpu.core_type<tc>, window_params = [{transform_indices = @transform_0, window_bounds = array<i64: 8, 20000>}, {transform_indices = @transform_1, window_bounds = array<i64: 8, 20000>}, {transform_indices = @transform_2, window_bounds = array<i64: 8, 20000>}]} {
    %get3A = arith.constant 0 : index
    %get3A_0 = arith.constant 0 : index
    %get3A_1 = vector.load %arg1[%get3A, %get3A_0] : memref<8x20000xf32, #tpu.memory_space<vmem>>, vector<8x20000xf32>
    %get3A_2 = arith.constant 0 : index
    %get3A_3 = arith.constant 0 : index
    %get3A_4 = vector.load %arg2[%get3A_2, %get3A_3] : memref<8x20000xf32, #tpu.memory_space<vmem>>, vector<8x20000xf32>
    %gt3A = arith.constant 5.000000e-01 : f32
    %gt3A_5 = vector.broadcast %gt3A : f32 to vector<8x20000xf32>
    %gt3A_6 = arith.cmpf ogt, %get3A_4, %gt3A_5 : vector<8x20000xf32>
    %jit3A = arith.constant -1.000000e+09 : f32
    %broadcast_in_dim3A = vector.broadcast %jit3A : f32 to vector<8x20000xf32>
    %select_n3A = arith.select %gt3A_6, %broadcast_in_dim3A, %get3A_1 : vector<8x20000xi1>, vector<8x20000xf32>
    %reduce_max3A = arith.constant dense<0xFF800000> : vector<8xf32>
    %reduce_max3A_7 = vector.multi_reduction <maximumf>, %select_n3A, %reduce_max3A [1] : vector<8x20000xf32> to vector<8xf32>
    %broadcast_in_dim3A_8 = vector.shape_cast %reduce_max3A_7 : vector<8xf32> to vector<8x1xf32>
    %sub3A = vector.broadcast %broadcast_in_dim3A_8 : vector<8x1xf32> to vector<8x20000xf32>
    %sub3A_9 = arith.subf %select_n3A, %sub3A : vector<8x20000xf32>
    %exp3A = math.exp %sub3A_9 : vector<8x20000xf32>
    %reduce_sum3A = arith.constant dense<0.000000e+00> : vector<8xf32>
    %reduce_sum3A_10 = vector.multi_reduction <add>, %exp3A, %reduce_sum3A [1] : vector<8x20000xf32> to vector<8xf32>
    %broadcast_in_dim3A_11 = vector.shape_cast %reduce_sum3A_10 : vector<8xf32> to vector<8x1xf32>
    %sub3A_12 = vector.broadcast %broadcast_in_dim3A_8 : vector<8x1xf32> to vector<8x20000xf32>
    %sub3A_13 = arith.subf %select_n3A, %sub3A_12 : vector<8x20000xf32>
    %log3A = math.log %broadcast_in_dim3A_11 : vector<8x1xf32>
    %sub3A_14 = vector.broadcast %log3A : vector<8x1xf32> to vector<8x20000xf32>
    %sub3A_15 = arith.subf %sub3A_13, %sub3A_14 : vector<8x20000xf32>
    %swap3A = arith.constant 0 : index
    %swap3A_16 = arith.constant 0 : index
    %swap3A_17 = vector.load %arg3[%swap3A, %swap3A_16] : memref<8x20000xf32, #tpu.memory_space<vmem>>, vector<8x20000xf32>
    tpu.vector_store %arg3[%swap3A, %swap3A_16], %sub3A_15 {strides = array<i32>} : memref<8x20000xf32, #tpu.memory_space<vmem>>, vector<8x20000xf32>,
    return
  }
  func.func @transform_0(%arg0: i32) -> (i32, i32) {
    %c0_i32 = arith.constant 0 : i32
    %c0_i32_0 = arith.constant 0 : i32
    return %arg0, %c0_i32 : i32, i32
  }
  func.func @transform_1(%arg0: i32) -> (i32, i32) {
    %c0_i32 = arith.constant 0 : i32
    %c0_i32_0 = arith.constant 0 : i32
    return %arg0, %c0_i32 : i32, i32
  }
  func.func @transform_2(%arg0: i32) -> (i32, i32) {
    %c0_i32 = arith.constant 0 : i32
    %c0_i32_0 = arith.constant 0 : i32
    return %arg0, %c0_i32 : i32, i32
  }
}

</mosaic_0001>

<sc_bundles>
// kernel: kernel.4.cloned.1.call-start
scs
__scs_entry_jumppad:
0x0: {  	(pc) =	sbr.rel $0x88, $3  }
0x1: {  	(tag) =	ssettag $0x0;
	lr =	simm.s32 $0x1  }
0x2: {  	[smem:$0x3F99] =	sst lr;
	_ =	strace $0xD0000000  }
0x3: {  	_ = 	snop  }
0x4: {  	_ = 	snop  }
0x5: {  	_ = 	snop  }
0x6: {  	_ = 	snop  }
0x7: {  	_ = 	snop  }
__scs_overlays_trampoline_lowered:
0x8: {  	[smem:$0x3FA8] =	sst s0  }
0x9: {  	[smem:$0x3FA9] =	sst s1  }
0xa: {  	[smem:$0x3FAA] =	sst s2  }
0xb: {  	[smem:$0x3FAB] =	sst s3  }
0xc: {  	[smem:$0x3FAC] =	sst s4  }
0xd: {  	[smem:$0x3FAD] =	sst s5  }
0xe: {  	[smem:$0x3FAE] =	sst s6  }
0xf: {  	[smem:$0x3FAF] =	sst s7  }
0x10: {  	[smem:$0x3FB0] =	sst s8  }
0x11: {  	[smem:$0x3FB1] =	sst s9;
	s0 =	simm.s32 @!p0 $0x0  }
0x12: {  	s1 =	sld [smem:$0x3F97];
	s0 =	simm.s32 @p0 $0x1  }
0x13: {  	[smem:$0x3FB2] =	sst s0;
	s0 =	simm.s32 @!p1 $0x0  }
0x14: {  	s2 =	sld [smem:$0x3F96];
	s0 =	simm.s32 @p1 $0x1  }
0x15: {  	[smem:$0x3FB3] =	sst s0;
	s0 =	simm.s32 @!p2 $0x0  }
0x16: {  	s3 =	sld [smem:$0x3FDB];
	s0 =	simm.s32 @p2 $0x1  }
0x17: {  	s4 =	simm.s32 $0x1BF5;
	[smem:$0x3FB5] =	sst s0  }
0x18: {  	s0 =	sld [smem:$0x3F98];
	_ =	swait.ge [sflag:s4], $0x0  }
0x19: {  	s7 =	sld [smem:$0x3F99]  }
0x1a: {  	s8 =	sadd.s32 $0xFFFFE003, lr  }
0x1b: {  	s9 =	sadd.s32 $0xFFFFFEF7, lr;
	s5 =	simm.s32 $0xFFFFFFFF;
	p2 =	slt.u32 s8, $0xFFFFF086  }
0x1c: {  	p1 =	slt.u32 s9, $0xF7A;
	s5 =	simm.s32 @!p2 $0x0  }
0x1d: {  	s5 =	simm.s32 @p1 $0x1;
	p0 =	seq.s32 s7, s2  }
0x1e: {  	s7 =	smul.u32 @!p0 $0xF7A, s2;
	p2 =	seq.s32 @!p0 s5, $0x0  }
0x1f: {  	s9 =	smul.u32 $0xF7A, s1;
	s8 =	simm.s32 @!p0 $0x1BF5;
	p2 =	por !p2, p0  }
0x20: {  	[sflag:s8] =	ssyncset.s32 @!p0 $0xFFFFF086;
	s6 =	sadd.s32 @!p0 s3, s7;
	s7 =	simm.s32 @!p0 $0x108  }
0x21: {  	s3 =	sadd.s32 s3, s9;
	s6 =	sadd.s32 @!p0 $0x88, s6;
	s7 =	simm.s32 @p2 $0x1082  }
0x22: {  	[simem:s7], [sflag:s8] =	dma.local @!p0 [hbm:s6], $0xF7A  }
0x23: {  	s9 =	sor.u32 $0xD0000000, s2;
	s6 =	simm.s32 $0x108;
	_ =	swait.ge @!p0 [sflag:s8], $0x0  }
0x24: {  	s3 =	sadd.s32 $0x88, s3;
	s6 =	simm.s32 @!p1 $0x1082;
	[sflag:s4] =	ssyncset.s32 $0xFFFFF086  }
0x25: {  	[simem:s6], [sflag:s4] =	dma.local [hbm:s3], $0xF7A  }
0x26: {  	[smem:$0x3F99] =	sst s1;
	(tag) =	ssettag s2;
	_ =	strace s9  }
0x27: {  	s1 =	sld [smem:$0x3FA9]  }
0x28: {  	s2 =	sld [smem:$0x3FAA]  }
0x29: {  	s4 =	sld [smem:$0x3FAC]  }
0x2a: {  	p0 =	seq.s32 s5, $0x0;
	s5 =	sld [smem:$0x3FAD]  }
0x2b: {  	s6 =	sld [smem:$0x3FAE]  }
0x2c: {  	s7 =	sld [smem:$0x3FAF]  }
0x2d: {  	s3 =	simm.s32 $0x108;
	s8 =	sld [smem:$0x3FB0]  }
0x2e: {  	s3 =	simm.s32 @!p0 $0x1082;
	s9 =	sld [smem:$0x3FB1]  }
0x2f: {  	lr =	sadd.s32 s0, s3;
	s0 =	sld [smem:$0x3FA8]  }
0x30: {  	s3 =	sld [smem:$0x3FAB]  }
0x31: {  	[smem:$0x3FB4] =	sst s10  }
0x32: {  	s10 =	sld [smem:$0x3FB2];
	_ =	sdelay $0x3  }
0x33: {  	p0 =	seq.s32 s10, $0x1;
	s10 =	sld [smem:$0x3FB4];
	_ =	sdelay $0x3  }
0x34: {  	[smem:$0x3FB4] =	sst s10  }
0x35: {  	s10 =	sld [smem:$0x3FB3];
	_ =	sdelay $0x3  }
0x36: {  	p1 =	seq.s32 s10, $0x1;
	s10 =	sld [smem:$0x3FB4];
	_ =	sdelay $0x3  }
0x37: {  	[smem:$0x3FB4] =	sst s10  }
0x38: {  	s10 =	sld [smem:$0x3FB5]  }
0x39: {  	_ = 	snop;
	(pc) =	sbr.ind lr, $3  }
0x3a: {  	_ = 	snop  }
0x3b: {  	_ = 	snop  }
0x3c: {  	p2 =	seq.s32 s10, $0x1;
	s10 =	sld [smem:$0x3FB4]  }
0x3d: {  	_ =	shalt  }
0x3e: {  	_ =	shalt  }
0x3f: {  	_ =	shalt  }
0x40: {  	_ =	shalt  }
0x41: {  	_ =	shalt  }
0x42: {  	_ =	shalt  }
0x43: {  	_ =	shalt  }
0x44: {  	_ =	shalt  }
0x45: {  	_ =	shalt  }
0x46: {  	_ =	shalt  }
0x47: {  	_ =	shalt  }
0x48: {  	_ =	shalt  }
0x49: {  	_ =	shalt  }
0x4a: {  	_ =	shalt  }
0x4b: {  	_ =	shalt  }
0x4c: {  	_ =	shalt  }
0x4d: {  	_ =	shalt  }
0x4e: {  	_ =	shalt  }
0x4f: {  	_ =	shalt  }
0x50: {  	_ =	shalt  }
0x51: {  	_ =	shalt  }
0x52: {  	_ =	shalt  }
0x53: {  	_ =	shalt  }
0x54: {  	_ =	shalt  }
0x55: {  	_ =	shalt  }
0x56: {  	_ =	shalt  }
0x57: {  	_ =	shalt  }
0x58: {  	_ =	shalt  }
0x59: {  	_ =	shalt  }
0x5a: {  	_ =	shalt  }
0x5b: {  	_ =	shalt  }
0x5c: {  	_ =	shalt  }
0x5d: {  	_ =	shalt  }
0x5e: {  	_ =	shalt  }
0x5f: {  	_ =	shalt  }
0x60: {  	_ =	shalt  }
0x61: {  	_ =	shalt  }
0x62: {  	_ =	shalt  }
0x63: {  	_ =	shalt  }
0x64: {  	_ =	shalt  }
0x65: {  	_ =	shalt  }
0x66: {  	_ =	shalt  }
0x67: {  	_ =	shalt  }
0x68: {  	_ =	shalt  }
0x69: {  	_ =	shalt  }
0x6a: {  	_ =	shalt  }
0x6b: {  	_ =	shalt  }
0x6c: {  	_ =	shalt  }
0x6d: {  	_ =	shalt  }
0x6e: {  	_ =	shalt  }
0x6f: {  	_ =	shalt  }
0x70: {  	_ =	shalt  }
0x71: {  	_ =	shalt  }
0x72: {  	_ =	shalt  }
0x73: {  	_ =	shalt  }
0x74: {  	_ =	shalt  }
0x75: {  	_ =	shalt  }
0x76: {  	_ =	shalt  }
0x77: {  	_ =	shalt  }
0x78: {  	_ =	shalt  }
0x79: {  	_ =	shalt  }
0x7a: {  	_ =	shalt  }
0x7b: {  	_ =	shalt  }
0x7c: {  	_ =	shalt  }
0x7d: {  	_ =	shalt  }
0x7e: {  	_ =	shalt  }
0x7f: {  	_ =	shalt  }
0x80: {  	_ =	shalt  }
0x81: {  	_ =	shalt  }
0x82: {  	_ =	shalt  }
0x83: {  	_ =	shalt  }
0x84: {  	_ =	shalt  }
0x85: {  	_ =	shalt  }
0x86: {  	_ =	shalt  }
0x87: {  	_ =	shalt  }
.Lfunc_end0:
.L_simem_size_0:
called_computation_lowered:
.L_overlay_start_0:
0x88: {  	s2 =	sld [smem:$0x3FD9]  }
0x89: {  	s3 =	sld [smem:$0x3FFE];
	_ =	sdelay $0x1  }
0x8a: {  	s1 =	srdreg.scid  }
0x8b: {  	s0 =	sand.u32 $0x1, s1  }
0x8c: {  	s17 =	sshll.u32 s0, $0xA;
	s2 =	sadd.s32 s3, s2  }
0x8d: {  	s2 =	sadd.s32 s2, s17  }
0x8e: {  	[smem:$0x3FC0] =	sst s2  }
0x8f: {  	_ = 	snop  }
0x90: {  	s2 =	sld [smem:$0x3FC7]  }
0x91: {  	s18 =	sld [smem:$0x3FC4]  }
0x92: {  	s4 =	sld [smem:$0x3FD0];
	(tm) =	ssettm $0x1  }
0x93: {  	s5 =	sld [smem:$0x3FFB];
	_ =	sdelay $0x3  }
0x94: {  	_ =	strace s5  }
0x95: {  	s5 =	sld [smem:$0x3FFC];
	_ =	sdelay $0x3  }
0x96: {  	_ =	strace s5  }
0x97: {  	s5 =	sld [smem:$0x3FFD];
	_ =	sdelay $0x3  }
0x98: {  	_ =	strace s5  }
0x99: {  	_ =	strace $0x8FFFFFFF  }
0x9a: {  	s19 =	sld [smem:$0x3FDB];
	_ =	sdelay $0x1  }
0x9b: {  	s6 =	simm.s32 $_scs_section_size  }
0x9c: {  	s7 =	simm.s32 $_size__tile_overlayer_lowered;
	s8 =	simm.s32 $_tile_overlayer_lowered  }
0x9d: {  	s22 =	simm.s32 $0x1BFF;
	s21 =	sshll.u32 s8, $0x1;
	s5 =	sadd.s32 s6, s19  }
0x9e: {  	s9 =	simm.s32 $0x0;
	s20 =	sshll.u32 s7, $0x1;
	s7 =	sadd.s32 s21, s5  }
0x9f: {  	[timem:s9], [sflag:s22] =	dma.local [hbm:s7], s20  }
0xa0: {  	_ =	swait.ge [sflag:s22], s20  }
0xa1: {  	s6 =	ssub.s32 $0x0, s20;
	[sflag:s22] =	ssyncset.done $0x0  }
0xa2: {  	[sflag:s22] =	ssyncadd.s32 s6;
	_ =	sdelay $0x1  }
0xa3: {  	s23 =	simm.s32 $0x1B8B  }
0xa4: {  	_ =	swait.ge [sflag:s23], $0x1  }
0xa5: {  	[sflag:s23] =	ssyncset.done $0x0  }
0xa6: {  	s25 =	simm.s32 $0x1B8E;
	s24 =	sld [smem:$0x3FFE];
	[sflag:s23] =	ssyncadd.s32 $0xFFFFFFFF  }
0xa7: {  	s26 =	simm.s32 $execute0_lowered;
	[smem:$0x3FD2] =	sst s25  }
0xa8: {  	s7 =	sshll.u32 s26, $0x1;
	_ =	strace $0x80000046;
	[dreg:$0x1] =	wrdreg $0xFFFFFFFF  }
0xa9: {  	s28 =	simm.s32 $_size_execute0_lowered;
	s5 =	sadd.s32 s5, s7;
	[dreg:$0x0] =	wrdreg $0x0  }
0xaa: {  	s7 =	sshll.u32 s28, $0x1;
	[dreg:$0x2] =	wrdreg s5  }
0xab: {  	[dreg:$0x3] =	wrdreg s7  }
0xac: {  	[dreg:$0x4] =	wrdreg $0xC0  }
0xad: {  	_ =	task [dreg:s9], $0x5FFFF  }
0xae: {  	[dreg:$0x1] =	wrdreg $0xFFFFFFFF  }
0xaf: {  	[dreg:$0x0] =	wrdreg $0x60  }
0xb0: {  	[dreg:$0x2] =	wrdreg s4  }
0xb1: {  	[dreg:$0x3] =	wrdreg s18  }
0xb2: {  	[dreg:$0x4] =	wrdreg s2  }
0xb3: {  	[dreg:$0x5] =	wrdreg s24  }
0xb4: {  	[dreg:$0x6] =	wrdreg $0x9  }
0xb5: {  	_ =	task.clear_ibuf [dreg:s9], $0x7FFFF;
	_ =	strace $0x90000046  }
0xb6: {  	s29 =	simm.s32 $0x9;
	_ =	strace $0x80000048  }
0xb7: {  	_ =	swait.ge [sflag:s29], $0x1  }
0xb8: {  	[sflag:s29] =	ssyncadd.s32 $0xFFFFFFFF  }
0xb9: {  	_ =	strace $0x90000048  }
0xba: {  	_ =	sfence  }
0xbb: {  	s30 =	sld [smem:$0x0];
	_ =	sdelay $0x2  }
0xbc: {  	s31 =	sshll.u32 s1, $0xD;
	s1 =	sshrl.u32 s1, $0x2  }
0xbd: {  	s3 =	sand.u32 $0x4000, s31;
	s1 =	sadd.s32 s1, s30  }
0xbe: {  	s0 =	sor.u32 s3, s0;
	s1 =	sshll.u32 s1, $0x11  }
0xbf: {  	s0 =	sor.u32 s1, s0  }
0xc0: {  	s0 =	sadd.s32 $0x8F2B, s0  }
0xc1: {  	[sflag:s0] =	ssyncadd.remote.s32 $0x1  }
0xc2: {  	_ =	sfence.sel $0xFFFF  }
0xc3: {  	[dreg:$0x0] =	wrdreg $0xFFFFFFFF;
	(pc) =	sbr.abs _section_cstart, $3  }
0xc4: {  	[dreg:$0x1] =	wrdreg $0xFFFFFFFF  }
0xc5: {  	_ =	task.clear_ibuf [dreg:s9], $0x2FFFF;
	_ =	strace $0x9FFFFFFF  }
0xc6: {  	(tm) =	ssettm $0x7FFFFFFF  }
0xc7: {  	_ =	shalt  }
tec
execute0_lowered:
.L_overlay_start_1:
0x0: {  	(tag) =	ssettag $0x1  }
0x1: {  	s0 =	rddreg [dreg:$0x0]  }
0x2: {  	s1 =	rddreg [dreg:$0x1]  }
0x3: {  	s5 =	srdreg.scid;
	s6 =	stileid.u32  }
0x4: {  	s3 =	rddreg [dreg:$0x2];
	s7 =	sand.u32 $0x1, s5;
	s13 =	sshll.u32 s6, $0x1  }
0x5: {  	s2 =	rddreg [dreg:$0x3];
	s4 =	simm.s32 $0x0;
	s8 =	sor.u32 s7, s13  }
0x6: {  	[smem:$0x7FF] =	sst s4;
	s6 =	sadd.s32 $0x400, s2;
	s5 =	smul.u32 $0x9D000, s8  }
0x7: {  	s15 =	ssub.s32 $0x2, s7;
	s14 =	sshll.u32 s8, $0x1;
	s7 =	smul.u32 $0x9D00, s8  }
0x8: {  	s10 =	sshrl.u32 s15, $0x1;
	s8 =	smul.u32 $0x4E20, s8;
	s9 =	sadd.s32 s14, s2  }
0x9: {  	_ =	strace $0x80000047;
	s2 =	ssub.s32 s15, s10;
	s25 =	sadd.s32 $0x200, s9  }
0xa: {  	s23 =	sshrl.u32 s8, $0x3;
	s29 =	smax.u32 s2, $0x1;
	[dreg:$0x10] =	wrdreg s25  }
0xb: {  	s11 =	sshrl.u32 s5, $0x3;
	s0 =	sadd.s32 s0, s23;
	[dreg:$0x12] =	wrdreg s29  }
0xc: {  	s18 =	sshrl.u32 s7, $0x3;
	s11 =	sadd.s32 s3, s11;
	[dreg:$0xf] =	wrdreg s0  }
0xd: {  	s30 =	simm.s32 $0xB300;
	s19 =	sadd.s32 s1, s18;
	[dreg:$0x5] =	wrdreg s11  }
0xe: {  	s31 =	simm.s32 $0xC700;
	s16 =	sadd.s32 $0x4E80, s11;
	[dreg:$0x9] =	wrdreg s19  }
0xf: {  	s14 =	simm.s32 $0x2;
	s17 =	sadd.s32 $0x9D00, s11;
	[dreg:$0x6] =	wrdreg s16  }
0x10: {  	s15 =	simm.s32 $0xFB80;
	s12 =	sadd.s32 $0xEB80, s11;
	[dreg:$0x7] =	wrdreg s17  }
0x11: {  	s10 =	simm.s32 $0x0;
	s20 =	sadd.s32 $0x280, s11;
	[dreg:$0x8] =	wrdreg s12  }
0x12: {  	s2 =	simm.s32 $0xF400;
	s21 =	sadd.s32 $0x5100, s11;
	[dreg:$0xa] =	wrdreg s20  }
0x13: {  	s26 =	sadd.s32 s6, s23;
	s22 =	sadd.s32 $0x9F80, s11;
	[dreg:$0xb] =	wrdreg s21  }
0x14: {  	s13 =	sadd.s32 $0xEE00, s11;
	s24 =	sadd.s32 $0xA0, s19;
	[dreg:$0xc] =	wrdreg s22  }
0x15: {  	s23 =	sadd.s32 $0xE800, s11;
	s0 =	sadd.s32 $0x960, s26;
	[dreg:$0xd] =	wrdreg s13  }
0x16: {  	s26 =	sadd.s32 $0x13680, s11;
	s28 =	sadd.s32 $0x12C0, s19;
	[dreg:$0xe] =	wrdreg s24  }
0x17: {  	s21 =	sadd.s32 $0x4B00, s11;
	s22 =	sadd.s32 $0x9980, s11;
	[dreg:$0x11] =	wrdreg s0  }
0x18: {  	s0 =	simm.s32 $0xDB00;
	s11 =	simm.s32 $0x1;
	s12 =	simm.s32 $0xF900  }
.LBB2_1:
0x19: {  	[dreg:$0x13] =	wrdreg s10  }
0x1a: {  	s9 =	rddreg [dreg:$0x5];
	s13 =	simm.s32 $0x4F00  }
0x1b: {  	v0 =	vld [tilespmem:$0x4E80];
	[tilespmem:s13], [sflag:$0x1] =	stream.linear.gather [hbm4b:s9+s4], $0x1400, $0x38  }
0x1c: {  	s16 =	rddreg [dreg:$0x6];
	s17 =	simm.s32 $0x6300  }
0x1d: {  	[tilespmem:s17], [sflag:$0x1] =	stream.linear.gather [hbm4b:s16+s4], $0x1400, $0x38;
	[tilespmem:$0x17880] =	vst v63  }
0x1e: {  	s18 =	rddreg [dreg:$0x7];
	s19 =	simm.s32 $0x7700  }
0x1f: {  	[tilespmem:s19], [sflag:$0x1] =	stream.linear.gather [hbm4b:s18+s4], $0x1400, $0x38;
	[tilespmem:$0x17880] =	vst v63  }
0x20: {  	s20 =	rddreg [dreg:$0x8];
	s24 =	simm.s32 $0x8B00  }
0x21: {  	[tilespmem:s24], [sflag:$0x1] =	stream.linear.gather [hbm4b:s20+s4], $0x1400, $0x38;
	[tilespmem:$0x17880] =	vst v63  }
0x22: {  	s25 =	rddreg [dreg:$0x9];
	s29 =	simm.s32 $0xEF00  }
0x23: {  	[tilespmem:s29], [sflag:$0x1] =	stream.linear.gather [hbm4b:s25+s4], $0x500, $0x38;
	[tilespmem:$0x17880] =	vst v63  }
0x24: {  	s13 =	rddreg [dreg:$0xa];
	s16 =	simm.s32 $0x9F00  }
0x25: {  	[tilespmem:s16], [sflag:$0x2] =	stream.linear.gather [hbm4b:s13+s4], $0x1400, $0x38;
	[tilespmem:$0x17880] =	vst v63  }
0x26: {  	s17 =	rddreg [dreg:$0xb]  }
0x27: {  	[tilespmem:s30], [sflag:$0x2] =	stream.linear.gather [hbm4b:s17+s4], $0x1400, $0x38;
	[tilespmem:$0x17880] =	vst v63  }
0x28: {  	s18 =	rddreg [dreg:$0xc]  }
0x29: {  	[tilespmem:s31], [sflag:$0x2] =	stream.linear.gather [hbm4b:s18+s4], $0x1400, $0x38;
	[tilespmem:$0x17880] =	vst v63  }
0x2a: {  	s19 =	rddreg [dreg:$0xd]  }
0x2b: {  	[tilespmem:s0], [sflag:$0x2] =	stream.linear.gather [hbm4b:s19+s4], $0x1400, $0x38;
	[tilespmem:$0x17880] =	vst v63  }
0x2c: {  	s20 =	rddreg [dreg:$0xe]  }
0x2d: {  	[tilespmem:s2], [sflag:$0x2] =	stream.linear.gather [hbm4b:s20+s4], $0x500, $0x38;
	[tilespmem:$0x17880] =	vst v63  }
0x2e: {  	s24 =	rddreg [dreg:$0xf];
	s25 =	simm.s32 $0x6  }
0x2f: {  	[tilespmem:s4], [sflag:$0x6] =	stream.linear.gather [hbm4b:s24+s4], $0x4E20, $0x38;
	[tilespmem:$0x17880] =	vst v63  }
0x30: {  	_ =	swait.ge [sflag:s25], $0x4E20  }
0x31: {  	[sflag:s25] =	ssyncset.done $0x0  }
0x32: {  	s13 =	simm.s32 $0x4E80;
	s29 =	rddreg [dreg:$0x10];
	[sflag:s25] =	ssyncadd.s32 $0xFFFFB1E0  }
0x33: {  	[tilespmem:s13], [sflag:$0x6] =	stream.linear.gather [hbm4b:s29+s4], $0x10, $0x38;
	[tilespmem:$0x17880] =	vst v63  }
0x34: {  	v2 =	vbroadcast v0, $0x2;
	v1 =	vbroadcast v0, $0x0;
	_ =	swait.ge [sflag:s25], $0x10  }
0x35: {  	v3 =	vbroadcast v0, $0x1;
	v4 =	vbroadcast v0, $0x4;
	s20 =	simm.s32 $0x280;
	[sflag:s25] =	ssyncset.done $0x0  }
0x36: {  	v5 =	vbroadcast v0, $0x5;
	v0 =	vbroadcast v0, $0x3;
	s24 =	simm.s32 $0x0;
	[sflag:s25] =	ssyncadd.s32 $0xFFFFFFF0;
	s25 =	simm.s32 $0x0  }
.LBB2_2:
0x37: {  	_ =	swait.ge [sflag:s11], $0x5000  }
0x38: {  	[sflag:s11] =	ssyncset.done $0x0  }
0x39: {  	[sflag:s11] =	ssyncadd.s32 $0xFFFFB000  }
0x3a: {  	_ =	swait.ge [sflag:s11], $0x500  }
0x3b: {  	p0 =	seq.s32 s25, $0x0;
	[sflag:s11] =	ssyncset.done $0x0  }
0x3c: {  	s10 =	simm.s32 @!p0 $0x4;
	[sflag:s11] =	ssyncadd.s32 $0xFFFFFB00  }
0x3d: {  	s9 =	simm.s32 $0x0;
	s13 =	simm.s32 $0x0;
	_ =	swait.ge @!p0 [sflag:s10], $0x280  }
0x3e: {  	s9 =	sand.u32 $0x70, s9;
	s13 =	sand.u32 $0x3FFFFC00, s13;
	[sflag:s10] =	ssyncset.done @!p0 $0x0  }
0x3f: {  	s16 =	sor.u32 s9, s13;
	[sflag:s10] =	ssyncadd.s32 @!p0 $0xFFFFFD80  }
0x40: {  	v6 =	vld [tilespmem:s16+$0x8D00]  }
0x41: {  	v7 =	vld [tilespmem:s16+$0x8D80]  }
0x42: {  	v8 =	vld [tilespmem:s16+$0x8E00]  }
0x43: {  	v9 =	vld [tilespmem:s16+$0x8E80]  }
0x44: {  	v10 =	vld [tilespmem:s16+$0x8B00]  }
0x45: {  	v11 =	vld [tilespmem:s16+$0x8B80]  }
0x46: {  	v17 =	vld [tilespmem:s16+$0x7A00]  }
0x47: {  	v18 =	vld [tilespmem:s16+$0x7700]  }
0x48: {  	v19 =	vld [tilespmem:s16+$0x7780]  }
0x49: {  	v20 =	vld [tilespmem:s16+$0x7800]  }
0x4a: {  	v21 =	vld [tilespmem:s16+$0x6500]  }
0x4b: {  	v25 =	vld [tilespmem:s16+$0x6300]  }
0x4c: {  	v26 =	vld [tilespmem:s16+$0x5100]  }
0x4d: {  	v27 =	vld [tilespmem:s16+$0x4F00]  }
0x4e: {  	v28 =	vld [tilespmem:s16+$0x4F80]  }
0x4f: {  	v29 =	vld [tilespmem:s16+$0x6580]  }
0x50: {  	v32 =	vld [tilespmem:s16+$0x5180]  }
0x51: {  	v36 =	vld [tilespmem:s16+$0x6380]  }
0x52: {  	v12 =	vld.idx.msk [tilespmem:v6+s4+$0x0], $0xffff  }
0x53: {  	v13 =	vld.idx.msk [tilespmem:v7+s4+$0x0], $0xffff  }
0x54: {  	v14 =	vld.idx.msk [tilespmem:v8+s4+$0x0], $0xffff  }
0x55: {  	v6 =	vld.idx.msk [tilespmem:v9+s4+$0x0], $0xffff  }
0x56: {  	v15 =	vld.idx.msk [tilespmem:v10+s4+$0x0], $0xffff  }
0x57: {  	s17 =	simm.s32 $0x0;
	v16 =	vld.idx.msk [tilespmem:v11+s4+$0x0], $0xffff  }
0x58: {  	s13 =	sand.u32 $0x3FFFFF00, s17;
	v7 =	vld [tilespmem:s16+$0x8C00]  }
0x59: {  	s13 =	sor.u32 s9, s13;
	v8 =	vld [tilespmem:s16+$0x7900]  }
0x5a: {  	v9 =	vld [tilespmem:s13+$0xEF80]  }
0x5b: {  	v10 =	vld [tilespmem:s13+$0xEF00]  }
0x5c: {  	v11 =	vld [tilespmem:s16+$0x7980]  }
0x5d: {  	v17 =	vld.idx.msk [tilespmem:v17+s4+$0x0], $0xffff  }
0x5e: {  	v18 =	vld.idx.msk [tilespmem:v18+s4+$0x0], $0xffff  }
0x5f: {  	v19 =	vld.idx.msk [tilespmem:v19+s4+$0x0], $0xffff  }
0x60: {  	v20 =	vld.idx.msk [tilespmem:v20+s4+$0x0], $0xffff;
	v10 =	vsub.f32 v10, v4;
	v9 =	vsub.f32 v9, v5  }
0x61: {  	v21 =	vld.idx.msk [tilespmem:v21+s4+$0x0], $0xffff;
	v30 =	vunpack.i.u.bf16.f32 v12;
	v31 =	vunpack.i.l.bf16.f32 v12;
	v33 =	vunpack.i.u.bf16.f32 v13  }
0x62: {  	v25 =	vld.idx.msk [tilespmem:v25+s4+$0x0], $0xffff;
	v34 =	vunpack.i.l.bf16.f32 v13;
	v12 =	vunpack.i.l.bf16.f32 v14;
	v37 =	vunpack.i.u.bf16.f32 v15  }
0x63: {  	v38 =	vunpack.i.l.bf16.f32 v15;
	v9 =	vmul.f32 v9, v9;
	v22 =	vld.idx.msk [tilespmem:v7+s4+$0x0], $0xffff;
	v7 =	vmul.f32 v10, v10  }
0x64: {  	v26 =	vld.idx.msk [tilespmem:v26+s4+$0x0], $0xffff;
	v39 =	vunpack.i.u.bf16.f32 v16;
	v16 =	vunpack.i.l.bf16.f32 v16;
	v41 =	vunpack.i.u.bf16.f32 v17  }
0x65: {  	v28 =	vld.idx.msk [tilespmem:v28+s4+$0x0], $0xffff;
	v17 =	vunpack.i.l.bf16.f32 v17;
	v43 =	vunpack.i.u.bf16.f32 v18;
	v7 =	vadd.f32 v9, v7  }
0x66: {  	v32 =	vld.idx.msk [tilespmem:v32+s4+$0x0], $0xffff;
	v18 =	vunpack.i.l.bf16.f32 v18;
	v44 =	vunpack.i.u.bf16.f32 v19;
	v45 =	vunpack.i.u.bf16.f32 v21  }
0x67: {  	v19 =	vunpack.i.l.bf16.f32 v19;
	v46 =	vunpack.i.u.bf16.f32 v20;
	v23 =	vld.idx.msk [tilespmem:v8+s4+$0x0], $0xffff;
	v7 =	vmax.f32 v7, $9.999999960e-13  }
0x68: {  	v48 =	vunpack.i.u.bf16.f32 v25;
	v24 =	vld.idx.msk [tilespmem:v11+s4+$0x0], $0xffff;
	v11 =	vunpack.i.u.bf16.f32 v14;
	v9 =	vshrl.u32 v7, $0x1  }
0x69: {  	v8 =	vmul.f32 $5.000000000e-01, v7;
	v13 =	vunpack.i.u.bf16.f32 v22;
	v14 =	vunpack.i.l.bf16.f32 v22;
	v22 =	vld.idx.msk [tilespmem:v27+s4+$0x0], $0xffff  }
0x6a: {  	v25 =	vunpack.i.l.bf16.f32 v25;
	v21 =	vunpack.i.l.bf16.f32 v21;
	v9 =	vsub.s32 $0x5F3759DF, v9  }
0x6b: {  	v50 =	vunpack.i.u.bf16.f32 v26;
	v26 =	vunpack.i.l.bf16.f32 v26;
	v10 =	vmul.f32 v9, v8  }
0x6c: {  	v47 =	vld [tilespmem:s16+$0x6400];
	v52 =	vunpack.i.l.bf16.f32 v28;
	v28 =	vunpack.i.u.bf16.f32 v28;
	v60 =	vunpack.i.l.bf16.f32 v32  }
0x6d: {  	v35 =	vld [tilespmem:s16+$0x6600];
	v32 =	vunpack.i.u.bf16.f32 v32;
	v20 =	vunpack.i.l.bf16.f32 v20;
	v10 =	vmul.f32 v9, v10  }
0x6e: {  	v36 =	vld.idx.msk [tilespmem:v36+s4+$0x0], $0xffff;
	v52 =	vadd.f32 $0.0e+00, v52;
	v28 =	vadd.f32 $0.0e+00, v28;
	v49 =	vunpack.i.l.bf16.f32 v22  }
0x6f: {  	v42 =	vld [tilespmem:s16+$0x7A80];
	v22 =	vunpack.i.u.bf16.f32 v22;
	v10 =	vsub.f32 $1.500000000e+00, v10;
	v49 =	vadd.f32 $0.0e+00, v49  }
0x70: {  	v51 =	vld [tilespmem:s16+$0x5200];
	v28 =	vadd.f32 v32, v28;
	v40 =	vunpack.i.u.bf16.f32 v23;
	v22 =	vadd.f32 $0.0e+00, v22  }
0x71: {  	v29 =	vld.idx.msk [tilespmem:v29+s4+$0x0], $0xffff;
	v23 =	vunpack.i.l.bf16.f32 v23;
	v9 =	vmul.f32 v9, v10;
	v26 =	vadd.f32 v26, v49  }
0x72: {  	v53 =	vld [tilespmem:s16+$0x5000];
	v27 =	vunpack.i.u.bf16.f32 v24;
	v22 =	vadd.f32 v50, v22;
	v49 =	vadd.f32 v60, v52  }
0x73: {  	v61 =	vld [tilespmem:s16+$0x5080];
	v15 =	vmul.f32 v9, v8;
	v25 =	vadd.f32 v25, v26;
	v26 =	vunpack.i.l.bf16.f32 v36  }
0x74: {  	v47 =	vld.idx.msk [tilespmem:v47+s4+$0x0], $0xffff;
	v22 =	vadd.f32 v48, v22;
	v36 =	vunpack.i.u.bf16.f32 v36;
	v26 =	vadd.f32 v26, v49  }
0x75: {  	v62 =	vld [tilespmem:s16+$0x5280];
	v28 =	vadd.f32 v36, v28;
	v15 =	vmul.f32 v15, v9;
	v21 =	vadd.f32 v21, v25  }
0x76: {  	v35 =	vld.idx.msk [tilespmem:v35+s4+$0x0], $0xffff;
	v25 =	vunpack.i.l.bf16.f32 v29;
	v22 =	vadd.f32 v45, v22;
	v29 =	vunpack.i.u.bf16.f32 v29  }
0x77: {  	v63 =	vld [tilespmem:s16+$0x6480];
	v24 =	vunpack.i.l.bf16.f32 v24;
	v25 =	vadd.f32 v25, v26;
	v28 =	vadd.f32 v29, v28  }
0x78: {  	v10 =	vunpack.i.u.bf16.f32 v6;
	v26 =	vld.idx.msk [tilespmem:v51+s4+$0x0], $0xffff;
	v15 =	vsub.f32 $1.500000000e+00, v15;
	v18 =	vadd.f32 v18, v21  }
0x79: {  	v45 =	vunpack.i.u.bf16.f32 v47;
	v21 =	vld [tilespmem:s16+$0x6680];
	v22 =	vadd.f32 v43, v22;
	v19 =	vadd.f32 v19, v25  }
0x7a: {  	v47 =	vunpack.i.l.bf16.f32 v47;
	v25 =	vld.idx.msk [tilespmem:v53+s4+$0x0], $0xffff;
	v28 =	vadd.f32 v44, v28;
	v18 =	vadd.f32 v23, v18  }
0x7b: {  	v29 =	vunpack.i.u.bf16.f32 v35;
	v23 =	vld [tilespmem:s16+$0x7880];
	v22 =	vadd.f32 v40, v22;
	v19 =	vadd.f32 v24, v19  }
0x7c: {  	v35 =	vunpack.i.l.bf16.f32 v35;
	v24 =	vld.idx.msk [tilespmem:v61+s4+$0x0], $0xffff;
	v27 =	vadd.f32 v27, v28;
	v18 =	vadd.f32 v38, v18  }
0x7d: {  	v28 =	vld.idx.msk [tilespmem:v62+s4+$0x0], $0xffff;
	v48 =	vunpack.i.u.bf16.f32 v26;
	v22 =	vadd.f32 v37, v22;
	v16 =	vadd.f32 v16, v19  }
0x7e: {  	v26 =	vunpack.i.l.bf16.f32 v26;
	v19 =	vld [tilespmem:s16+$0x8C80];
	v27 =	vadd.f32 v39, v27;
	v18 =	vadd.f32 v31, v18  }
0x7f: {  	v31 =	vld.idx.msk [tilespmem:v63+s4+$0x0], $0xffff;
	v49 =	vunpack.i.l.bf16.f32 v25;
	v22 =	vadd.f32 v30, v22;
	v16 =	vadd.f32 v34, v16  }
0x80: {  	v25 =	vunpack.i.u.bf16.f32 v25;
	v30 =	vadd.f32 $0.0e+00, v49;
	v27 =	vadd.f32 v33, v27  }
0x81: {  	v25 =	vadd.f32 $0.0e+00, v25;
	v21 =	vld.idx.msk [tilespmem:v21+s4+$0x0], $0xffff;
	v50 =	vunpack.i.u.bf16.f32 v24;
	v24 =	vunpack.i.l.bf16.f32 v24  }
0x82: {  	v51 =	vunpack.i.u.bf16.f32 v28;
	v24 =	vadd.f32 $0.0e+00, v24;
	v33 =	vadd.f32 $0.0e+00, v50  }
0x83: {  	v28 =	vunpack.i.l.bf16.f32 v28;
	v26 =	vadd.f32 v26, v30;
	v25 =	vadd.f32 v48, v25;
	v23 =	vld.idx.msk [tilespmem:v23+s4+$0x0], $0xffff  }
0x84: {  	v24 =	vadd.f32 v28, v24;
	v28 =	vadd.f32 v51, v33;
	v30 =	vunpack.i.u.bf16.f32 v31  }
0x85: {  	v52 =	vld.idx.msk [tilespmem:v42+s4+$0x0], $0xffff;
	v26 =	vadd.f32 v47, v26;
	v25 =	vadd.f32 v45, v25;
	v31 =	vunpack.i.l.bf16.f32 v31  }
0x86: {  	v24 =	vadd.f32 v31, v24;
	v28 =	vadd.f32 v30, v28;
	v30 =	vunpack.i.u.bf16.f32 v21  }
0x87: {  	v19 =	vld.idx.msk [tilespmem:v19+s4+$0x0], $0xffff;
	v26 =	vadd.f32 v35, v26;
	v25 =	vadd.f32 v29, v25;
	v21 =	vunpack.i.l.bf16.f32 v21  }
0x88: {  	v21 =	vadd.f32 v21, v24;
	v24 =	vadd.f32 v30, v28;
	v28 =	vunpack.i.u.bf16.f32 v23  }
0x89: {  	v20 =	vadd.f32 v20, v26;
	v25 =	vadd.f32 v46, v25;
	v23 =	vunpack.i.l.bf16.f32 v23  }
0x8a: {  	v21 =	vadd.f32 v23, v21;
	v23 =	vadd.f32 v28, v24;
	v24 =	vunpack.i.u.bf16.f32 v52  }
0x8b: {  	v17 =	vadd.f32 v17, v20;
	v20 =	vadd.f32 v41, v25;
	v25 =	vunpack.i.l.bf16.f32 v52  }
0x8c: {  	v21 =	vadd.f32 v25, v21;
	v23 =	vadd.f32 v24, v23;
	v24 =	vunpack.i.u.bf16.f32 v19  }
0x8d: {  	v14 =	vadd.f32 v14, v17;
	v13 =	vadd.f32 v13, v20;
	v17 =	vunpack.i.l.bf16.f32 v19  }
0x8e: {  	v6 =	vunpack.i.l.bf16.f32 v6;
	v17 =	vadd.f32 v17, v21;
	v19 =	vadd.f32 v24, v23  }
0x8f: {  	v9 =	vmul.f32 v15, v9;
	v12 =	vadd.f32 v12, v14;
	v11 =	vadd.f32 v11, v13  }
0x90: {  	v6 =	vadd.f32 v6, v17;
	v10 =	vadd.f32 v10, v19  }
0x91: {  	s18 =	sadd.s32 $0x0, s24;
	v8 =	vmul.f32 v9, v8;
	v13 =	vadd.f32 v16, v18;
	v14 =	vadd.f32 v27, v22  }
0x92: {  	s10 =	sand.u32 $0xFF80, s18;
	v6 =	vadd.f32 v6, v12;
	v10 =	vadd.f32 v10, v11  }
0x93: {  	s9 =	sor.u32 s9, s10;
	v8 =	vmul.f32 v8, v9  }
0x94: {  	v11 =	vld [tilespmem:s9+$0x0];
	v6 =	vadd.f32 v6, v13;
	v10 =	vadd.f32 v10, v14  }
0x95: {  	v8 =	vsub.f32 $1.500000000e+00, v8  }
0x96: {  	v6 =	vmul.f32 v6, v2;
	v10 =	vmul.f32 v10, v2  }
0x97: {  	v8 =	vmul.f32 v8, v9  }
0x98: {  	v6 =	vadd.f32 v6, v1;
	v9 =	vadd.f32 v10, v3  }
0x99: {  	v7 =	vmul.f32 v8, v7;
	v10 =	vunpack.i.u.bf16.f32 v11;
	v11 =	vunpack.i.l.bf16.f32 v11  }
0x9a: {  	v6 =	vmul.f32 v6, v11;
	v8 =	vmul.f32 v9, v10;
	_ =	sdelay $0x1  }
0x9b: {  	v7 =	vmul.f32 v7, v0;
	v6 =	vadd.f32 v6, v8;
	_ =	sdelay $0x1  }
0x9c: {  	s19 =	simm.s32 $0x80;
	s10 =	simm.s32 $0x10;
	v6 =	vsub.f32 v6, v7  }
0x9d: {  	s18 =	simm.s32 $0xF900;
	s16 =	sand.u32 $0x70, s10;
	s9 =	sand.u32 $0x3FFFFC00, s19  }
0x9e: {  	s17 =	sor.u32 s16, s9;
	[tilespmem:s18+$0x0] =	vst v6  }
0x9f: {  	v6 =	vld [tilespmem:s17+$0x8D00]  }
0xa0: {  	v7 =	vld [tilespmem:s17+$0x8D80]  }
0xa1: {  	v8 =	vld [tilespmem:s17+$0x8E00]  }
0xa2: {  	v9 =	vld [tilespmem:s17+$0x8E80]  }
0xa3: {  	v10 =	vld [tilespmem:s17+$0x8B00]  }
0xa4: {  	v11 =	vld [tilespmem:s17+$0x8B80]  }
0xa5: {  	v17 =	vld [tilespmem:s17+$0x7A00]  }
0xa6: {  	v18 =	vld [tilespmem:s17+$0x7700]  }
0xa7: {  	v19 =	vld [tilespmem:s17+$0x7780]  }
0xa8: {  	v20 =	vld [tilespmem:s17+$0x7800]  }
0xa9: {  	v21 =	vld [tilespmem:s17+$0x6500]  }
0xaa: {  	v25 =	vld [tilespmem:s17+$0x5100]  }
0xab: {  	v29 =	vld [tilespmem:s17+$0x4F00]  }
0xac: {  	v56 =	vld [tilespmem:s17+$0x4F80]  }
0xad: {  	v58 =	vld [tilespmem:s17+$0x5180]  }
0xae: {  	v13 =	vld.idx.msk [tilespmem:v7+s4+$0x0], $0xffff  }
0xaf: {  	v14 =	vld.idx.msk [tilespmem:v8+s4+$0x0], $0xffff  }
0xb0: {  	v15 =	vld.idx.msk [tilespmem:v10+s4+$0x0], $0xffff  }
0xb1: {  	s29 =	simm.s32 $0x20;
	v16 =	vld.idx.msk [tilespmem:v11+s4+$0x0], $0xffff  }
0xb2: {  	s9 =	sand.u32 $0x3FFFFF00, s29;
	v7 =	vld [tilespmem:s17+$0x8C00]  }
0xb3: {  	s9 =	sor.u32 s16, s9;
	v8 =	vld [tilespmem:s17+$0x7900]  }
0xb4: {  	v10 =	vld [tilespmem:s9+$0xEF80]  }
0xb5: {  	v11 =	vld [tilespmem:s9+$0xEF00]  }
0xb6: {  	v59 =	vld [tilespmem:s17+$0x6380]  }
0xb7: {  	v12 =	vld.idx.msk [tilespmem:v6+s4+$0x0], $0xffff  }
0xb8: {  	v6 =	vld.idx.msk [tilespmem:v9+s4+$0x0], $0xffff  }
0xb9: {  	v9 =	vld [tilespmem:s17+$0x7980]  }
0xba: {  	v17 =	vld.idx.msk [tilespmem:v17+s4+$0x0], $0xffff;
	v11 =	vsub.f32 v11, v4;
	v10 =	vsub.f32 v10, v5  }
0xbb: {  	v23 =	vld.idx.msk [tilespmem:v7+s4+$0x0], $0xffff  }
0xbc: {  	v30 =	vld.idx.msk [tilespmem:v8+s4+$0x0], $0xffff;
	v7 =	vmul.f32 v11, v11;
	v8 =	vmul.f32 v10, v10  }
0xbd: {  	v53 =	vld.idx.msk [tilespmem:v18+s4+$0x0], $0xffff  }
0xbe: {  	v54 =	vld.idx.msk [tilespmem:v19+s4+$0x0], $0xffff;
	v7 =	vadd.f32 v8, v7  }
0xbf: {  	v24 =	vld.idx.msk [tilespmem:v20+s4+$0x0], $0xffff  }
0xc0: {  	v20 =	vld [tilespmem:s17+$0x6300];
	v7 =	vmax.f32 v7, $9.999999960e-13  }
0xc1: {  	v31 =	vld.idx.msk [tilespmem:v9+s4+$0x0], $0xffff;
	v9 =	vshrl.u32 v7, $0x1;
	v8 =	vmul.f32 $5.000000000e-01, v7  }
0xc2: {  	v55 =	vld.idx.msk [tilespmem:v21+s4+$0x0], $0xffff;
	v19 =	vunpack.i.u.bf16.f32 v12;
	v22 =	vunpack.i.l.bf16.f32 v12;
	v9 =	vsub.s32 $0x5F3759DF, v9  }
0xc3: {  	v61 =	vld.idx.msk [tilespmem:v25+s4+$0x0], $0xffff;
	v18 =	vunpack.i.u.bf16.f32 v13;
	v21 =	vunpack.i.l.bf16.f32 v13;
	v10 =	vmul.f32 v9, v8  }
0xc4: {  	v62 =	vld.idx.msk [tilespmem:v29+s4+$0x0], $0xffff;
	v12 =	vunpack.i.l.bf16.f32 v14;
	v26 =	vunpack.i.u.bf16.f32 v15;
	v27 =	vunpack.i.l.bf16.f32 v15  }
0xc5: {  	v43 =	vld.idx.msk [tilespmem:v56+s4+$0x0], $0xffff;
	v25 =	vunpack.i.u.bf16.f32 v16;
	v28 =	vunpack.i.l.bf16.f32 v16;
	v10 =	vmul.f32 v9, v10  }
0xc6: {  	v57 =	vld [tilespmem:s17+$0x6580];
	v16 =	vunpack.i.u.bf16.f32 v17;
	v17 =	vunpack.i.l.bf16.f32 v17;
	v35 =	vunpack.i.u.bf16.f32 v53  }
0xc7: {  	v37 =	vunpack.i.l.bf16.f32 v53;
	v34 =	vunpack.i.u.bf16.f32 v54;
	v10 =	vsub.f32 $1.500000000e+00, v10  }
0xc8: {  	v33 =	vld [tilespmem:s17+$0x6600];
	v38 =	vunpack.i.u.bf16.f32 v55;
	v36 =	vunpack.i.l.bf16.f32 v54;
	v40 =	vunpack.i.l.bf16.f32 v55  }
0xc9: {  	v63 =	vunpack.i.l.bf16.f32 v62;
	v48 =	vunpack.i.u.bf16.f32 v61;
	v60 =	vld.idx.msk [tilespmem:v20+s4+$0x0], $0xffff;
	v9 =	vmul.f32 v9, v10  }
0xca: {  	v39 =	vld [tilespmem:s17+$0x6400];
	v49 =	vunpack.i.l.bf16.f32 v61;
	v51 =	vunpack.i.u.bf16.f32 v62;
	v52 =	vunpack.i.l.bf16.f32 v43  }
0xcb: {  	v41 =	vld [tilespmem:s17+$0x5200];
	v50 =	vadd.f32 $0.0e+00, v63;
	v11 =	vunpack.i.u.bf16.f32 v14;
	v15 =	vmul.f32 v9, v8  }
0xcc: {  	v42 =	vld.idx.msk [tilespmem:v58+s4+$0x0], $0xffff;
	v20 =	vunpack.i.u.bf16.f32 v24;
	v13 =	vunpack.i.u.bf16.f32 v23;
	v29 =	vunpack.i.u.bf16.f32 v30  }
0xcd: {  	v45 =	vld.idx.msk [tilespmem:v59+s4+$0x0], $0xffff;
	v14 =	vunpack.i.l.bf16.f32 v23;
	v32 =	vunpack.i.l.bf16.f32 v30;
	v15 =	vmul.f32 v15, v9  }
0xce: {  	v46 =	vld.idx.msk [tilespmem:v57+s4+$0x0], $0xffff;
	v30 =	vunpack.i.u.bf16.f32 v31;
	v31 =	vunpack.i.l.bf16.f32 v31;
	v44 =	vunpack.i.u.bf16.f32 v60  }
0xcf: {  	s13 =	sshll.u32 s25, $0x1;
	s19 =	simm.s32 $0x2;
	s9 =	smul.u32 $0x500, s25;
	v23 =	vld [tilespmem:s17+$0x7A80];
	v47 =	vunpack.i.l.bf16.f32 v60;
	v10 =	vunpack.i.u.bf16.f32 v6;
	v15 =	vsub.f32 $1.500000000e+00, v15  }
.LBB2_3:
0xd0: {  	p1 =	sne.s32 s19, $0x27;
	v51 =	vadd.f32 $0.0e+00, v51;
	v43 =	vunpack.i.u.bf16.f32 v43;
	v52 =	vadd.f32 $0.0e+00, v52;
	v53 =	vld [tilespmem:s17+$0x5000]  }
0xd1: {  	v43 =	vadd.f32 $0.0e+00, v43;
	v49 =	vadd.f32 v49, v50;
	v50 =	vunpack.i.l.bf16.f32 v42;
	v33 =	vld.idx.msk [tilespmem:v33+s4+$0x0], $0xffff  }
0xd2: {  	v42 =	vunpack.i.u.bf16.f32 v42;
	v54 =	vld [tilespmem:s17+$0x5080];
	v48 =	vadd.f32 v48, v51;
	v50 =	vadd.f32 v50, v52  }
0xd3: {  	v42 =	vadd.f32 v42, v43;
	v43 =	vld [tilespmem:s17+$0x5280];
	v47 =	vadd.f32 v47, v49;
	v49 =	vunpack.i.l.bf16.f32 v45  }
0xd4: {  	v45 =	vunpack.i.u.bf16.f32 v45;
	v44 =	vadd.f32 v44, v48;
	v48 =	vadd.f32 v49, v50;
	v39 =	vld.idx.msk [tilespmem:v39+s4+$0x0], $0xffff  }
0xd5: {  	v42 =	vadd.f32 v45, v42;
	v45 =	vld [tilespmem:s17+$0x6480];
	v40 =	vadd.f32 v40, v47;
	v47 =	vunpack.i.l.bf16.f32 v46  }
0xd6: {  	v41 =	vld.idx.msk [tilespmem:v41+s4+$0x0], $0xffff;
	v38 =	vadd.f32 v38, v44;
	v44 =	vunpack.i.u.bf16.f32 v46;
	v46 =	vadd.f32 v47, v48  }
0xd7: {  	v24 =	vunpack.i.l.bf16.f32 v24;
	v42 =	vadd.f32 v44, v42;
	v44 =	vld [tilespmem:s17+$0x6680];
	v37 =	vadd.f32 v37, v40  }
0xd8: {  	v47 =	vunpack.i.u.bf16.f32 v33;
	v40 =	vld.idx.msk [tilespmem:v53+s4+$0x0], $0xffff;
	v35 =	vadd.f32 v35, v38;
	v36 =	vadd.f32 v36, v46  }
0xd9: {  	v33 =	vunpack.i.l.bf16.f32 v33;
	v34 =	vadd.f32 v34, v42;
	v38 =	vld [tilespmem:s17+$0x7880];
	v32 =	vadd.f32 v32, v37  }
0xda: {  	v42 =	vunpack.i.u.bf16.f32 v39;
	v37 =	vld.idx.msk [tilespmem:v54+s4+$0x0], $0xffff;
	v29 =	vadd.f32 v29, v35;
	v31 =	vadd.f32 v31, v36  }
0xdb: {  	v36 =	vunpack.i.l.bf16.f32 v39;
	v35 =	vld.idx.msk [tilespmem:v43+s4+$0x0], $0xffff;
	v30 =	vadd.f32 v30, v34;
	v27 =	vadd.f32 v27, v32  }
0xdc: {  	v32 =	vunpack.i.u.bf16.f32 v41;
	v26 =	vadd.f32 v26, v29;
	v28 =	vadd.f32 v28, v31;
	v29 =	vld [tilespmem:s17+$0x8C80]  }
0xdd: {  	v31 =	vunpack.i.l.bf16.f32 v41;
	v34 =	vld.idx.msk [tilespmem:v45+s4+$0x0], $0xffff;
	v25 =	vadd.f32 v25, v30;
	v22 =	vadd.f32 v22, v27  }
0xde: {  	v27 =	vunpack.i.l.bf16.f32 v40;
	v19 =	vadd.f32 v19, v26;
	v21 =	vadd.f32 v21, v28  }
0xdf: {  	v26 =	vunpack.i.u.bf16.f32 v40;
	v27 =	vadd.f32 $0.0e+00, v27;
	v28 =	vld.idx.msk [tilespmem:v44+s4+$0x0], $0xffff;
	v18 =	vadd.f32 v18, v25  }
0xe0: {  	v25 =	vadd.f32 $0.0e+00, v26;
	v26 =	vunpack.i.u.bf16.f32 v37;
	v30 =	vunpack.i.l.bf16.f32 v37  }
0xe1: {  	v30 =	vadd.f32 $0.0e+00, v30;
	v26 =	vadd.f32 $0.0e+00, v26;
	v37 =	vunpack.i.u.bf16.f32 v35;
	v38 =	vld.idx.msk [tilespmem:v38+s4+$0x0], $0xffff  }
0xe2: {  	v27 =	vadd.f32 v31, v27;
	v31 =	vunpack.i.l.bf16.f32 v35;
	v25 =	vadd.f32 v32, v25  }
0xe3: {  	v30 =	vadd.f32 v31, v30;
	v26 =	vadd.f32 v37, v26;
	v31 =	vunpack.i.u.bf16.f32 v34;
	v23 =	vld.idx.msk [tilespmem:v23+s4+$0x0], $0xffff  }
0xe4: {  	v27 =	vadd.f32 v36, v27;
	v32 =	vunpack.i.l.bf16.f32 v34;
	v25 =	vadd.f32 v42, v25  }
0xe5: {  	v30 =	vadd.f32 v32, v30;
	v26 =	vadd.f32 v31, v26;
	v31 =	vunpack.i.u.bf16.f32 v28;
	v29 =	vld.idx.msk [tilespmem:v29+s4+$0x0], $0xffff  }
0xe6: {  	v27 =	vadd.f32 v33, v27;
	v28 =	vunpack.i.l.bf16.f32 v28;
	v25 =	vadd.f32 v47, v25  }
0xe7: {  	v28 =	vadd.f32 v28, v30;
	v26 =	vadd.f32 v31, v26;
	v30 =	vunpack.i.u.bf16.f32 v38  }
0xe8: {  	v24 =	vadd.f32 v24, v27;
	v20 =	vadd.f32 v20, v25;
	v25 =	vunpack.i.l.bf16.f32 v38  }
0xe9: {  	v25 =	vadd.f32 v25, v28;
	v26 =	vadd.f32 v30, v26;
	v27 =	vunpack.i.u.bf16.f32 v23  }
0xea: {  	v17 =	vadd.f32 v17, v24;
	v16 =	vadd.f32 v16, v20;
	v20 =	vunpack.i.l.bf16.f32 v23  }
0xeb: {  	v20 =	vadd.f32 v20, v25;
	v23 =	vadd.f32 v27, v26;
	v24 =	vunpack.i.u.bf16.f32 v29  }
0xec: {  	v14 =	vadd.f32 v14, v17;
	v13 =	vadd.f32 v13, v16;
	v16 =	vunpack.i.l.bf16.f32 v29  }
0xed: {  	v6 =	vunpack.i.l.bf16.f32 v6;
	v16 =	vadd.f32 v16, v20;
	v17 =	vadd.f32 v24, v23  }
0xee: {  	v9 =	vmul.f32 v15, v9;
	v12 =	vadd.f32 v12, v14;
	v11 =	vadd.f32 v11, v13  }
0xef: {  	v6 =	vadd.f32 v6, v16;
	v10 =	vadd.f32 v10, v17  }
0xf0: {  	v8 =	vmul.f32 v9, v8;
	s17 =	sadd.s32 s10, s24;
	v14 =	vadd.f32 v18, v19;
	v13 =	vadd.f32 v21, v22  }
0xf1: {  	s17 =	sand.u32 $0xFF80, s17;
	v6 =	vadd.f32 v6, v12;
	v10 =	vadd.f32 v10, v11  }
0xf2: {  	v8 =	vmul.f32 v8, v9;
	s16 =	sor.u32 s16, s17  }
0xf3: {  	v6 =	vadd.f32 v6, v13;
	v10 =	vadd.f32 v10, v14;
	v11 =	vld [tilespmem:s16+$0x0]  }
0xf4: {  	v8 =	vsub.f32 $1.500000000e+00, v8  }
0xf5: {  	v6 =	vmul.f32 v6, v2;
	v10 =	vmul.f32 v10, v2  }
0xf6: {  	v8 =	vmul.f32 v8, v9  }
0xf7: {  	v6 =	vadd.f32 v6, v1;
	v9 =	vadd.f32 v10, v3  }
0xf8: {  	v7 =	vmul.f32 v8, v7;
	v10 =	vunpack.i.u.bf16.f32 v11;
	v11 =	vunpack.i.l.bf16.f32 v11  }
0xf9: {  	v6 =	vmul.f32 v6, v11;
	v8 =	vmul.f32 v9, v10;
	_ =	sdelay $0x1  }
0xfa: {  	v7 =	vmul.f32 v7, v0;
	v6 =	vadd.f32 v6, v8;
	_ =	sdelay $0x1  }
0xfb: {  	s10 =	sadd.s32 $0x10, s10;
	s17 =	sshll.u32 s19, $0x7;
	v6 =	vsub.f32 v6, v7  }
0xfc: {  	s18 =	sadd.s32 $0x10, s18;
	s17 =	sand.u32 $0x3FFFFC00, s17;
	s16 =	sand.u32 $0x70, s10  }
0xfd: {  	s17 =	sor.u32 s16, s17;
	[tilespmem:s18+$0x0] =	vst v6  }
0xfe: {  	v6 =	vld [tilespmem:s17+$0x8D00]  }
0xff: {  	v7 =	vld [tilespmem:s17+$0x8D80]  }
0x100: {  	v8 =	vld [tilespmem:s17+$0x8E00]  }
0x101: {  	v9 =	vld [tilespmem:s17+$0x8E80]  }
0x102: {  	v10 =	vld [tilespmem:s17+$0x8B00]  }
0x103: {  	v11 =	vld [tilespmem:s17+$0x8B80];
	_ =	sdelay $0x2  }
0x104: {  	v12 =	vld.idx.msk [tilespmem:v6+s4+$0x0], $0xffff  }
0x105: {  	v13 =	vld.idx.msk [tilespmem:v7+s4+$0x0], $0xffff  }
0x106: {  	v14 =	vld.idx.msk [tilespmem:v8+s4+$0x0], $0xffff  }
0x107: {  	v6 =	vld.idx.msk [tilespmem:v9+s4+$0x0], $0xffff  }
0x108: {  	v15 =	vld.idx.msk [tilespmem:v10+s4+$0x0], $0xffff  }
0x109: {  	v16 =	vld.idx.msk [tilespmem:v11+s4+$0x0], $0xffff  }
0x10a: {  	s29 =	sshll.u32 s19, $0x5;
	v7 =	vld [tilespmem:s17+$0x8C00]  }
0x10b: {  	s29 =	sand.u32 $0x3FFFFF00, s29;
	v8 =	vld [tilespmem:s17+$0x7900]  }
0x10c: {  	s29 =	sor.u32 s16, s29;
	v9 =	vld [tilespmem:s17+$0x7980]  }
0x10d: {  	v10 =	vld [tilespmem:s29+$0xEF80]  }
0x10e: {  	v11 =	vld [tilespmem:s29+$0xEF00]  }
0x10f: {  	v17 =	vld [tilespmem:s17+$0x7A00]  }
0x110: {  	v18 =	vld [tilespmem:s17+$0x7700]  }
0x111: {  	v19 =	vld [tilespmem:s17+$0x7780]  }
0x112: {  	v20 =	vld [tilespmem:s17+$0x7800]  }
0x113: {  	v10 =	vsub.f32 v10, v5;
	v21 =	vld [tilespmem:s17+$0x6500];
	v11 =	vsub.f32 v11, v4  }
0x114: {  	v23 =	vld.idx.msk [tilespmem:v7+s4+$0x0], $0xffff  }
0x115: {  	v30 =	vld.idx.msk [tilespmem:v8+s4+$0x0], $0xffff;
	v7 =	vmul.f32 v11, v11;
	v8 =	vmul.f32 v10, v10  }
0x116: {  	v31 =	vld.idx.msk [tilespmem:v9+s4+$0x0], $0xffff  }
0x117: {  	v17 =	vld.idx.msk [tilespmem:v17+s4+$0x0], $0xffff;
	v7 =	vadd.f32 v8, v7  }
0x118: {  	v34 =	vld.idx.msk [tilespmem:v18+s4+$0x0], $0xffff  }
0x119: {  	v36 =	vld.idx.msk [tilespmem:v19+s4+$0x0], $0xffff;
	v7 =	vmax.f32 v7, $9.999999960e-13  }
0x11a: {  	v24 =	vld.idx.msk [tilespmem:v20+s4+$0x0], $0xffff;
	v9 =	vshrl.u32 v7, $0x1;
	v8 =	vmul.f32 $5.000000000e-01, v7  }
0x11b: {  	v40 =	vld.idx.msk [tilespmem:v21+s4+$0x0], $0xffff;
	v9 =	vsub.s32 $0x5F3759DF, v9  }
0x11c: {  	v20 =	vld [tilespmem:s17+$0x6300];
	v10 =	vmul.f32 v9, v8  }
0x11d: {  	v25 =	vld [tilespmem:s17+$0x5100]  }
0x11e: {  	v29 =	vld [tilespmem:s17+$0x4F00];
	v10 =	vmul.f32 v9, v10  }
0x11f: {  	v32 =	vld [tilespmem:s17+$0x4F80]  }
0x120: {  	v46 =	vld [tilespmem:s17+$0x6580];
	v10 =	vsub.f32 $1.500000000e+00, v10  }
0x121: {  	v22 =	vunpack.i.l.bf16.f32 v12;
	v19 =	vunpack.i.u.bf16.f32 v12;
	v35 =	vld [tilespmem:s17+$0x5180]  }
0x122: {  	v18 =	vunpack.i.u.bf16.f32 v13;
	v21 =	vunpack.i.l.bf16.f32 v13;
	v33 =	vld [tilespmem:s17+$0x6600];
	v9 =	vmul.f32 v9, v10  }
0x123: {  	v11 =	vunpack.i.u.bf16.f32 v14;
	v12 =	vunpack.i.l.bf16.f32 v14;
	v10 =	vunpack.i.u.bf16.f32 v6;
	v41 =	vld [tilespmem:s17+$0x6380]  }
0x124: {  	v26 =	vunpack.i.u.bf16.f32 v15;
	v27 =	vunpack.i.l.bf16.f32 v15;
	v45 =	vld.idx.msk [tilespmem:v20+s4+$0x0], $0xffff;
	v15 =	vmul.f32 v9, v8  }
0x125: {  	v28 =	vunpack.i.l.bf16.f32 v16;
	v13 =	vunpack.i.u.bf16.f32 v23;
	v49 =	vld.idx.msk [tilespmem:v25+s4+$0x0], $0xffff;
	v25 =	vunpack.i.u.bf16.f32 v16  }
0x126: {  	v14 =	vunpack.i.l.bf16.f32 v23;
	v50 =	vld.idx.msk [tilespmem:v29+s4+$0x0], $0xffff;
	v29 =	vunpack.i.u.bf16.f32 v30;
	v15 =	vmul.f32 v15, v9  }
0x127: {  	v43 =	vld.idx.msk [tilespmem:v32+s4+$0x0], $0xffff;
	v32 =	vunpack.i.l.bf16.f32 v30;
	v30 =	vunpack.i.u.bf16.f32 v31;
	v31 =	vunpack.i.l.bf16.f32 v31  }
0x128: {  	v16 =	vunpack.i.u.bf16.f32 v17;
	v17 =	vunpack.i.l.bf16.f32 v17;
	v23 =	vld [tilespmem:s17+$0x7A80];
	v15 =	vsub.f32 $1.500000000e+00, v15  }
.Ltmp0:
0x129: {  	v37 =	vunpack.i.l.bf16.f32 v34;
	v42 =	vld.idx.msk [tilespmem:v35+s4+$0x0], $0xffff;
	v35 =	vunpack.i.u.bf16.f32 v34;
	v34 =	vunpack.i.u.bf16.f32 v36;
	(pc) =	sbr.rel @p1 .LBB2_3-.Ltmp0, $4  }
0x12a: {  	v38 =	vunpack.i.u.bf16.f32 v40;
	v20 =	vunpack.i.u.bf16.f32 v24;
	v36 =	vunpack.i.l.bf16.f32 v36;
	v39 =	vld [tilespmem:s17+$0x6400]  }
0x12b: {  	v40 =	vunpack.i.l.bf16.f32 v40;
	v44 =	vunpack.i.u.bf16.f32 v45;
	v47 =	vunpack.i.l.bf16.f32 v45;
	v45 =	vld.idx.msk [tilespmem:v41+s4+$0x0], $0xffff  }
0x12c: {  	v48 =	vunpack.i.u.bf16.f32 v49;
	v49 =	vunpack.i.l.bf16.f32 v49;
	v52 =	vunpack.i.l.bf16.f32 v50;
	v41 =	vld [tilespmem:s17+$0x5200]  }
0x12d: {  	s19 =	sadd.s32 $0x1, s19;
	v51 =	vunpack.i.u.bf16.f32 v50;
	v50 =	vadd.f32 $0.0e+00, v52;
	v52 =	vunpack.i.l.bf16.f32 v43;
	v46 =	vld.idx.msk [tilespmem:v46+s4+$0x0], $0xffff  }
0x12e: {  	_ =	sdelay $0x1  }
0x12f: {  	v51 =	vadd.f32 $0.0e+00, v51;
	v43 =	vunpack.i.u.bf16.f32 v43;
	v52 =	vadd.f32 $0.0e+00, v52;
	v53 =	vld [tilespmem:s17+$0x5000]  }
0x130: {  	v63 =	vunpack.i.l.bf16.f32 v42;
	v55 =	vld [tilespmem:s17+$0x5080];
	v43 =	vadd.f32 $0.0e+00, v43;
	v49 =	vadd.f32 v49, v50  }
0x131: {  	v33 =	vld.idx.msk [tilespmem:v33+s4+$0x0], $0xffff;
	v54 =	vunpack.i.u.bf16.f32 v42;
	v48 =	vadd.f32 v48, v51;
	v50 =	vadd.f32 v63, v52  }
0x132: {  	v58 =	vld [tilespmem:s17+$0x5280];
	v57 =	vunpack.i.l.bf16.f32 v45;
	v42 =	vadd.f32 v54, v43;
	v56 =	vadd.f32 v47, v49  }
0x133: {  	v61 =	vld [tilespmem:s17+$0x6480];
	v59 =	vunpack.i.u.bf16.f32 v45;
	v44 =	vadd.f32 v44, v48;
	v47 =	vadd.f32 v57, v50  }
0x134: {  	v39 =	vld.idx.msk [tilespmem:v39+s4+$0x0], $0xffff;
	v60 =	vunpack.i.l.bf16.f32 v46;
	v42 =	vadd.f32 v59, v42;
	v40 =	vadd.f32 v40, v56  }
0x135: {  	v63 =	vld [tilespmem:s17+$0x6680];
	v62 =	vunpack.i.u.bf16.f32 v46;
	v38 =	vadd.f32 v38, v44;
	v43 =	vadd.f32 v60, v47  }
0x136: {  	v24 =	vunpack.i.l.bf16.f32 v24;
	v41 =	vld.idx.msk [tilespmem:v41+s4+$0x0], $0xffff;
	v42 =	vadd.f32 v62, v42;
	v37 =	vadd.f32 v37, v40  }
0x137: {  	v48 =	vunpack.i.u.bf16.f32 v33;
	v35 =	vadd.f32 v35, v38;
	v36 =	vadd.f32 v36, v43;
	v50 =	vld.idx.msk [tilespmem:v53+s4+$0x0], $0xffff  }
0x138: {  	v33 =	vunpack.i.l.bf16.f32 v33;
	v54 =	vld.idx.msk [tilespmem:v55+s4+$0x0], $0xffff;
	v34 =	vadd.f32 v34, v42;
	v32 =	vadd.f32 v32, v37  }
0x139: {  	v52 =	vld [tilespmem:s17+$0x7880];
	v53 =	vunpack.i.u.bf16.f32 v39;
	v29 =	vadd.f32 v29, v35;
	v31 =	vadd.f32 v31, v36  }
0x13a: {  	v55 =	vunpack.i.l.bf16.f32 v39;
	v30 =	vadd.f32 v30, v34;
	v27 =	vadd.f32 v27, v32  }
0x13b: {  	v56 =	vld.idx.msk [tilespmem:v58+s4+$0x0], $0xffff;
	v57 =	vunpack.i.u.bf16.f32 v41;
	v26 =	vadd.f32 v26, v29;
	v28 =	vadd.f32 v28, v31  }
0x13c: {  	v29 =	vld [tilespmem:s17+$0x8C80];
	v31 =	vunpack.i.l.bf16.f32 v41;
	v25 =	vadd.f32 v25, v30;
	v22 =	vadd.f32 v22, v27  }
0x13d: {  	v27 =	vld.idx.msk [tilespmem:v61+s4+$0x0], $0xffff;
	v30 =	vunpack.i.l.bf16.f32 v50;
	v35 =	vunpack.i.l.bf16.f32 v54;
	v19 =	vadd.f32 v19, v26  }
0x13e: {  	v21 =	vadd.f32 v21, v28;
	v26 =	vunpack.i.u.bf16.f32 v50;
	v28 =	vadd.f32 $0.0e+00, v30  }
0x13f: {  	v30 =	vunpack.i.u.bf16.f32 v54;
	v18 =	vadd.f32 v18, v25;
	v25 =	vld.idx.msk [tilespmem:v63+s4+$0x0], $0xffff;
	v26 =	vadd.f32 $0.0e+00, v26  }
0x140: {  	v58 =	vunpack.i.u.bf16.f32 v56;
	v35 =	vadd.f32 $0.0e+00, v35;
	v30 =	vadd.f32 $0.0e+00, v30  }
0x141: {  	v37 =	vld.idx.msk [tilespmem:v52+s4+$0x0], $0xffff;
	v28 =	vadd.f32 v31, v28;
	v31 =	vunpack.i.l.bf16.f32 v56;
	v26 =	vadd.f32 v57, v26  }
0x142: {  	v31 =	vadd.f32 v31, v35;
	v30 =	vadd.f32 v58, v30;
	v59 =	vunpack.i.u.bf16.f32 v27  }
0x143: {  	v23 =	vld.idx.msk [tilespmem:v23+s4+$0x0], $0xffff;
	v28 =	vadd.f32 v55, v28;
	v27 =	vunpack.i.l.bf16.f32 v27;
	v26 =	vadd.f32 v53, v26  }
0x144: {  	v27 =	vadd.f32 v27, v31;
	v30 =	vadd.f32 v59, v30;
	v31 =	vunpack.i.u.bf16.f32 v25  }
0x145: {  	v29 =	vld.idx.msk [tilespmem:v29+s4+$0x0], $0xffff;
	v28 =	vadd.f32 v33, v28;
	v25 =	vunpack.i.l.bf16.f32 v25;
	v26 =	vadd.f32 v48, v26  }
0x146: {  	v25 =	vadd.f32 v25, v27;
	v27 =	vadd.f32 v31, v30;
	v30 =	vunpack.i.u.bf16.f32 v37  }
0x147: {  	v24 =	vadd.f32 v24, v28;
	v20 =	vadd.f32 v20, v26;
	v26 =	vunpack.i.l.bf16.f32 v37  }
0x148: {  	v25 =	vadd.f32 v26, v25;
	v26 =	vadd.f32 v30, v27;
	v27 =	vunpack.i.u.bf16.f32 v23  }
0x149: {  	v17 =	vadd.f32 v17, v24;
	v16 =	vadd.f32 v16, v20;
	v20 =	vunpack.i.l.bf16.f32 v23  }
0x14a: {  	v24 =	vunpack.i.u.bf16.f32 v29;
	v20 =	vadd.f32 v20, v25;
	v23 =	vadd.f32 v27, v26  }
0x14b: {  	v14 =	vadd.f32 v14, v17;
	v13 =	vadd.f32 v13, v16;
	v16 =	vunpack.i.l.bf16.f32 v29  }
0x14c: {  	v6 =	vunpack.i.l.bf16.f32 v6;
	v16 =	vadd.f32 v16, v20;
	v17 =	vadd.f32 v24, v23  }
0x14d: {  	v9 =	vmul.f32 v15, v9;
	v12 =	vadd.f32 v12, v14;
	v11 =	vadd.f32 v11, v13  }
0x14e: {  	v6 =	vadd.f32 v6, v16;
	v10 =	vadd.f32 v10, v17  }
0x14f: {  	s10 =	sadd.s32 s10, s24;
	v8 =	vmul.f32 v9, v8;
	v14 =	vadd.f32 v18, v19;
	v13 =	vadd.f32 v21, v22  }
0x150: {  	s10 =	sand.u32 $0xFF80, s10;
	v6 =	vadd.f32 v6, v12;
	v10 =	vadd.f32 v10, v11  }
0x151: {  	s10 =	sor.u32 s16, s10;
	v8 =	vmul.f32 v8, v9  }
0x152: {  	v11 =	vld [tilespmem:s10+$0x0];
	v6 =	vadd.f32 v6, v13;
	v10 =	vadd.f32 v10, v14  }
0x153: {  	v8 =	vsub.f32 $1.500000000e+00, v8  }
0x154: {  	v6 =	vmul.f32 v6, v2;
	v10 =	vmul.f32 v10, v2  }
0x155: {  	v8 =	vmul.f32 v8, v9  }
0x156: {  	v6 =	vadd.f32 v6, v1;
	v9 =	vadd.f32 v10, v3  }
0x157: {  	v7 =	vmul.f32 v8, v7;
	v10 =	vunpack.i.u.bf16.f32 v11;
	v11 =	vunpack.i.l.bf16.f32 v11  }
0x158: {  	v6 =	vmul.f32 v6, v11;
	v8 =	vmul.f32 v9, v10;
	_ =	sdelay $0x1  }
0x159: {  	v7 =	vmul.f32 v7, v0;
	v6 =	vadd.f32 v6, v8;
	_ =	sdelay $0x1  }
0x15a: {  	s19 =	sadd.s32 s8, s9;
	v6 =	vsub.f32 v6, v7  }
0x15b: {  	s29 =	sadd.s32 $0x10, s18;
	s10 =	sshrl.u32 s19, $0x3  }
0x15c: {  	p1 =	seq.s32 s25, $0xE;
	s10 =	sadd.s32 s6, s10;
	[tilespmem:s29+$0x0] =	vst v6  }
0x15d: {  	[hbm4b:s10+s4] =	stream.linear.scatter [tilespmem:s12], [sflag:$0x4], $0x280, $0x38;
	[tilespmem:$0x17880] =	vst v63  }
0x15e: {  	s16 =	simm.s32 @p1 $0xFE00;
	s10 =	simm.s32 @p1 $0x0  }
0x15f: {  	[tilespmem:s16], [sflag:$0x3] =	stream.linear.gather @p1 [hbm4b:s21+s10], $0x1C00, $0x38;
	[tilespmem:$0x17880] =	vst v63  }
0x160: {  	s16 =	simm.s32 @p1 $0x11A00  }
0x161: {  	[tilespmem:s16], [sflag:$0x3] =	stream.linear.gather @p1 [hbm4b:s22+s10], $0x1C00, $0x38;
	[tilespmem:$0x17880] =	vst v63  }
0x162: {  	s16 =	simm.s32 @p1 $0x13600  }
0x163: {  	[tilespmem:s16], [sflag:$0x3] =	stream.linear.gather @p1 [hbm4b:s23+s10], $0x1C00, $0x38;
	[tilespmem:$0x17880] =	vst v63  }
0x164: {  	s16 =	simm.s32 @p1 $0x15200  }
0x165: {  	[tilespmem:s16], [sflag:$0x3] =	stream.linear.gather @p1 [hbm4b:s26+s10], $0x1C00, $0x38;
	[tilespmem:$0x17880] =	vst v63  }
0x166: {  	s16 =	sadd.s32 @!p1 $0x2, s13  }
0x167: {  	s17 =	simm.s32 @p1 $0x16E00;
	s18 =	smul.u32 @!p1 $0x1400, s16  }
0x168: {  	[tilespmem:s17], [sflag:$0x3] =	stream.linear.gather @p1 [hbm4b:s28+s10], $0x700, $0x38;
	[tilespmem:$0x17880] =	vst v63  }
0x169: {  	s10 =	sadd.s32 @!p1 s5, s18  }
0x16a: {  	s10 =	sshrl.u32 @!p1 s10, $0x3  }
0x16b: {  	s17 =	simm.s32 @!p1 $0x0;
	s18 =	simm.s32 @!p1 $0x4F00;
	s10 =	sadd.s32 @!p1 s3, s10  }
0x16c: {  	[tilespmem:s18], [sflag:$0x1] =	stream.linear.gather @!p1 [hbm4b:s10+s17], $0x1400, $0x38;
	[tilespmem:$0x17880] =	vst v63  }
0x16d: {  	s19 =	simm.s32 @!p1 $0x6300;
	s18 =	sadd.s32 @!p1 $0x4E80, s10  }
0x16e: {  	[tilespmem:s19], [sflag:$0x1] =	stream.linear.gather @!p1 [hbm4b:s18+s17], $0x1400, $0x38;
	[tilespmem:$0x17880] =	vst v63  }
0x16f: {  	s18 =	sadd.s32 @!p1 $0x9D00, s10;
	s19 =	simm.s32 @!p1 $0x7700  }
0x170: {  	[tilespmem:s19], [sflag:$0x1] =	stream.linear.gather @!p1 [hbm4b:s18+s17], $0x1400, $0x38;
	[tilespmem:$0x17880] =	vst v63  }
0x171: {  	s16 =	smul.u32 @!p1 $0x500, s16;
	s10 =	sadd.s32 @!p1 $0xEB80, s10;
	s18 =	simm.s32 @!p1 $0x8B00  }
0x172: {  	[tilespmem:s18], [sflag:$0x1] =	stream.linear.gather @!p1 [hbm4b:s10+s17], $0x1400, $0x38;
	[tilespmem:$0x17880] =	vst v63  }
0x173: {  	s10 =	sadd.s32 @!p1 s7, s16  }
0x174: {  	s10 =	sshrl.u32 @!p1 s10, $0x3  }
0x175: {  	s16 =	simm.s32 @!p1 $0xEF00;
	s10 =	sadd.s32 @!p1 s1, s10  }
0x176: {  	[tilespmem:s16], [sflag:$0x1] =	stream.linear.gather @!p1 [hbm4b:s10+s17], $0x500, $0x38;
	[tilespmem:$0x17880] =	vst v63  }
0x177: {  	_ =	swait.ge [sflag:s14], $0x5000  }
0x178: {  	[sflag:s14] =	ssyncset.done $0x0  }
0x179: {  	[sflag:s14] =	ssyncadd.s32 $0xFFFFB000  }
0x17a: {  	_ =	swait.ge [sflag:s14], $0x500  }
0x17b: {  	[sflag:s14] =	ssyncset.done $0x0  }
0x17c: {  	s16 =	simm.s32 @!p0 $0x5;
	[sflag:s14] =	ssyncadd.s32 $0xFFFFFB00  }
0x17d: {  	s18 =	simm.s32 $0x0;
	s17 =	simm.s32 $0x0;
	_ =	swait.ge @!p0 [sflag:s16], $0x280  }
0x17e: {  	s10 =	sand.u32 $0x70, s17;
	s17 =	sand.u32 $0x3FFFFC00, s18;
	[sflag:s16] =	ssyncset.done @!p0 $0x0  }
0x17f: {  	s19 =	sor.u32 s10, s17;
	[sflag:s16] =	ssyncadd.s32 @!p0 $0xFFFFFD80  }
0x180: {  	v6 =	vld [tilespmem:s19+$0xDD00]  }
0x181: {  	v7 =	vld [tilespmem:s19+$0xDD80]  }
0x182: {  	v8 =	vld [tilespmem:s19+$0xDE00]  }
0x183: {  	v9 =	vld [tilespmem:s19+$0xDE80]  }
0x184: {  	v10 =	vld [tilespmem:s19+$0xDB00]  }
0x185: {  	v11 =	vld [tilespmem:s19+$0xDB80]  }
0x186: {  	v17 =	vld [tilespmem:s19+$0xCA00]  }
0x187: {  	v18 =	vld [tilespmem:s19+$0xC700]  }
0x188: {  	v19 =	vld [tilespmem:s19+$0xC780]  }
0x189: {  	v20 =	vld [tilespmem:s19+$0xC800]  }
0x18a: {  	v21 =	vld [tilespmem:s19+$0xB500]  }
0x18b: {  	v25 =	vld [tilespmem:s19+$0xB300]  }
0x18c: {  	v26 =	vld [tilespmem:s19+$0xA100]  }
0x18d: {  	v27 =	vld [tilespmem:s19+$0x9F00]  }
0x18e: {  	v28 =	vld [tilespmem:s19+$0x9F80]  }
0x18f: {  	v29 =	vld [tilespmem:s19+$0xB580]  }
0x190: {  	v60 =	vld [tilespmem:s19+$0xA180]  }
0x191: {  	v62 =	vld [tilespmem:s19+$0xB380]  }
0x192: {  	v12 =	vld.idx.msk [tilespmem:v6+s4+$0x0], $0xffff  }
0x193: {  	v13 =	vld.idx.msk [tilespmem:v7+s4+$0x0], $0xffff  }
0x194: {  	v14 =	vld.idx.msk [tilespmem:v8+s4+$0x0], $0xffff  }
0x195: {  	v6 =	vld.idx.msk [tilespmem:v9+s4+$0x0], $0xffff  }
0x196: {  	v15 =	vld.idx.msk [tilespmem:v10+s4+$0x0], $0xffff  }
0x197: {  	s29 =	simm.s32 $0x0;
	v16 =	vld.idx.msk [tilespmem:v11+s4+$0x0], $0xffff  }
0x198: {  	s17 =	sand.u32 $0x3FFFFF00, s29;
	v7 =	vld [tilespmem:s19+$0xDC00]  }
0x199: {  	s17 =	sor.u32 s10, s17;
	v8 =	vld [tilespmem:s19+$0xC900]  }
0x19a: {  	v9 =	vld [tilespmem:s17+$0xF480]  }
0x19b: {  	v10 =	vld [tilespmem:s17+$0xF400]  }
0x19c: {  	v11 =	vld [tilespmem:s19+$0xC980]  }
0x19d: {  	v17 =	vld.idx.msk [tilespmem:v17+s4+$0x0], $0xffff  }
0x19e: {  	v18 =	vld.idx.msk [tilespmem:v18+s4+$0x0], $0xffff  }
0x19f: {  	v19 =	vld.idx.msk [tilespmem:v19+s4+$0x0], $0xffff  }
0x1a0: {  	v20 =	vld.idx.msk [tilespmem:v20+s4+$0x0], $0xffff;
	v10 =	vsub.f32 v10, v4;
	v9 =	vsub.f32 v9, v5  }
0x1a1: {  	v21 =	vld.idx.msk [tilespmem:v21+s4+$0x0], $0xffff;
	v30 =	vunpack.i.u.bf16.f32 v12;
	v31 =	vunpack.i.l.bf16.f32 v12;
	v33 =	vunpack.i.u.bf16.f32 v13  }
0x1a2: {  	v25 =	vld.idx.msk [tilespmem:v25+s4+$0x0], $0xffff;
	v34 =	vunpack.i.l.bf16.f32 v13;
	v12 =	vunpack.i.l.bf16.f32 v14;
	v37 =	vunpack.i.u.bf16.f32 v15  }
0x1a3: {  	v38 =	vunpack.i.l.bf16.f32 v15;
	v9 =	vmul.f32 v9, v9;
	v22 =	vld.idx.msk [tilespmem:v7+s4+$0x0], $0xffff;
	v7 =	vmul.f32 v10, v10  }
0x1a4: {  	v26 =	vld.idx.msk [tilespmem:v26+s4+$0x0], $0xffff;
	v39 =	vunpack.i.u.bf16.f32 v16;
	v16 =	vunpack.i.l.bf16.f32 v16;
	v41 =	vunpack.i.u.bf16.f32 v17  }
0x1a5: {  	v28 =	vld.idx.msk [tilespmem:v28+s4+$0x0], $0xffff;
	v17 =	vunpack.i.l.bf16.f32 v17;
	v43 =	vunpack.i.u.bf16.f32 v18;
	v7 =	vadd.f32 v9, v7  }
0x1a6: {  	v32 =	vld.idx.msk [tilespmem:v60+s4+$0x0], $0xffff;
	v18 =	vunpack.i.l.bf16.f32 v18;
	v44 =	vunpack.i.u.bf16.f32 v19;
	v45 =	vunpack.i.u.bf16.f32 v21  }
0x1a7: {  	v19 =	vunpack.i.l.bf16.f32 v19;
	v46 =	vunpack.i.u.bf16.f32 v20;
	v23 =	vld.idx.msk [tilespmem:v8+s4+$0x0], $0xffff;
	v7 =	vmax.f32 v7, $9.999999960e-13  }
0x1a8: {  	v63 =	vunpack.i.u.bf16.f32 v25;
	v24 =	vld.idx.msk [tilespmem:v11+s4+$0x0], $0xffff;
	v11 =	vunpack.i.u.bf16.f32 v14;
	v9 =	vshrl.u32 v7, $0x1  }
0x1a9: {  	v8 =	vmul.f32 $5.000000000e-01, v7;
	v13 =	vunpack.i.u.bf16.f32 v22;
	v14 =	vunpack.i.l.bf16.f32 v22;
	v22 =	vld.idx.msk [tilespmem:v27+s4+$0x0], $0xffff  }
0x1aa: {  	v61 =	vld [tilespmem:s19+$0xB600];
	v25 =	vunpack.i.l.bf16.f32 v25;
	v21 =	vunpack.i.l.bf16.f32 v21;
	v9 =	vsub.s32 $0x5F3759DF, v9  }
0x1ab: {  	v56 =	vunpack.i.u.bf16.f32 v26;
	v26 =	vunpack.i.l.bf16.f32 v26;
	v10 =	vmul.f32 v9, v8  }
0x1ac: {  	v47 =	vld [tilespmem:s19+$0xB400];
	v58 =	vunpack.i.l.bf16.f32 v28;
	v28 =	vunpack.i.u.bf16.f32 v28;
	v60 =	vunpack.i.l.bf16.f32 v32  }
0x1ad: {  	v32 =	vunpack.i.u.bf16.f32 v32;
	v20 =	vunpack.i.l.bf16.f32 v20;
	v10 =	vmul.f32 v9, v10  }
0x1ae: {  	v36 =	vld.idx.msk [tilespmem:v62+s4+$0x0], $0xffff;
	v52 =	vadd.f32 $0.0e+00, v58;
	v28 =	vadd.f32 $0.0e+00, v28;
	v55 =	vunpack.i.l.bf16.f32 v22  }
0x1af: {  	v57 =	vld [tilespmem:s19+$0xA200];
	v22 =	vunpack.i.u.bf16.f32 v22;
	v10 =	vsub.f32 $1.500000000e+00, v10;
	v49 =	vadd.f32 $0.0e+00, v55  }
0x1b0: {  	v59 =	vld [tilespmem:s19+$0xA000];
	v28 =	vadd.f32 v32, v28;
	v40 =	vunpack.i.u.bf16.f32 v23;
	v22 =	vadd.f32 $0.0e+00, v22  }
0x1b1: {  	v29 =	vld.idx.msk [tilespmem:v29+s4+$0x0], $0xffff;
	v23 =	vunpack.i.l.bf16.f32 v23;
	v9 =	vmul.f32 v9, v10;
	v26 =	vadd.f32 v26, v49  }
0x1b2: {  	v35 =	vld.idx.msk [tilespmem:v61+s4+$0x0], $0xffff;
	v27 =	vunpack.i.u.bf16.f32 v24;
	v22 =	vadd.f32 v56, v22;
	v49 =	vadd.f32 v60, v52  }
0x1b3: {  	v61 =	vld [tilespmem:s19+$0xA080];
	v15 =	vmul.f32 v9, v8;
	v25 =	vadd.f32 v25, v26;
	v26 =	vunpack.i.l.bf16.f32 v36  }
0x1b4: {  	v47 =	vld.idx.msk [tilespmem:v47+s4+$0x0], $0xffff;
	v22 =	vadd.f32 v63, v22;
	v36 =	vunpack.i.u.bf16.f32 v36;
	v26 =	vadd.f32 v26, v49  }
0x1b5: {  	v62 =	vld [tilespmem:s19+$0xA280];
	v28 =	vadd.f32 v36, v28;
	v15 =	vmul.f32 v15, v9;
	v21 =	vadd.f32 v21, v25  }
0x1b6: {  	v42 =	vld [tilespmem:s19+$0xCA80];
	v25 =	vunpack.i.l.bf16.f32 v29;
	v22 =	vadd.f32 v45, v22;
	v29 =	vunpack.i.u.bf16.f32 v29  }
0x1b7: {  	v24 =	vunpack.i.l.bf16.f32 v24;
	v63 =	vld [tilespmem:s19+$0xB480];
	v25 =	vadd.f32 v25, v26;
	v28 =	vadd.f32 v29, v28  }
0x1b8: {  	v10 =	vunpack.i.u.bf16.f32 v6;
	v26 =	vld.idx.msk [tilespmem:v57+s4+$0x0], $0xffff;
	v15 =	vsub.f32 $1.500000000e+00, v15;
	v18 =	vadd.f32 v18, v21  }
0x1b9: {  	v45 =	vunpack.i.u.bf16.f32 v47;
	v21 =	vld [tilespmem:s19+$0xB680];
	v22 =	vadd.f32 v43, v22;
	v19 =	vadd.f32 v19, v25  }
0x1ba: {  	v47 =	vunpack.i.l.bf16.f32 v47;
	v25 =	vld.idx.msk [tilespmem:v59+s4+$0x0], $0xffff;
	v28 =	vadd.f32 v44, v28;
	v18 =	vadd.f32 v23, v18  }
0x1bb: {  	v29 =	vunpack.i.u.bf16.f32 v35;
	v23 =	vld [tilespmem:s19+$0xC880];
	v22 =	vadd.f32 v40, v22;
	v19 =	vadd.f32 v24, v19  }
0x1bc: {  	v35 =	vunpack.i.l.bf16.f32 v35;
	v24 =	vld.idx.msk [tilespmem:v61+s4+$0x0], $0xffff;
	v27 =	vadd.f32 v27, v28;
	v18 =	vadd.f32 v38, v18  }
0x1bd: {  	v28 =	vld.idx.msk [tilespmem:v62+s4+$0x0], $0xffff;
	v48 =	vunpack.i.u.bf16.f32 v26;
	v22 =	vadd.f32 v37, v22;
	v16 =	vadd.f32 v16, v19  }
0x1be: {  	v26 =	vunpack.i.l.bf16.f32 v26;
	v19 =	vld [tilespmem:s19+$0xDC80];
	v27 =	vadd.f32 v39, v27;
	v18 =	vadd.f32 v31, v18  }
0x1bf: {  	v31 =	vld.idx.msk [tilespmem:v63+s4+$0x0], $0xffff;
	v49 =	vunpack.i.l.bf16.f32 v25;
	v22 =	vadd.f32 v30, v22;
	v16 =	vadd.f32 v34, v16  }
0x1c0: {  	v25 =	vunpack.i.u.bf16.f32 v25;
	v30 =	vadd.f32 $0.0e+00, v49;
	v27 =	vadd.f32 v33, v27  }
0x1c1: {  	v25 =	vadd.f32 $0.0e+00, v25;
	v21 =	vld.idx.msk [tilespmem:v21+s4+$0x0], $0xffff;
	v50 =	vunpack.i.u.bf16.f32 v24;
	v24 =	vunpack.i.l.bf16.f32 v24  }
0x1c2: {  	v51 =	vunpack.i.u.bf16.f32 v28;
	v24 =	vadd.f32 $0.0e+00, v24;
	v33 =	vadd.f32 $0.0e+00, v50  }
0x1c3: {  	v28 =	vunpack.i.l.bf16.f32 v28;
	v26 =	vadd.f32 v26, v30;
	v25 =	vadd.f32 v48, v25;
	v23 =	vld.idx.msk [tilespmem:v23+s4+$0x0], $0xffff  }
0x1c4: {  	v24 =	vadd.f32 v28, v24;
	v28 =	vadd.f32 v51, v33;
	v30 =	vunpack.i.u.bf16.f32 v31  }
0x1c5: {  	v52 =	vld.idx.msk [tilespmem:v42+s4+$0x0], $0xffff;
	v26 =	vadd.f32 v47, v26;
	v25 =	vadd.f32 v45, v25;
	v31 =	vunpack.i.l.bf16.f32 v31  }
0x1c6: {  	v24 =	vadd.f32 v31, v24;
	v28 =	vadd.f32 v30, v28;
	v30 =	vunpack.i.u.bf16.f32 v21  }
0x1c7: {  	v19 =	vld.idx.msk [tilespmem:v19+s4+$0x0], $0xffff;
	v26 =	vadd.f32 v35, v26;
	v25 =	vadd.f32 v29, v25;
	v21 =	vunpack.i.l.bf16.f32 v21  }
0x1c8: {  	v21 =	vadd.f32 v21, v24;
	v24 =	vadd.f32 v30, v28;
	v28 =	vunpack.i.u.bf16.f32 v23  }
0x1c9: {  	v20 =	vadd.f32 v20, v26;
	v25 =	vadd.f32 v46, v25;
	v23 =	vunpack.i.l.bf16.f32 v23  }
0x1ca: {  	v21 =	vadd.f32 v23, v21;
	v23 =	vadd.f32 v28, v24;
	v24 =	vunpack.i.u.bf16.f32 v52  }
0x1cb: {  	v17 =	vadd.f32 v17, v20;
	v20 =	vadd.f32 v41, v25;
	v25 =	vunpack.i.l.bf16.f32 v52  }
0x1cc: {  	v21 =	vadd.f32 v25, v21;
	v23 =	vadd.f32 v24, v23;
	v24 =	vunpack.i.u.bf16.f32 v19  }
0x1cd: {  	v14 =	vadd.f32 v14, v17;
	v13 =	vadd.f32 v13, v20;
	v17 =	vunpack.i.l.bf16.f32 v19  }
0x1ce: {  	v6 =	vunpack.i.l.bf16.f32 v6;
	v17 =	vadd.f32 v17, v21;
	v19 =	vadd.f32 v24, v23  }
0x1cf: {  	v9 =	vmul.f32 v15, v9;
	v12 =	vadd.f32 v12, v14;
	v11 =	vadd.f32 v11, v13  }
0x1d0: {  	v6 =	vadd.f32 v6, v17;
	v10 =	vadd.f32 v10, v19  }
0x1d1: {  	s18 =	sadd.s32 $0x0, s20;
	v8 =	vmul.f32 v9, v8;
	v13 =	vadd.f32 v16, v18;
	v14 =	vadd.f32 v27, v22  }
0x1d2: {  	s16 =	sand.u32 $0x1FF80, s18;
	v6 =	vadd.f32 v6, v12;
	v10 =	vadd.f32 v10, v11  }
0x1d3: {  	s10 =	sor.u32 s10, s16;
	v8 =	vmul.f32 v8, v9  }
0x1d4: {  	v11 =	vld [tilespmem:s10+$0x0];
	v6 =	vadd.f32 v6, v13;
	v10 =	vadd.f32 v10, v14  }
0x1d5: {  	v8 =	vsub.f32 $1.500000000e+00, v8  }
0x1d6: {  	v6 =	vmul.f32 v6, v2;
	v10 =	vmul.f32 v10, v2  }
0x1d7: {  	v8 =	vmul.f32 v8, v9  }
0x1d8: {  	v6 =	vadd.f32 v6, v1;
	v9 =	vadd.f32 v10, v3  }
0x1d9: {  	v7 =	vmul.f32 v8, v7;
	v10 =	vunpack.i.u.bf16.f32 v11;
	v11 =	vunpack.i.l.bf16.f32 v11  }
0x1da: {  	v6 =	vmul.f32 v6, v11;
	v8 =	vmul.f32 v9, v10;
	_ =	sdelay $0x1  }
0x1db: {  	v7 =	vmul.f32 v7, v0;
	v6 =	vadd.f32 v6, v8;
	_ =	sdelay $0x1  }
0x1dc: {  	s19 =	simm.s32 $0x80;
	s10 =	simm.s32 $0x10;
	v6 =	vsub.f32 v6, v7  }
0x1dd: {  	s18 =	simm.s32 $0xFB80;
	s17 =	sand.u32 $0x3FFFFC00, s19;
	s16 =	sand.u32 $0x70, s10  }
0x1de: {  	s17 =	sor.u32 s16, s17;
	[tilespmem:s18+$0x0] =	vst v6  }
0x1df: {  	v6 =	vld [tilespmem:s17+$0xDD00]  }
0x1e0: {  	v7 =	vld [tilespmem:s17+$0xDD80]  }
0x1e1: {  	v8 =	vld [tilespmem:s17+$0xDE00]  }
0x1e2: {  	v9 =	vld [tilespmem:s17+$0xDE80]  }
0x1e3: {  	v10 =	vld [tilespmem:s17+$0xDB00]  }
0x1e4: {  	v11 =	vld [tilespmem:s17+$0xDB80]  }
0x1e5: {  	v17 =	vld [tilespmem:s17+$0xCA00]  }
0x1e6: {  	v18 =	vld [tilespmem:s17+$0xC700]  }
0x1e7: {  	v19 =	vld [tilespmem:s17+$0xC780]  }
0x1e8: {  	v20 =	vld [tilespmem:s17+$0xC800]  }
0x1e9: {  	v21 =	vld [tilespmem:s17+$0xB500]  }
0x1ea: {  	v25 =	vld [tilespmem:s17+$0xA100]  }
0x1eb: {  	v29 =	vld [tilespmem:s17+$0x9F00]  }
0x1ec: {  	v56 =	vld [tilespmem:s17+$0x9F80]  }
0x1ed: {  	v58 =	vld [tilespmem:s17+$0xA180]  }
0x1ee: {  	v13 =	vld.idx.msk [tilespmem:v7+s4+$0x0], $0xffff  }
0x1ef: {  	v14 =	vld.idx.msk [tilespmem:v8+s4+$0x0], $0xffff  }
0x1f0: {  	v15 =	vld.idx.msk [tilespmem:v10+s4+$0x0], $0xffff  }
0x1f1: {  	s29 =	simm.s32 $0x20;
	v16 =	vld.idx.msk [tilespmem:v11+s4+$0x0], $0xffff  }
0x1f2: {  	s19 =	sand.u32 $0x3FFFFF00, s29;
	v7 =	vld [tilespmem:s17+$0xDC00]  }
0x1f3: {  	s19 =	sor.u32 s16, s19;
	v8 =	vld [tilespmem:s17+$0xC900]  }
0x1f4: {  	v10 =	vld [tilespmem:s19+$0xF480]  }
0x1f5: {  	v11 =	vld [tilespmem:s19+$0xF400]  }
0x1f6: {  	v59 =	vld [tilespmem:s17+$0xB380]  }
0x1f7: {  	v12 =	vld.idx.msk [tilespmem:v6+s4+$0x0], $0xffff  }
0x1f8: {  	v6 =	vld.idx.msk [tilespmem:v9+s4+$0x0], $0xffff  }
0x1f9: {  	v9 =	vld [tilespmem:s17+$0xC980]  }
0x1fa: {  	v17 =	vld.idx.msk [tilespmem:v17+s4+$0x0], $0xffff;
	v11 =	vsub.f32 v11, v4;
	v10 =	vsub.f32 v10, v5  }
0x1fb: {  	v23 =	vld.idx.msk [tilespmem:v7+s4+$0x0], $0xffff  }
0x1fc: {  	v30 =	vld.idx.msk [tilespmem:v8+s4+$0x0], $0xffff;
	v7 =	vmul.f32 v11, v11;
	v8 =	vmul.f32 v10, v10  }
0x1fd: {  	v53 =	vld.idx.msk [tilespmem:v18+s4+$0x0], $0xffff  }
0x1fe: {  	v54 =	vld.idx.msk [tilespmem:v19+s4+$0x0], $0xffff;
	v7 =	vadd.f32 v8, v7  }
0x1ff: {  	v24 =	vld.idx.msk [tilespmem:v20+s4+$0x0], $0xffff  }
0x200: {  	v20 =	vld [tilespmem:s17+$0xB300];
	v7 =	vmax.f32 v7, $9.999999960e-13  }
0x201: {  	v31 =	vld.idx.msk [tilespmem:v9+s4+$0x0], $0xffff;
	v9 =	vshrl.u32 v7, $0x1;
	v8 =	vmul.f32 $5.000000000e-01, v7  }
0x202: {  	v55 =	vld.idx.msk [tilespmem:v21+s4+$0x0], $0xffff;
	v19 =	vunpack.i.u.bf16.f32 v12;
	v22 =	vunpack.i.l.bf16.f32 v12;
	v9 =	vsub.s32 $0x5F3759DF, v9  }
0x203: {  	v61 =	vld.idx.msk [tilespmem:v25+s4+$0x0], $0xffff;
	v18 =	vunpack.i.u.bf16.f32 v13;
	v21 =	vunpack.i.l.bf16.f32 v13;
	v10 =	vmul.f32 v9, v8  }
0x204: {  	v62 =	vld.idx.msk [tilespmem:v29+s4+$0x0], $0xffff;
	v12 =	vunpack.i.l.bf16.f32 v14;
	v26 =	vunpack.i.u.bf16.f32 v15;
	v27 =	vunpack.i.l.bf16.f32 v15  }
0x205: {  	v43 =	vld.idx.msk [tilespmem:v56+s4+$0x0], $0xffff;
	v25 =	vunpack.i.u.bf16.f32 v16;
	v28 =	vunpack.i.l.bf16.f32 v16;
	v10 =	vmul.f32 v9, v10  }
0x206: {  	v57 =	vld [tilespmem:s17+$0xB580];
	v16 =	vunpack.i.u.bf16.f32 v17;
	v17 =	vunpack.i.l.bf16.f32 v17;
	v35 =	vunpack.i.u.bf16.f32 v53  }
0x207: {  	v37 =	vunpack.i.l.bf16.f32 v53;
	v34 =	vunpack.i.u.bf16.f32 v54;
	v10 =	vsub.f32 $1.500000000e+00, v10  }
0x208: {  	v33 =	vld [tilespmem:s17+$0xB600];
	v38 =	vunpack.i.u.bf16.f32 v55;
	v36 =	vunpack.i.l.bf16.f32 v54;
	v40 =	vunpack.i.l.bf16.f32 v55  }
0x209: {  	v63 =	vunpack.i.l.bf16.f32 v62;
	v48 =	vunpack.i.u.bf16.f32 v61;
	v60 =	vld.idx.msk [tilespmem:v20+s4+$0x0], $0xffff;
	v9 =	vmul.f32 v9, v10  }
0x20a: {  	v39 =	vld [tilespmem:s17+$0xB400];
	v49 =	vunpack.i.l.bf16.f32 v61;
	v51 =	vunpack.i.u.bf16.f32 v62;
	v52 =	vunpack.i.l.bf16.f32 v43  }
0x20b: {  	v41 =	vld [tilespmem:s17+$0xA200];
	v50 =	vadd.f32 $0.0e+00, v63;
	v11 =	vunpack.i.u.bf16.f32 v14;
	v15 =	vmul.f32 v9, v8  }
0x20c: {  	v42 =	vld.idx.msk [tilespmem:v58+s4+$0x0], $0xffff;
	v20 =	vunpack.i.u.bf16.f32 v24;
	v13 =	vunpack.i.u.bf16.f32 v23;
	v29 =	vunpack.i.u.bf16.f32 v30  }
0x20d: {  	v45 =	vld.idx.msk [tilespmem:v59+s4+$0x0], $0xffff;
	v14 =	vunpack.i.l.bf16.f32 v23;
	v32 =	vunpack.i.l.bf16.f32 v30;
	v15 =	vmul.f32 v15, v9  }
0x20e: {  	v46 =	vld.idx.msk [tilespmem:v57+s4+$0x0], $0xffff;
	v30 =	vunpack.i.u.bf16.f32 v31;
	v31 =	vunpack.i.l.bf16.f32 v31;
	v44 =	vunpack.i.u.bf16.f32 v60  }
0x20f: {  	s9 =	sadd.s32 $0x280, s9;
	s19 =	simm.s32 $0x2;
	v23 =	vld [tilespmem:s17+$0xCA80];
	v47 =	vunpack.i.l.bf16.f32 v60;
	v10 =	vunpack.i.u.bf16.f32 v6;
	v15 =	vsub.f32 $1.500000000e+00, v15  }
.LBB2_5:
0x210: {  	p0 =	sne.s32 s19, $0x27;
	v51 =	vadd.f32 $0.0e+00, v51;
	v43 =	vunpack.i.u.bf16.f32 v43;
	v52 =	vadd.f32 $0.0e+00, v52;
	v53 =	vld [tilespmem:s17+$0xA000]  }
0x211: {  	v43 =	vadd.f32 $0.0e+00, v43;
	v49 =	vadd.f32 v49, v50;
	v50 =	vunpack.i.l.bf16.f32 v42;
	v33 =	vld.idx.msk [tilespmem:v33+s4+$0x0], $0xffff  }
0x212: {  	v42 =	vunpack.i.u.bf16.f32 v42;
	v54 =	vld [tilespmem:s17+$0xA080];
	v48 =	vadd.f32 v48, v51;
	v50 =	vadd.f32 v50, v52  }
0x213: {  	v42 =	vadd.f32 v42, v43;
	v43 =	vld [tilespmem:s17+$0xA280];
	v47 =	vadd.f32 v47, v49;
	v49 =	vunpack.i.l.bf16.f32 v45  }
0x214: {  	v45 =	vunpack.i.u.bf16.f32 v45;
	v44 =	vadd.f32 v44, v48;
	v48 =	vadd.f32 v49, v50;
	v39 =	vld.idx.msk [tilespmem:v39+s4+$0x0], $0xffff  }
0x215: {  	v42 =	vadd.f32 v45, v42;
	v45 =	vld [tilespmem:s17+$0xB480];
	v40 =	vadd.f32 v40, v47;
	v47 =	vunpack.i.l.bf16.f32 v46  }
0x216: {  	v41 =	vld.idx.msk [tilespmem:v41+s4+$0x0], $0xffff;
	v38 =	vadd.f32 v38, v44;
	v44 =	vunpack.i.u.bf16.f32 v46;
	v46 =	vadd.f32 v47, v48  }
0x217: {  	v24 =	vunpack.i.l.bf16.f32 v24;
	v42 =	vadd.f32 v44, v42;
	v44 =	vld [tilespmem:s17+$0xB680];
	v37 =	vadd.f32 v37, v40  }
0x218: {  	v47 =	vunpack.i.u.bf16.f32 v33;
	v40 =	vld.idx.msk [tilespmem:v53+s4+$0x0], $0xffff;
	v35 =	vadd.f32 v35, v38;
	v36 =	vadd.f32 v36, v46  }
0x219: {  	v33 =	vunpack.i.l.bf16.f32 v33;
	v34 =	vadd.f32 v34, v42;
	v38 =	vld [tilespmem:s17+$0xC880];
	v32 =	vadd.f32 v32, v37  }
0x21a: {  	v42 =	vunpack.i.u.bf16.f32 v39;
	v37 =	vld.idx.msk [tilespmem:v54+s4+$0x0], $0xffff;
	v29 =	vadd.f32 v29, v35;
	v31 =	vadd.f32 v31, v36  }
0x21b: {  	v36 =	vunpack.i.l.bf16.f32 v39;
	v35 =	vld.idx.msk [tilespmem:v43+s4+$0x0], $0xffff;
	v30 =	vadd.f32 v30, v34;
	v27 =	vadd.f32 v27, v32  }
0x21c: {  	v32 =	vunpack.i.u.bf16.f32 v41;
	v26 =	vadd.f32 v26, v29;
	v28 =	vadd.f32 v28, v31;
	v29 =	vld [tilespmem:s17+$0xDC80]  }
0x21d: {  	v31 =	vunpack.i.l.bf16.f32 v41;
	v34 =	vld.idx.msk [tilespmem:v45+s4+$0x0], $0xffff;
	v25 =	vadd.f32 v25, v30;
	v22 =	vadd.f32 v22, v27  }
0x21e: {  	v27 =	vunpack.i.l.bf16.f32 v40;
	v19 =	vadd.f32 v19, v26;
	v21 =	vadd.f32 v21, v28  }
0x21f: {  	v26 =	vunpack.i.u.bf16.f32 v40;
	v27 =	vadd.f32 $0.0e+00, v27;
	v28 =	vld.idx.msk [tilespmem:v44+s4+$0x0], $0xffff;
	v18 =	vadd.f32 v18, v25  }
0x220: {  	v25 =	vadd.f32 $0.0e+00, v26;
	v26 =	vunpack.i.u.bf16.f32 v37;
	v30 =	vunpack.i.l.bf16.f32 v37  }
0x221: {  	v30 =	vadd.f32 $0.0e+00, v30;
	v26 =	vadd.f32 $0.0e+00, v26;
	v37 =	vunpack.i.u.bf16.f32 v35;
	v38 =	vld.idx.msk [tilespmem:v38+s4+$0x0], $0xffff  }
0x222: {  	v27 =	vadd.f32 v31, v27;
	v31 =	vunpack.i.l.bf16.f32 v35;
	v25 =	vadd.f32 v32, v25  }
0x223: {  	v30 =	vadd.f32 v31, v30;
	v26 =	vadd.f32 v37, v26;
	v31 =	vunpack.i.u.bf16.f32 v34;
	v23 =	vld.idx.msk [tilespmem:v23+s4+$0x0], $0xffff  }
0x224: {  	v27 =	vadd.f32 v36, v27;
	v32 =	vunpack.i.l.bf16.f32 v34;
	v25 =	vadd.f32 v42, v25  }
0x225: {  	v30 =	vadd.f32 v32, v30;
	v26 =	vadd.f32 v31, v26;
	v31 =	vunpack.i.u.bf16.f32 v28;
	v29 =	vld.idx.msk [tilespmem:v29+s4+$0x0], $0xffff  }
0x226: {  	v27 =	vadd.f32 v33, v27;
	v28 =	vunpack.i.l.bf16.f32 v28;
	v25 =	vadd.f32 v47, v25  }
0x227: {  	v28 =	vadd.f32 v28, v30;
	v26 =	vadd.f32 v31, v26;
	v30 =	vunpack.i.u.bf16.f32 v38  }
0x228: {  	v24 =	vadd.f32 v24, v27;
	v20 =	vadd.f32 v20, v25;
	v25 =	vunpack.i.l.bf16.f32 v38  }
0x229: {  	v25 =	vadd.f32 v25, v28;
	v26 =	vadd.f32 v30, v26;
	v27 =	vunpack.i.u.bf16.f32 v23  }
0x22a: {  	v17 =	vadd.f32 v17, v24;
	v16 =	vadd.f32 v16, v20;
	v20 =	vunpack.i.l.bf16.f32 v23  }
0x22b: {  	v20 =	vadd.f32 v20, v25;
	v23 =	vadd.f32 v27, v26;
	v24 =	vunpack.i.u.bf16.f32 v29  }
0x22c: {  	v14 =	vadd.f32 v14, v17;
	v13 =	vadd.f32 v13, v16;
	v16 =	vunpack.i.l.bf16.f32 v29  }
0x22d: {  	v6 =	vunpack.i.l.bf16.f32 v6;
	v16 =	vadd.f32 v16, v20;
	v17 =	vadd.f32 v24, v23  }
0x22e: {  	v9 =	vmul.f32 v15, v9;
	v12 =	vadd.f32 v12, v14;
	v11 =	vadd.f32 v11, v13  }
0x22f: {  	v6 =	vadd.f32 v6, v16;
	v10 =	vadd.f32 v10, v17  }
0x230: {  	v8 =	vmul.f32 v9, v8;
	s17 =	sadd.s32 s10, s20;
	v14 =	vadd.f32 v18, v19;
	v13 =	vadd.f32 v21, v22  }
0x231: {  	s17 =	sand.u32 $0x1FF80, s17;
	v6 =	vadd.f32 v6, v12;
	v10 =	vadd.f32 v10, v11  }
0x232: {  	v8 =	vmul.f32 v8, v9;
	s16 =	sor.u32 s16, s17  }
0x233: {  	v6 =	vadd.f32 v6, v13;
	v10 =	vadd.f32 v10, v14;
	v11 =	vld [tilespmem:s16+$0x0]  }
0x234: {  	v8 =	vsub.f32 $1.500000000e+00, v8  }
0x235: {  	v6 =	vmul.f32 v6, v2;
	v10 =	vmul.f32 v10, v2  }
0x236: {  	v8 =	vmul.f32 v8, v9  }
0x237: {  	v6 =	vadd.f32 v6, v1;
	v9 =	vadd.f32 v10, v3  }
0x238: {  	v7 =	vmul.f32 v8, v7;
	v10 =	vunpack.i.u.bf16.f32 v11;
	v11 =	vunpack.i.l.bf16.f32 v11  }
0x239: {  	v6 =	vmul.f32 v6, v11;
	v8 =	vmul.f32 v9, v10;
	_ =	sdelay $0x1  }
0x23a: {  	v7 =	vmul.f32 v7, v0;
	v6 =	vadd.f32 v6, v8;
	_ =	sdelay $0x1  }
0x23b: {  	s10 =	sadd.s32 $0x10, s10;
	s17 =	sshll.u32 s19, $0x7;
	v6 =	vsub.f32 v6, v7  }
0x23c: {  	s18 =	sadd.s32 $0x10, s18;
	s17 =	sand.u32 $0x3FFFFC00, s17;
	s16 =	sand.u32 $0x70, s10  }
0x23d: {  	s17 =	sor.u32 s16, s17;
	[tilespmem:s18+$0x0] =	vst v6  }
0x23e: {  	v6 =	vld [tilespmem:s17+$0xDD00]  }
0x23f: {  	v7 =	vld [tilespmem:s17+$0xDD80]  }
0x240: {  	v8 =	vld [tilespmem:s17+$0xDE00]  }
0x241: {  	v9 =	vld [tilespmem:s17+$0xDE80]  }
0x242: {  	v10 =	vld [tilespmem:s17+$0xDB00]  }
0x243: {  	v11 =	vld [tilespmem:s17+$0xDB80];
	_ =	sdelay $0x2  }
0x244: {  	v12 =	vld.idx.msk [tilespmem:v6+s4+$0x0], $0xffff  }
0x245: {  	v13 =	vld.idx.msk [tilespmem:v7+s4+$0x0], $0xffff  }
0x246: {  	v14 =	vld.idx.msk [tilespmem:v8+s4+$0x0], $0xffff  }
0x247: {  	v6 =	vld.idx.msk [tilespmem:v9+s4+$0x0], $0xffff  }
0x248: {  	v15 =	vld.idx.msk [tilespmem:v10+s4+$0x0], $0xffff  }
0x249: {  	v16 =	vld.idx.msk [tilespmem:v11+s4+$0x0], $0xffff  }
0x24a: {  	s29 =	sshll.u32 s19, $0x5;
	v7 =	vld [tilespmem:s17+$0xDC00]  }
0x24b: {  	s29 =	sand.u32 $0x3FFFFF00, s29;
	v8 =	vld [tilespmem:s17+$0xC900]  }
0x24c: {  	s29 =	sor.u32 s16, s29;
	v9 =	vld [tilespmem:s17+$0xC980]  }
0x24d: {  	v10 =	vld [tilespmem:s29+$0xF480]  }
0x24e: {  	v11 =	vld [tilespmem:s29+$0xF400]  }
0x24f: {  	v17 =	vld [tilespmem:s17+$0xCA00]  }
0x250: {  	v18 =	vld [tilespmem:s17+$0xC700]  }
0x251: {  	v19 =	vld [tilespmem:s17+$0xC780]  }
0x252: {  	v20 =	vld [tilespmem:s17+$0xC800]  }
0x253: {  	v10 =	vsub.f32 v10, v5;
	v21 =	vld [tilespmem:s17+$0xB500];
	v11 =	vsub.f32 v11, v4  }
0x254: {  	v23 =	vld.idx.msk [tilespmem:v7+s4+$0x0], $0xffff  }
0x255: {  	v30 =	vld.idx.msk [tilespmem:v8+s4+$0x0], $0xffff;
	v7 =	vmul.f32 v11, v11;
	v8 =	vmul.f32 v10, v10  }
0x256: {  	v31 =	vld.idx.msk [tilespmem:v9+s4+$0x0], $0xffff  }
0x257: {  	v17 =	vld.idx.msk [tilespmem:v17+s4+$0x0], $0xffff;
	v7 =	vadd.f32 v8, v7  }
0x258: {  	v34 =	vld.idx.msk [tilespmem:v18+s4+$0x0], $0xffff  }
0x259: {  	v36 =	vld.idx.msk [tilespmem:v19+s4+$0x0], $0xffff;
	v7 =	vmax.f32 v7, $9.999999960e-13  }
0x25a: {  	v24 =	vld.idx.msk [tilespmem:v20+s4+$0x0], $0xffff;
	v9 =	vshrl.u32 v7, $0x1;
	v8 =	vmul.f32 $5.000000000e-01, v7  }
0x25b: {  	v40 =	vld.idx.msk [tilespmem:v21+s4+$0x0], $0xffff;
	v9 =	vsub.s32 $0x5F3759DF, v9  }
0x25c: {  	v20 =	vld [tilespmem:s17+$0xB300];
	v10 =	vmul.f32 v9, v8  }
0x25d: {  	v25 =	vld [tilespmem:s17+$0xA100]  }
0x25e: {  	v29 =	vld [tilespmem:s17+$0x9F00];
	v10 =	vmul.f32 v9, v10  }
0x25f: {  	v32 =	vld [tilespmem:s17+$0x9F80]  }
0x260: {  	v46 =	vld [tilespmem:s17+$0xB580];
	v10 =	vsub.f32 $1.500000000e+00, v10  }
0x261: {  	v22 =	vunpack.i.l.bf16.f32 v12;
	v19 =	vunpack.i.u.bf16.f32 v12;
	v35 =	vld [tilespmem:s17+$0xA180]  }
0x262: {  	v18 =	vunpack.i.u.bf16.f32 v13;
	v21 =	vunpack.i.l.bf16.f32 v13;
	v33 =	vld [tilespmem:s17+$0xB600];
	v9 =	vmul.f32 v9, v10  }
0x263: {  	v11 =	vunpack.i.u.bf16.f32 v14;
	v12 =	vunpack.i.l.bf16.f32 v14;
	v10 =	vunpack.i.u.bf16.f32 v6;
	v41 =	vld [tilespmem:s17+$0xB380]  }
0x264: {  	v26 =	vunpack.i.u.bf16.f32 v15;
	v27 =	vunpack.i.l.bf16.f32 v15;
	v45 =	vld.idx.msk [tilespmem:v20+s4+$0x0], $0xffff;
	v15 =	vmul.f32 v9, v8  }
0x265: {  	v28 =	vunpack.i.l.bf16.f32 v16;
	v13 =	vunpack.i.u.bf16.f32 v23;
	v49 =	vld.idx.msk [tilespmem:v25+s4+$0x0], $0xffff;
	v25 =	vunpack.i.u.bf16.f32 v16  }
0x266: {  	v14 =	vunpack.i.l.bf16.f32 v23;
	v50 =	vld.idx.msk [tilespmem:v29+s4+$0x0], $0xffff;
	v29 =	vunpack.i.u.bf16.f32 v30;
	v15 =	vmul.f32 v15, v9  }
0x267: {  	v43 =	vld.idx.msk [tilespmem:v32+s4+$0x0], $0xffff;
	v32 =	vunpack.i.l.bf16.f32 v30;
	v30 =	vunpack.i.u.bf16.f32 v31;
	v31 =	vunpack.i.l.bf16.f32 v31  }
0x268: {  	v16 =	vunpack.i.u.bf16.f32 v17;
	v17 =	vunpack.i.l.bf16.f32 v17;
	v23 =	vld [tilespmem:s17+$0xCA80];
	v15 =	vsub.f32 $1.500000000e+00, v15  }
.Ltmp1:
0x269: {  	v37 =	vunpack.i.l.bf16.f32 v34;
	v42 =	vld.idx.msk [tilespmem:v35+s4+$0x0], $0xffff;
	v35 =	vunpack.i.u.bf16.f32 v34;
	v34 =	vunpack.i.u.bf16.f32 v36;
	(pc) =	sbr.rel @p0 .LBB2_5-.Ltmp1, $4  }
0x26a: {  	v38 =	vunpack.i.u.bf16.f32 v40;
	v20 =	vunpack.i.u.bf16.f32 v24;
	v36 =	vunpack.i.l.bf16.f32 v36;
	v39 =	vld [tilespmem:s17+$0xB400]  }
0x26b: {  	v40 =	vunpack.i.l.bf16.f32 v40;
	v44 =	vunpack.i.u.bf16.f32 v45;
	v47 =	vunpack.i.l.bf16.f32 v45;
	v45 =	vld.idx.msk [tilespmem:v41+s4+$0x0], $0xffff  }
0x26c: {  	v48 =	vunpack.i.u.bf16.f32 v49;
	v49 =	vunpack.i.l.bf16.f32 v49;
	v52 =	vunpack.i.l.bf16.f32 v50;
	v41 =	vld [tilespmem:s17+$0xA200]  }
0x26d: {  	s19 =	sadd.s32 $0x1, s19;
	v51 =	vunpack.i.u.bf16.f32 v50;
	v50 =	vadd.f32 $0.0e+00, v52;
	v52 =	vunpack.i.l.bf16.f32 v43;
	v46 =	vld.idx.msk [tilespmem:v46+s4+$0x0], $0xffff  }
0x26e: {  	_ =	sdelay $0x2  }
0x26f: {  	v51 =	vadd.f32 $0.0e+00, v51;
	v43 =	vunpack.i.u.bf16.f32 v43;
	v52 =	vadd.f32 $0.0e+00, v52;
	v53 =	vld [tilespmem:s17+$0xA000]  }
0x270: {  	v54 =	vunpack.i.l.bf16.f32 v42;
	v33 =	vld.idx.msk [tilespmem:v33+s4+$0x0], $0xffff;
	v43 =	vadd.f32 $0.0e+00, v43;
	v49 =	vadd.f32 v49, v50  }
0x271: {  	v55 =	vunpack.i.u.bf16.f32 v42;
	v56 =	vld [tilespmem:s17+$0xA080];
	v48 =	vadd.f32 v48, v51;
	v50 =	vadd.f32 v54, v52  }
0x272: {  	v59 =	vld [tilespmem:s17+$0xA280];
	v58 =	vunpack.i.l.bf16.f32 v45;
	v42 =	vadd.f32 v55, v43;
	v57 =	vadd.f32 v47, v49  }
0x273: {  	v62 =	vld [tilespmem:s17+$0xB480];
	v60 =	vunpack.i.u.bf16.f32 v45;
	v44 =	vadd.f32 v44, v48;
	v47 =	vadd.f32 v58, v50  }
0x274: {  	v39 =	vld.idx.msk [tilespmem:v39+s4+$0x0], $0xffff;
	v61 =	vunpack.i.l.bf16.f32 v46;
	v42 =	vadd.f32 v60, v42;
	v40 =	vadd.f32 v40, v57  }
0x275: {  	v52 =	vld [tilespmem:s17+$0xC880];
	v63 =	vunpack.i.u.bf16.f32 v46;
	v38 =	vadd.f32 v38, v44;
	v43 =	vadd.f32 v61, v47  }
0x276: {  	v24 =	vunpack.i.l.bf16.f32 v24;
	v41 =	vld.idx.msk [tilespmem:v41+s4+$0x0], $0xffff;
	v42 =	vadd.f32 v63, v42;
	v37 =	vadd.f32 v37, v40  }
0x277: {  	v48 =	vunpack.i.u.bf16.f32 v33;
	v40 =	vld [tilespmem:s17+$0xB680];
	v35 =	vadd.f32 v35, v38;
	v36 =	vadd.f32 v36, v43  }
0x278: {  	v33 =	vunpack.i.l.bf16.f32 v33;
	v50 =	vld.idx.msk [tilespmem:v53+s4+$0x0], $0xffff;
	v34 =	vadd.f32 v34, v42;
	v32 =	vadd.f32 v32, v37  }
0x279: {  	v55 =	vunpack.i.l.bf16.f32 v39;
	v54 =	vld.idx.msk [tilespmem:v56+s4+$0x0], $0xffff;
	v29 =	vadd.f32 v29, v35;
	v31 =	vadd.f32 v31, v36  }
0x27a: {  	v53 =	vunpack.i.u.bf16.f32 v39;
	v30 =	vadd.f32 v30, v34;
	v27 =	vadd.f32 v27, v32  }
0x27b: {  	v56 =	vld.idx.msk [tilespmem:v59+s4+$0x0], $0xffff;
	v57 =	vunpack.i.u.bf16.f32 v41;
	v26 =	vadd.f32 v26, v29;
	v28 =	vadd.f32 v28, v31  }
0x27c: {  	v58 =	vld [tilespmem:s17+$0xDC80];
	v59 =	vunpack.i.l.bf16.f32 v41;
	v25 =	vadd.f32 v25, v30;
	v22 =	vadd.f32 v22, v27  }
0x27d: {  	v60 =	vld.idx.msk [tilespmem:v62+s4+$0x0], $0xffff;
	v61 =	vunpack.i.l.bf16.f32 v50;
	v62 =	vunpack.i.u.bf16.f32 v50;
	v19 =	vadd.f32 v19, v26  }
0x27e: {  	v35 =	vunpack.i.l.bf16.f32 v54;
	v21 =	vadd.f32 v21, v28;
	v63 =	vadd.f32 $0.0e+00, v61  }
0x27f: {  	v41 =	vunpack.i.u.bf16.f32 v54;
	v26 =	vadd.f32 $0.0e+00, v62;
	v35 =	vadd.f32 $0.0e+00, v35;
	v40 =	vld.idx.msk [tilespmem:v40+s4+$0x0], $0xffff  }
0x280: {  	v43 =	vunpack.i.u.bf16.f32 v56;
	v30 =	vadd.f32 $0.0e+00, v41;
	v18 =	vadd.f32 v18, v25  }
0x281: {  	v37 =	vld.idx.msk [tilespmem:v52+s4+$0x0], $0xffff;
	v45 =	vunpack.i.l.bf16.f32 v56;
	v28 =	vadd.f32 v59, v63;
	v26 =	vadd.f32 v57, v26  }
0x282: {  	v46 =	vunpack.i.u.bf16.f32 v60;
	v31 =	vadd.f32 v45, v35;
	v30 =	vadd.f32 v43, v30  }
0x283: {  	v23 =	vld.idx.msk [tilespmem:v23+s4+$0x0], $0xffff;
	v27 =	vunpack.i.l.bf16.f32 v60;
	v28 =	vadd.f32 v55, v28;
	v26 =	vadd.f32 v53, v26  }
0x284: {  	v27 =	vadd.f32 v27, v31;
	v30 =	vadd.f32 v46, v30;
	v47 =	vunpack.i.u.bf16.f32 v40  }
0x285: {  	v29 =	vld.idx.msk [tilespmem:v58+s4+$0x0], $0xffff;
	v28 =	vadd.f32 v33, v28;
	v26 =	vadd.f32 v48, v26;
	v25 =	vunpack.i.l.bf16.f32 v40  }
0x286: {  	v49 =	vunpack.i.u.bf16.f32 v37;
	v25 =	vadd.f32 v25, v27;
	v48 =	vadd.f32 v47, v30  }
0x287: {  	v50 =	vunpack.i.l.bf16.f32 v37;
	v24 =	vadd.f32 v24, v28;
	v20 =	vadd.f32 v20, v26  }
0x288: {  	v52 =	vunpack.i.u.bf16.f32 v23;
	v25 =	vadd.f32 v50, v25;
	v51 =	vadd.f32 v49, v48  }
0x289: {  	v53 =	vunpack.i.l.bf16.f32 v23;
	v17 =	vadd.f32 v17, v24;
	v16 =	vadd.f32 v16, v20  }
0x28a: {  	v56 =	vunpack.i.l.bf16.f32 v29;
	v20 =	vadd.f32 v53, v25;
	v54 =	vadd.f32 v52, v51  }
0x28b: {  	v55 =	vunpack.i.u.bf16.f32 v29;
	v14 =	vadd.f32 v14, v17;
	v13 =	vadd.f32 v13, v16  }
0x28c: {  	v6 =	vunpack.i.l.bf16.f32 v6;
	v16 =	vadd.f32 v56, v20;
	v57 =	vadd.f32 v55, v54  }
0x28d: {  	v9 =	vmul.f32 v15, v9;
	v12 =	vadd.f32 v12, v14;
	v11 =	vadd.f32 v11, v13  }
0x28e: {  	v6 =	vadd.f32 v6, v16;
	v10 =	vadd.f32 v10, v57  }
0x28f: {  	s10 =	sadd.s32 s10, s20;
	v8 =	vmul.f32 v9, v8;
	v58 =	vadd.f32 v21, v22;
	v59 =	vadd.f32 v18, v19  }
0x290: {  	s10 =	sand.u32 $0x1FF80, s10;
	v6 =	vadd.f32 v6, v12;
	v10 =	vadd.f32 v10, v11  }
0x291: {  	s10 =	sor.u32 s16, s10;
	v8 =	vmul.f32 v8, v9  }
0x292: {  	v60 =	vld [tilespmem:s10+$0x0];
	v6 =	vadd.f32 v6, v58;
	v10 =	vadd.f32 v10, v59  }
0x293: {  	v8 =	vsub.f32 $1.500000000e+00, v8  }
0x294: {  	v6 =	vmul.f32 v6, v2;
	v10 =	vmul.f32 v10, v2  }
0x295: {  	v8 =	vmul.f32 v8, v9  }
0x296: {  	v6 =	vadd.f32 v6, v1;
	v61 =	vadd.f32 v10, v3  }
0x297: {  	v7 =	vmul.f32 v8, v7;
	v62 =	vunpack.i.u.bf16.f32 v60;
	v11 =	vunpack.i.l.bf16.f32 v60  }
0x298: {  	v6 =	vmul.f32 v6, v11;
	v63 =	vmul.f32 v61, v62;
	_ =	sdelay $0x1  }
0x299: {  	v7 =	vmul.f32 v7, v0;
	v6 =	vadd.f32 v6, v63  }
.Ltmp2:
0x29a: {  	_ = 	snop;
	(pc) =	sbr.rel @p1 .LBB2_8-.Ltmp2, $4  }
0x29b: {  	s9 =	sadd.s32 s8, s9;
	v6 =	vsub.f32 v6, v7  }
0x29c: {  	s29 =	sadd.s32 $0x10, s18;
	s9 =	sshrl.u32 s9, $0x3  }
0x29d: {  	s9 =	sadd.s32 s6, s9;
	[tilespmem:s29+$0x0] =	vst v6  }
0x29e: {  	[hbm4b:s9+s4] =	stream.linear.scatter [tilespmem:s15], [sflag:$0x5], $0x280, $0x38;
	[tilespmem:$0x17880] =	vst v63  }
0x29f: {  	s9 =	sadd.s32 $0x3, s13  }
0x2a0: {  	s10 =	smul.u32 $0x1400, s9;
	_ =	sdelay $0x1  }
0x2a1: {  	s10 =	sadd.s32 s5, s10  }
0x2a2: {  	s10 =	sshrl.u32 s10, $0x3  }
0x2a3: {  	s18 =	simm.s32 $0x9F00;
	s10 =	sadd.s32 s3, s10  }
0x2a4: {  	[tilespmem:s18], [sflag:$0x2] =	stream.linear.gather [hbm4b:s10+s4], $0x1400, $0x38;
	[tilespmem:$0x17880] =	vst v63  }
0x2a5: {  	s19 =	sadd.s32 $0x4E80, s10  }
0x2a6: {  	[tilespmem:s30], [sflag:$0x2] =	stream.linear.gather [hbm4b:s19+s4], $0x1400, $0x38;
	[tilespmem:$0x17880] =	vst v63  }
0x2a7: {  	s9 =	smul.u32 $0x500, s9;
	s29 =	sadd.s32 $0x9D00, s10  }
0x2a8: {  	[tilespmem:s31], [sflag:$0x2] =	stream.linear.gather [hbm4b:s29+s4], $0x1400, $0x38;
	[tilespmem:$0x17880] =	vst v63  }
.Ltmp3:
0x2a9: {  	s9 =	sadd.s32 s7, s9;
	(pc) =	sbr.rel .LBB2_2-.Ltmp3, $4  }
0x2aa: {  	s25 =	sadd.s32 $0x1, s25;
	s9 =	sshrl.u32 s9, $0x3;
	s10 =	sadd.s32 $0xEB80, s10  }
0x2ab: {  	[tilespmem:s0], [sflag:$0x2] =	stream.linear.gather [hbm4b:s10+s4], $0x1400, $0x38;
	[tilespmem:$0x17880] =	vst v63  }
0x2ac: {  	s24 =	sadd.s32 $0x500, s24;
	s20 =	sadd.s32 $0x500, s20;
	s9 =	sadd.s32 s1, s9  }
0x2ad: {  	[tilespmem:s2], [sflag:$0x2] =	stream.linear.gather [hbm4b:s9+s4], $0x500, $0x38;
	[tilespmem:$0x17880] =	vst v63  }
.LBB2_8:
0x2ae: {  	s9 =	simm.s32 $0x3  }
0x2af: {  	_ =	swait.ge [sflag:s9], $0x7000  }
0x2b0: {  	[sflag:s9] =	ssyncset.done $0x0  }
0x2b1: {  	[sflag:s9] =	ssyncadd.s32 $0xFFFF9000  }
0x2b2: {  	_ =	swait.ge [sflag:s9], $0x700  }
0x2b3: {  	[sflag:s9] =	ssyncset.done $0x0  }
0x2b4: {  	s19 =	simm.s32 $0x4;
	[sflag:s9] =	ssyncadd.s32 $0xFFFFF900  }
0x2b5: {  	s20 =	simm.s32 $0x0;
	s10 =	simm.s32 $0x0;
	_ =	swait.ge [sflag:s19], $0x280  }
0x2b6: {  	s13 =	sand.u32 $0x70, s20;
	s10 =	sand.u32 $0x3FFFFC00, s10;
	[sflag:s19] =	ssyncset.done $0x0  }
0x2b7: {  	s10 =	sor.u32 s13, s10;
	[sflag:s19] =	ssyncadd.s32 $0xFFFFFD80  }
0x2b8: {  	v6 =	vld [tilespmem:s10+$0x15400]  }
0x2b9: {  	v7 =	vld [tilespmem:s10+$0x15480]  }
0x2ba: {  	v8 =	vld [tilespmem:s10+$0x15500]  }
0x2bb: {  	v9 =	vld [tilespmem:s10+$0x15580]  }
0x2bc: {  	v10 =	vld [tilespmem:s10+$0x15200]  }
0x2bd: {  	v11 =	vld [tilespmem:s10+$0x15280]  }
0x2be: {  	v17 =	vld [tilespmem:s10+$0x13900]  }
0x2bf: {  	v18 =	vld [tilespmem:s10+$0x13600]  }
0x2c0: {  	v19 =	vld [tilespmem:s10+$0x13680]  }
0x2c1: {  	v20 =	vld [tilespmem:s10+$0x13700]  }
0x2c2: {  	v21 =	vld [tilespmem:s10+$0x11C00]  }
0x2c3: {  	s24 =	sadd.s32 $0xFE00, s10;
	v25 =	vld [tilespmem:s10+$0x11A00]  }
0x2c4: {  	v26 =	vld [tilespmem:s24+$0x200]  }
0x2c5: {  	v27 =	vld [tilespmem:s10+$0xFE00]  }
0x2c6: {  	v28 =	vld [tilespmem:s10+$0xFE80]  }
0x2c7: {  	v29 =	vld [tilespmem:s10+$0x11C80]  }
0x2c8: {  	v32 =	vld [tilespmem:s24+$0x280]  }
0x2c9: {  	v36 =	vld [tilespmem:s10+$0x11A80]  }
0x2ca: {  	v12 =	vld.idx.msk [tilespmem:v6+s4+$0x0], $0xffff  }
0x2cb: {  	v13 =	vld.idx.msk [tilespmem:v7+s4+$0x0], $0xffff  }
0x2cc: {  	v14 =	vld.idx.msk [tilespmem:v8+s4+$0x0], $0xffff  }
0x2cd: {  	v6 =	vld.idx.msk [tilespmem:v9+s4+$0x0], $0xffff  }
0x2ce: {  	s16 =	simm.s32 $0x0;
	v15 =	vld.idx.msk [tilespmem:v10+s4+$0x0], $0xffff  }
0x2cf: {  	s16 =	sand.u32 $0x3FFFFF00, s16;
	v16 =	vld.idx.msk [tilespmem:v11+s4+$0x0], $0xffff  }
0x2d0: {  	s13 =	sor.u32 s13, s16;
	v7 =	vld [tilespmem:s10+$0x15300]  }
0x2d1: {  	s16 =	sadd.s32 $0x16E00, s13;
	v8 =	vld [tilespmem:s10+$0x13800]  }
0x2d2: {  	v9 =	vld [tilespmem:s16+$0x80]  }
0x2d3: {  	v10 =	vld [tilespmem:s13+$0x16E00]  }
0x2d4: {  	v11 =	vld [tilespmem:s10+$0x13880]  }
0x2d5: {  	v17 =	vld.idx.msk [tilespmem:v17+s4+$0x0], $0xffff  }
0x2d6: {  	v18 =	vld.idx.msk [tilespmem:v18+s4+$0x0], $0xffff  }
0x2d7: {  	v19 =	vld.idx.msk [tilespmem:v19+s4+$0x0], $0xffff  }
0x2d8: {  	v20 =	vld.idx.msk [tilespmem:v20+s4+$0x0], $0xffff;
	v10 =	vsub.f32 v10, v4;
	v9 =	vsub.f32 v9, v5  }
0x2d9: {  	v21 =	vld.idx.msk [tilespmem:v21+s4+$0x0], $0xffff;
	v30 =	vunpack.i.u.bf16.f32 v12;
	v31 =	vunpack.i.l.bf16.f32 v12;
	v33 =	vunpack.i.u.bf16.f32 v13  }
0x2da: {  	v25 =	vld.idx.msk [tilespmem:v25+s4+$0x0], $0xffff;
	v34 =	vunpack.i.l.bf16.f32 v13;
	v12 =	vunpack.i.l.bf16.f32 v14;
	v37 =	vunpack.i.u.bf16.f32 v15  }
0x2db: {  	v38 =	vunpack.i.l.bf16.f32 v15;
	v9 =	vmul.f32 v9, v9;
	v22 =	vld.idx.msk [tilespmem:v7+s4+$0x0], $0xffff;
	v7 =	vmul.f32 v10, v10  }
0x2dc: {  	v26 =	vld.idx.msk [tilespmem:v26+s4+$0x0], $0xffff;
	v39 =	vunpack.i.u.bf16.f32 v16;
	v16 =	vunpack.i.l.bf16.f32 v16;
	v41 =	vunpack.i.u.bf16.f32 v17  }
0x2dd: {  	v28 =	vld.idx.msk [tilespmem:v28+s4+$0x0], $0xffff;
	v17 =	vunpack.i.l.bf16.f32 v17;
	v43 =	vunpack.i.u.bf16.f32 v18;
	v7 =	vadd.f32 v9, v7  }
0x2de: {  	v32 =	vld.idx.msk [tilespmem:v32+s4+$0x0], $0xffff;
	v18 =	vunpack.i.l.bf16.f32 v18;
	v44 =	vunpack.i.u.bf16.f32 v19;
	v45 =	vunpack.i.u.bf16.f32 v21  }
0x2df: {  	v19 =	vunpack.i.l.bf16.f32 v19;
	v46 =	vunpack.i.u.bf16.f32 v20;
	v23 =	vld.idx.msk [tilespmem:v8+s4+$0x0], $0xffff;
	v7 =	vmax.f32 v7, $9.999999960e-13  }
0x2e0: {  	v48 =	vunpack.i.u.bf16.f32 v25;
	v24 =	vld.idx.msk [tilespmem:v11+s4+$0x0], $0xffff;
	v11 =	vunpack.i.u.bf16.f32 v14;
	v9 =	vshrl.u32 v7, $0x1  }
0x2e1: {  	v8 =	vmul.f32 $5.000000000e-01, v7;
	v13 =	vunpack.i.u.bf16.f32 v22;
	v14 =	vunpack.i.l.bf16.f32 v22;
	v22 =	vld.idx.msk [tilespmem:v27+s4+$0x0], $0xffff  }
0x2e2: {  	v25 =	vunpack.i.l.bf16.f32 v25;
	v21 =	vunpack.i.l.bf16.f32 v21;
	v9 =	vsub.s32 $0x5F3759DF, v9  }
0x2e3: {  	v50 =	vunpack.i.u.bf16.f32 v26;
	v26 =	vunpack.i.l.bf16.f32 v26;
	v10 =	vmul.f32 v9, v8  }
0x2e4: {  	v47 =	vld [tilespmem:s10+$0x11B00];
	v52 =	vunpack.i.l.bf16.f32 v28;
	v28 =	vunpack.i.u.bf16.f32 v28;
	v60 =	vunpack.i.l.bf16.f32 v32  }
0x2e5: {  	v35 =	vld [tilespmem:s10+$0x11D00];
	v32 =	vunpack.i.u.bf16.f32 v32;
	v20 =	vunpack.i.l.bf16.f32 v20;
	v10 =	vmul.f32 v9, v10  }
0x2e6: {  	v36 =	vld.idx.msk [tilespmem:v36+s4+$0x0], $0xffff;
	v52 =	vadd.f32 $0.0e+00, v52;
	v28 =	vadd.f32 $0.0e+00, v28;
	v49 =	vunpack.i.l.bf16.f32 v22  }
0x2e7: {  	v42 =	vld [tilespmem:s10+$0x13980];
	v22 =	vunpack.i.u.bf16.f32 v22;
	v10 =	vsub.f32 $1.500000000e+00, v10;
	v49 =	vadd.f32 $0.0e+00, v49  }
0x2e8: {  	v51 =	vld [tilespmem:s24+$0x300];
	v28 =	vadd.f32 v32, v28;
	v40 =	vunpack.i.u.bf16.f32 v23;
	v22 =	vadd.f32 $0.0e+00, v22  }
0x2e9: {  	v29 =	vld.idx.msk [tilespmem:v29+s4+$0x0], $0xffff;
	v23 =	vunpack.i.l.bf16.f32 v23;
	v9 =	vmul.f32 v9, v10;
	v26 =	vadd.f32 v26, v49  }
0x2ea: {  	v53 =	vld [tilespmem:s10+$0xFF00];
	v27 =	vunpack.i.u.bf16.f32 v24;
	v22 =	vadd.f32 v50, v22;
	v49 =	vadd.f32 v60, v52  }
0x2eb: {  	v61 =	vld [tilespmem:s10+$0xFF80];
	v15 =	vmul.f32 v9, v8;
	v25 =	vadd.f32 v25, v26;
	v26 =	vunpack.i.l.bf16.f32 v36  }
0x2ec: {  	v47 =	vld.idx.msk [tilespmem:v47+s4+$0x0], $0xffff;
	v22 =	vadd.f32 v48, v22;
	v36 =	vunpack.i.u.bf16.f32 v36;
	v26 =	vadd.f32 v26, v49  }
0x2ed: {  	v62 =	vld [tilespmem:s24+$0x380];
	v28 =	vadd.f32 v36, v28;
	v15 =	vmul.f32 v15, v9;
	v21 =	vadd.f32 v21, v25  }
0x2ee: {  	v35 =	vld.idx.msk [tilespmem:v35+s4+$0x0], $0xffff;
	v25 =	vunpack.i.l.bf16.f32 v29;
	v22 =	vadd.f32 v45, v22;
	v29 =	vunpack.i.u.bf16.f32 v29  }
0x2ef: {  	v63 =	vld [tilespmem:s10+$0x11B80];
	v24 =	vunpack.i.l.bf16.f32 v24;
	v25 =	vadd.f32 v25, v26;
	v28 =	vadd.f32 v29, v28  }
0x2f0: {  	v10 =	vunpack.i.u.bf16.f32 v6;
	v26 =	vld.idx.msk [tilespmem:v51+s4+$0x0], $0xffff;
	v15 =	vsub.f32 $1.500000000e+00, v15;
	v18 =	vadd.f32 v18, v21  }
0x2f1: {  	v45 =	vunpack.i.u.bf16.f32 v47;
	v21 =	vld [tilespmem:s10+$0x11D80];
	v22 =	vadd.f32 v43, v22;
	v19 =	vadd.f32 v19, v25  }
0x2f2: {  	v47 =	vunpack.i.l.bf16.f32 v47;
	v25 =	vld.idx.msk [tilespmem:v53+s4+$0x0], $0xffff;
	v28 =	vadd.f32 v44, v28;
	v18 =	vadd.f32 v23, v18  }
0x2f3: {  	v29 =	vunpack.i.u.bf16.f32 v35;
	v23 =	vld [tilespmem:s10+$0x13780];
	v22 =	vadd.f32 v40, v22;
	v19 =	vadd.f32 v24, v19  }
0x2f4: {  	v35 =	vunpack.i.l.bf16.f32 v35;
	v24 =	vld.idx.msk [tilespmem:v61+s4+$0x0], $0xffff;
	v27 =	vadd.f32 v27, v28;
	v18 =	vadd.f32 v38, v18  }
0x2f5: {  	v28 =	vld.idx.msk [tilespmem:v62+s4+$0x0], $0xffff;
	v48 =	vunpack.i.u.bf16.f32 v26;
	v22 =	vadd.f32 v37, v22;
	v16 =	vadd.f32 v16, v19  }
0x2f6: {  	v26 =	vunpack.i.l.bf16.f32 v26;
	v19 =	vld [tilespmem:s10+$0x15380];
	v27 =	vadd.f32 v39, v27;
	v18 =	vadd.f32 v31, v18  }
0x2f7: {  	v31 =	vld.idx.msk [tilespmem:v63+s4+$0x0], $0xffff;
	v49 =	vunpack.i.l.bf16.f32 v25;
	v22 =	vadd.f32 v30, v22;
	v16 =	vadd.f32 v34, v16  }
0x2f8: {  	v25 =	vunpack.i.u.bf16.f32 v25;
	v30 =	vadd.f32 $0.0e+00, v49;
	v27 =	vadd.f32 v33, v27  }
0x2f9: {  	v25 =	vadd.f32 $0.0e+00, v25;
	v21 =	vld.idx.msk [tilespmem:v21+s4+$0x0], $0xffff;
	v50 =	vunpack.i.u.bf16.f32 v24;
	v24 =	vunpack.i.l.bf16.f32 v24  }
0x2fa: {  	v51 =	vunpack.i.u.bf16.f32 v28;
	v24 =	vadd.f32 $0.0e+00, v24;
	v33 =	vadd.f32 $0.0e+00, v50  }
0x2fb: {  	v28 =	vunpack.i.l.bf16.f32 v28;
	v26 =	vadd.f32 v26, v30;
	v25 =	vadd.f32 v48, v25;
	v23 =	vld.idx.msk [tilespmem:v23+s4+$0x0], $0xffff  }
0x2fc: {  	v24 =	vadd.f32 v28, v24;
	v28 =	vadd.f32 v51, v33;
	v30 =	vunpack.i.u.bf16.f32 v31  }
0x2fd: {  	v52 =	vld.idx.msk [tilespmem:v42+s4+$0x0], $0xffff;
	v26 =	vadd.f32 v47, v26;
	v25 =	vadd.f32 v45, v25;
	v31 =	vunpack.i.l.bf16.f32 v31  }
0x2fe: {  	v24 =	vadd.f32 v31, v24;
	v28 =	vadd.f32 v30, v28;
	v30 =	vunpack.i.u.bf16.f32 v21  }
0x2ff: {  	v19 =	vld.idx.msk [tilespmem:v19+s4+$0x0], $0xffff;
	v26 =	vadd.f32 v35, v26;
	v25 =	vadd.f32 v29, v25;
	v21 =	vunpack.i.l.bf16.f32 v21  }
0x300: {  	v21 =	vadd.f32 v21, v24;
	v24 =	vadd.f32 v30, v28;
	v28 =	vunpack.i.u.bf16.f32 v23  }
0x301: {  	v20 =	vadd.f32 v20, v26;
	v25 =	vadd.f32 v46, v25;
	v23 =	vunpack.i.l.bf16.f32 v23  }
0x302: {  	v21 =	vadd.f32 v23, v21;
	v23 =	vadd.f32 v28, v24;
	v24 =	vunpack.i.u.bf16.f32 v52  }
0x303: {  	v17 =	vadd.f32 v17, v20;
	v20 =	vadd.f32 v41, v25;
	v25 =	vunpack.i.l.bf16.f32 v52  }
0x304: {  	v21 =	vadd.f32 v25, v21;
	v23 =	vadd.f32 v24, v23;
	v24 =	vunpack.i.u.bf16.f32 v19  }
0x305: {  	v14 =	vadd.f32 v14, v17;
	v13 =	vadd.f32 v13, v20;
	v17 =	vunpack.i.l.bf16.f32 v19  }
0x306: {  	v6 =	vunpack.i.l.bf16.f32 v6;
	v17 =	vadd.f32 v17, v21;
	v19 =	vadd.f32 v24, v23  }
0x307: {  	v9 =	vmul.f32 v15, v9;
	v12 =	vadd.f32 v12, v14;
	v11 =	vadd.f32 v11, v13  }
0x308: {  	v6 =	vadd.f32 v6, v17;
	v10 =	vadd.f32 v10, v19  }
0x309: {  	v8 =	vmul.f32 v9, v8;
	v13 =	vadd.f32 v16, v18;
	v14 =	vadd.f32 v27, v22  }
0x30a: {  	v6 =	vadd.f32 v6, v12;
	v10 =	vadd.f32 v10, v11  }
0x30b: {  	s9 =	sand.u32 $0x3F0, s20;
	v8 =	vmul.f32 v8, v9  }
0x30c: {  	v11 =	vld [tilespmem:s9+$0x4B00];
	v6 =	vadd.f32 v6, v13;
	v10 =	vadd.f32 v10, v14  }
0x30d: {  	v8 =	vsub.f32 $1.500000000e+00, v8  }
0x30e: {  	v6 =	vmul.f32 v6, v2;
	v10 =	vmul.f32 v10, v2  }
0x30f: {  	v8 =	vmul.f32 v8, v9  }
0x310: {  	v6 =	vadd.f32 v6, v1;
	v9 =	vadd.f32 v10, v3  }
0x311: {  	v7 =	vmul.f32 v8, v7;
	v10 =	vunpack.i.u.bf16.f32 v11;
	v11 =	vunpack.i.l.bf16.f32 v11  }
0x312: {  	v6 =	vmul.f32 v6, v11;
	v8 =	vmul.f32 v9, v10;
	_ =	sdelay $0x1  }
0x313: {  	v7 =	vmul.f32 v7, v0;
	v6 =	vadd.f32 v6, v8;
	_ =	sdelay $0x1  }
0x314: {  	s25 =	simm.s32 $0x80;
	s13 =	simm.s32 $0x10;
	v6 =	vsub.f32 v6, v7  }
0x315: {  	s29 =	sand.u32 $0x70, s13;
	s10 =	sand.u32 $0x3FFFFC00, s25;
	s9 =	simm.s32 $0x17500  }
0x316: {  	s10 =	sor.u32 s29, s10;
	[tilespmem:s9+$0x0] =	vst v6  }
0x317: {  	v6 =	vld [tilespmem:s10+$0x15400]  }
0x318: {  	v7 =	vld [tilespmem:s10+$0x15480]  }
0x319: {  	v8 =	vld [tilespmem:s10+$0x15500]  }
0x31a: {  	v9 =	vld [tilespmem:s10+$0x15580]  }
0x31b: {  	v10 =	vld [tilespmem:s10+$0x15200]  }
0x31c: {  	v11 =	vld [tilespmem:s10+$0x15280]  }
0x31d: {  	v17 =	vld [tilespmem:s10+$0x13900]  }
0x31e: {  	v18 =	vld [tilespmem:s10+$0x13600]  }
0x31f: {  	v19 =	vld [tilespmem:s10+$0x13680]  }
0x320: {  	v20 =	vld [tilespmem:s10+$0x13700]  }
0x321: {  	v21 =	vld [tilespmem:s10+$0x11C00]  }
0x322: {  	v29 =	vld [tilespmem:s10+$0xFE00]  }
0x323: {  	v56 =	vld [tilespmem:s10+$0xFE80]  }
0x324: {  	v57 =	vld [tilespmem:s10+$0x11C80]  }
0x325: {  	v59 =	vld [tilespmem:s10+$0x11A80]  }
0x326: {  	v13 =	vld.idx.msk [tilespmem:v7+s4+$0x0], $0xffff  }
0x327: {  	v14 =	vld.idx.msk [tilespmem:v8+s4+$0x0], $0xffff  }
0x328: {  	s17 =	simm.s32 $0x20;
	v15 =	vld.idx.msk [tilespmem:v10+s4+$0x0], $0xffff  }
0x329: {  	s17 =	sand.u32 $0x3FFFFF00, s17;
	v16 =	vld.idx.msk [tilespmem:v11+s4+$0x0], $0xffff  }
0x32a: {  	s16 =	sor.u32 s29, s17;
	v7 =	vld [tilespmem:s10+$0x15300]  }
0x32b: {  	s17 =	sadd.s32 $0x16E00, s16;
	v8 =	vld [tilespmem:s10+$0x13800]  }
0x32c: {  	v10 =	vld [tilespmem:s17+$0x80]  }
0x32d: {  	v11 =	vld [tilespmem:s16+$0x16E00]  }
0x32e: {  	v12 =	vld.idx.msk [tilespmem:v6+s4+$0x0], $0xffff  }
0x32f: {  	v6 =	vld.idx.msk [tilespmem:v9+s4+$0x0], $0xffff  }
0x330: {  	v9 =	vld [tilespmem:s10+$0x13880]  }
0x331: {  	v53 =	vld.idx.msk [tilespmem:v18+s4+$0x0], $0xffff  }
0x332: {  	v54 =	vld.idx.msk [tilespmem:v19+s4+$0x0], $0xffff;
	v11 =	vsub.f32 v11, v4;
	v10 =	vsub.f32 v10, v5  }
0x333: {  	v23 =	vld.idx.msk [tilespmem:v7+s4+$0x0], $0xffff  }
0x334: {  	v30 =	vld.idx.msk [tilespmem:v8+s4+$0x0], $0xffff;
	v7 =	vmul.f32 v11, v11;
	v8 =	vmul.f32 v10, v10  }
0x335: {  	v24 =	vld.idx.msk [tilespmem:v20+s4+$0x0], $0xffff  }
0x336: {  	v55 =	vld.idx.msk [tilespmem:v21+s4+$0x0], $0xffff;
	v7 =	vadd.f32 v8, v7  }
0x337: {  	s17 =	sadd.s32 $0xFE00, s10;
	v20 =	vld [tilespmem:s10+$0x11A00]  }
0x338: {  	v25 =	vld [tilespmem:s17+$0x200];
	v7 =	vmax.f32 v7, $9.999999960e-13  }
0x339: {  	v31 =	vld.idx.msk [tilespmem:v9+s4+$0x0], $0xffff;
	v9 =	vshrl.u32 v7, $0x1;
	v8 =	vmul.f32 $5.000000000e-01, v7  }
0x33a: {  	v62 =	vld.idx.msk [tilespmem:v29+s4+$0x0], $0xffff;
	v19 =	vunpack.i.u.bf16.f32 v12;
	v22 =	vunpack.i.l.bf16.f32 v12;
	v9 =	vsub.s32 $0x5F3759DF, v9  }
0x33b: {  	v43 =	vld.idx.msk [tilespmem:v56+s4+$0x0], $0xffff;
	v18 =	vunpack.i.u.bf16.f32 v13;
	v21 =	vunpack.i.l.bf16.f32 v13;
	v10 =	vmul.f32 v9, v8  }
0x33c: {  	v58 =	vld [tilespmem:s17+$0x280];
	v12 =	vunpack.i.l.bf16.f32 v14;
	v26 =	vunpack.i.u.bf16.f32 v15;
	v27 =	vunpack.i.l.bf16.f32 v15  }
0x33d: {  	v17 =	vld.idx.msk [tilespmem:v17+s4+$0x0], $0xffff;
	v28 =	vunpack.i.l.bf16.f32 v16;
	v35 =	vunpack.i.u.bf16.f32 v53;
	v10 =	vmul.f32 v9, v10  }
0x33e: {  	v37 =	vunpack.i.l.bf16.f32 v53;
	v34 =	vunpack.i.u.bf16.f32 v54;
	v38 =	vunpack.i.u.bf16.f32 v55  }
0x33f: {  	v33 =	vld [tilespmem:s10+$0x11D00];
	v36 =	vunpack.i.l.bf16.f32 v54;
	v40 =	vunpack.i.l.bf16.f32 v55;
	v10 =	vsub.f32 $1.500000000e+00, v10  }
0x340: {  	v63 =	vunpack.i.l.bf16.f32 v62;
	v51 =	vunpack.i.u.bf16.f32 v62;
	v52 =	vunpack.i.l.bf16.f32 v43;
	v60 =	vld.idx.msk [tilespmem:v20+s4+$0x0], $0xffff  }
0x341: {  	v50 =	vadd.f32 $0.0e+00, v63;
	v11 =	vunpack.i.u.bf16.f32 v14;
	v61 =	vld.idx.msk [tilespmem:v25+s4+$0x0], $0xffff;
	v9 =	vmul.f32 v9, v10  }
0x342: {  	v39 =	vld [tilespmem:s10+$0x11B00];
	v20 =	vunpack.i.u.bf16.f32 v24;
	v25 =	vunpack.i.u.bf16.f32 v16;
	v16 =	vunpack.i.u.bf16.f32 v17  }
0x343: {  	v45 =	vld.idx.msk [tilespmem:v59+s4+$0x0], $0xffff;
	v17 =	vunpack.i.l.bf16.f32 v17;
	v13 =	vunpack.i.u.bf16.f32 v23;
	v15 =	vmul.f32 v9, v8  }
0x344: {  	v42 =	vld.idx.msk [tilespmem:v58+s4+$0x0], $0xffff;
	v29 =	vunpack.i.u.bf16.f32 v30;
	v14 =	vunpack.i.l.bf16.f32 v23;
	v32 =	vunpack.i.l.bf16.f32 v30  }
0x345: {  	v46 =	vld.idx.msk [tilespmem:v57+s4+$0x0], $0xffff;
	v30 =	vunpack.i.u.bf16.f32 v31;
	v31 =	vunpack.i.l.bf16.f32 v31;
	v15 =	vmul.f32 v15, v9  }
0x346: {  	v41 =	vld [tilespmem:s17+$0x300];
	v44 =	vunpack.i.u.bf16.f32 v60;
	v47 =	vunpack.i.l.bf16.f32 v60;
	v48 =	vunpack.i.u.bf16.f32 v61  }
0x347: {  	s16 =	simm.s32 $0x2;
	v23 =	vld [tilespmem:s10+$0x13980];
	v49 =	vunpack.i.l.bf16.f32 v61;
	v10 =	vunpack.i.u.bf16.f32 v6;
	v15 =	vsub.f32 $1.500000000e+00, v15  }
.LBB2_9:
0x348: {  	p0 =	sne.s32 s16, $0x31;
	v51 =	vadd.f32 $0.0e+00, v51;
	v43 =	vunpack.i.u.bf16.f32 v43;
	v52 =	vadd.f32 $0.0e+00, v52;
	v53 =	vld [tilespmem:s10+$0xFF00]  }
0x349: {  	v43 =	vadd.f32 $0.0e+00, v43;
	v49 =	vadd.f32 v49, v50;
	v50 =	vunpack.i.l.bf16.f32 v42;
	v33 =	vld.idx.msk [tilespmem:v33+s4+$0x0], $0xffff  }
0x34a: {  	v42 =	vunpack.i.u.bf16.f32 v42;
	v54 =	vld [tilespmem:s10+$0xFF80];
	v48 =	vadd.f32 v48, v51;
	v50 =	vadd.f32 v50, v52  }
0x34b: {  	v42 =	vadd.f32 v42, v43;
	v43 =	vld [tilespmem:s17+$0x380];
	v47 =	vadd.f32 v47, v49;
	v49 =	vunpack.i.l.bf16.f32 v45  }
0x34c: {  	v45 =	vunpack.i.u.bf16.f32 v45;
	v44 =	vadd.f32 v44, v48;
	v48 =	vadd.f32 v49, v50;
	v39 =	vld.idx.msk [tilespmem:v39+s4+$0x0], $0xffff  }
0x34d: {  	v42 =	vadd.f32 v45, v42;
	v45 =	vld [tilespmem:s10+$0x11B80];
	v40 =	vadd.f32 v40, v47;
	v47 =	vunpack.i.l.bf16.f32 v46  }
0x34e: {  	v41 =	vld.idx.msk [tilespmem:v41+s4+$0x0], $0xffff;
	v38 =	vadd.f32 v38, v44;
	v44 =	vunpack.i.u.bf16.f32 v46;
	v46 =	vadd.f32 v47, v48  }
0x34f: {  	v24 =	vunpack.i.l.bf16.f32 v24;
	v42 =	vadd.f32 v44, v42;
	v44 =	vld [tilespmem:s10+$0x11D80];
	v37 =	vadd.f32 v37, v40  }
0x350: {  	v47 =	vunpack.i.u.bf16.f32 v33;
	v40 =	vld.idx.msk [tilespmem:v53+s4+$0x0], $0xffff;
	v35 =	vadd.f32 v35, v38;
	v36 =	vadd.f32 v36, v46  }
0x351: {  	v33 =	vunpack.i.l.bf16.f32 v33;
	v34 =	vadd.f32 v34, v42;
	v38 =	vld [tilespmem:s10+$0x13780];
	v32 =	vadd.f32 v32, v37  }
0x352: {  	v42 =	vunpack.i.u.bf16.f32 v39;
	v37 =	vld.idx.msk [tilespmem:v54+s4+$0x0], $0xffff;
	v29 =	vadd.f32 v29, v35;
	v31 =	vadd.f32 v31, v36  }
0x353: {  	v36 =	vunpack.i.l.bf16.f32 v39;
	v35 =	vld.idx.msk [tilespmem:v43+s4+$0x0], $0xffff;
	v30 =	vadd.f32 v30, v34;
	v27 =	vadd.f32 v27, v32  }
0x354: {  	v32 =	vunpack.i.u.bf16.f32 v41;
	v26 =	vadd.f32 v26, v29;
	v28 =	vadd.f32 v28, v31;
	v29 =	vld [tilespmem:s10+$0x15380]  }
0x355: {  	v31 =	vunpack.i.l.bf16.f32 v41;
	v34 =	vld.idx.msk [tilespmem:v45+s4+$0x0], $0xffff;
	v25 =	vadd.f32 v25, v30;
	v22 =	vadd.f32 v22, v27  }
0x356: {  	v27 =	vunpack.i.l.bf16.f32 v40;
	v19 =	vadd.f32 v19, v26;
	v21 =	vadd.f32 v21, v28  }
0x357: {  	v26 =	vunpack.i.u.bf16.f32 v40;
	v27 =	vadd.f32 $0.0e+00, v27;
	v28 =	vld.idx.msk [tilespmem:v44+s4+$0x0], $0xffff;
	v18 =	vadd.f32 v18, v25  }
0x358: {  	v25 =	vadd.f32 $0.0e+00, v26;
	v26 =	vunpack.i.u.bf16.f32 v37;
	v30 =	vunpack.i.l.bf16.f32 v37  }
0x359: {  	v30 =	vadd.f32 $0.0e+00, v30;
	v26 =	vadd.f32 $0.0e+00, v26;
	v37 =	vunpack.i.u.bf16.f32 v35;
	v38 =	vld.idx.msk [tilespmem:v38+s4+$0x0], $0xffff  }
0x35a: {  	v27 =	vadd.f32 v31, v27;
	v31 =	vunpack.i.l.bf16.f32 v35;
	v25 =	vadd.f32 v32, v25  }
0x35b: {  	v30 =	vadd.f32 v31, v30;
	v26 =	vadd.f32 v37, v26;
	v31 =	vunpack.i.u.bf16.f32 v34;
	v23 =	vld.idx.msk [tilespmem:v23+s4+$0x0], $0xffff  }
0x35c: {  	v27 =	vadd.f32 v36, v27;
	v32 =	vunpack.i.l.bf16.f32 v34;
	v25 =	vadd.f32 v42, v25  }
0x35d: {  	v30 =	vadd.f32 v32, v30;
	v26 =	vadd.f32 v31, v26;
	v31 =	vunpack.i.u.bf16.f32 v28;
	v29 =	vld.idx.msk [tilespmem:v29+s4+$0x0], $0xffff  }
0x35e: {  	v27 =	vadd.f32 v33, v27;
	v28 =	vunpack.i.l.bf16.f32 v28;
	v25 =	vadd.f32 v47, v25  }
0x35f: {  	v28 =	vadd.f32 v28, v30;
	v26 =	vadd.f32 v31, v26;
	v30 =	vunpack.i.u.bf16.f32 v38  }
0x360: {  	v24 =	vadd.f32 v24, v27;
	v20 =	vadd.f32 v20, v25;
	v25 =	vunpack.i.l.bf16.f32 v38  }
0x361: {  	v25 =	vadd.f32 v25, v28;
	v26 =	vadd.f32 v30, v26;
	v27 =	vunpack.i.u.bf16.f32 v23  }
0x362: {  	v17 =	vadd.f32 v17, v24;
	v16 =	vadd.f32 v16, v20;
	v20 =	vunpack.i.l.bf16.f32 v23  }
0x363: {  	v20 =	vadd.f32 v20, v25;
	v23 =	vadd.f32 v27, v26;
	v24 =	vunpack.i.u.bf16.f32 v29  }
0x364: {  	v14 =	vadd.f32 v14, v17;
	v13 =	vadd.f32 v13, v16;
	v16 =	vunpack.i.l.bf16.f32 v29  }
0x365: {  	v6 =	vunpack.i.l.bf16.f32 v6;
	v16 =	vadd.f32 v16, v20;
	v17 =	vadd.f32 v24, v23  }
0x366: {  	v9 =	vmul.f32 v15, v9;
	v12 =	vadd.f32 v12, v14;
	v11 =	vadd.f32 v11, v13  }
0x367: {  	v6 =	vadd.f32 v6, v16;
	v10 =	vadd.f32 v10, v17  }
0x368: {  	v8 =	vmul.f32 v9, v8;
	v14 =	vadd.f32 v18, v19;
	v13 =	vadd.f32 v21, v22  }
0x369: {  	v6 =	vadd.f32 v6, v12;
	v10 =	vadd.f32 v10, v11  }
0x36a: {  	v8 =	vmul.f32 v8, v9;
	s10 =	sand.u32 $0x3F0, s13  }
0x36b: {  	v6 =	vadd.f32 v6, v13;
	v10 =	vadd.f32 v10, v14;
	v11 =	vld [tilespmem:s10+$0x4B00]  }
0x36c: {  	v8 =	vsub.f32 $1.500000000e+00, v8  }
0x36d: {  	v6 =	vmul.f32 v6, v2;
	v10 =	vmul.f32 v10, v2  }
0x36e: {  	v8 =	vmul.f32 v8, v9  }
0x36f: {  	v6 =	vadd.f32 v6, v1;
	v9 =	vadd.f32 v10, v3  }
0x370: {  	v7 =	vmul.f32 v8, v7;
	v10 =	vunpack.i.u.bf16.f32 v11;
	v11 =	vunpack.i.l.bf16.f32 v11  }
0x371: {  	v6 =	vmul.f32 v6, v11;
	v8 =	vmul.f32 v9, v10;
	_ =	sdelay $0x1  }
0x372: {  	v7 =	vmul.f32 v7, v0;
	v6 =	vadd.f32 v6, v8;
	_ =	sdelay $0x1  }
0x373: {  	s13 =	sadd.s32 $0x10, s13;
	s10 =	sshll.u32 s16, $0x7;
	v6 =	vsub.f32 v6, v7  }
0x374: {  	s9 =	sadd.s32 $0x10, s9;
	s17 =	sand.u32 $0x70, s13;
	s10 =	sand.u32 $0x3FFFFC00, s10  }
0x375: {  	s10 =	sor.u32 s17, s10;
	[tilespmem:s9+$0x0] =	vst v6  }
0x376: {  	v6 =	vld [tilespmem:s10+$0x15400]  }
0x377: {  	v7 =	vld [tilespmem:s10+$0x15480]  }
0x378: {  	v8 =	vld [tilespmem:s10+$0x15500]  }
0x379: {  	v9 =	vld [tilespmem:s10+$0x15580]  }
0x37a: {  	v10 =	vld [tilespmem:s10+$0x15200]  }
0x37b: {  	v11 =	vld [tilespmem:s10+$0x15280];
	_ =	sdelay $0x2  }
0x37c: {  	v12 =	vld.idx.msk [tilespmem:v6+s4+$0x0], $0xffff  }
0x37d: {  	v13 =	vld.idx.msk [tilespmem:v7+s4+$0x0], $0xffff  }
0x37e: {  	v14 =	vld.idx.msk [tilespmem:v8+s4+$0x0], $0xffff  }
0x37f: {  	v6 =	vld.idx.msk [tilespmem:v9+s4+$0x0], $0xffff  }
0x380: {  	v15 =	vld.idx.msk [tilespmem:v10+s4+$0x0], $0xffff  }
0x381: {  	s18 =	sshll.u32 s16, $0x5;
	v16 =	vld.idx.msk [tilespmem:v11+s4+$0x0], $0xffff  }
0x382: {  	s18 =	sand.u32 $0x3FFFFF00, s18;
	v7 =	vld [tilespmem:s10+$0x15300]  }
0x383: {  	s17 =	sor.u32 s17, s18;
	v8 =	vld [tilespmem:s10+$0x13800]  }
0x384: {  	s18 =	sadd.s32 $0x16E00, s17;
	v9 =	vld [tilespmem:s10+$0x13880]  }
0x385: {  	v10 =	vld [tilespmem:s18+$0x80]  }
0x386: {  	v11 =	vld [tilespmem:s17+$0x16E00]  }
0x387: {  	v17 =	vld [tilespmem:s10+$0x13900]  }
0x388: {  	v18 =	vld [tilespmem:s10+$0x13600]  }
0x389: {  	v19 =	vld [tilespmem:s10+$0x13680]  }
0x38a: {  	v20 =	vld [tilespmem:s10+$0x13700]  }
0x38b: {  	v10 =	vsub.f32 v10, v5;
	v21 =	vld [tilespmem:s10+$0x11C00];
	v11 =	vsub.f32 v11, v4  }
0x38c: {  	v23 =	vld.idx.msk [tilespmem:v7+s4+$0x0], $0xffff  }
0x38d: {  	v30 =	vld.idx.msk [tilespmem:v8+s4+$0x0], $0xffff;
	v7 =	vmul.f32 v11, v11;
	v8 =	vmul.f32 v10, v10  }
0x38e: {  	v31 =	vld.idx.msk [tilespmem:v9+s4+$0x0], $0xffff  }
0x38f: {  	v17 =	vld.idx.msk [tilespmem:v17+s4+$0x0], $0xffff;
	v7 =	vadd.f32 v8, v7  }
0x390: {  	v34 =	vld.idx.msk [tilespmem:v18+s4+$0x0], $0xffff  }
0x391: {  	v36 =	vld.idx.msk [tilespmem:v19+s4+$0x0], $0xffff;
	v7 =	vmax.f32 v7, $9.999999960e-13  }
0x392: {  	v24 =	vld.idx.msk [tilespmem:v20+s4+$0x0], $0xffff;
	v9 =	vshrl.u32 v7, $0x1;
	v8 =	vmul.f32 $5.000000000e-01, v7  }
0x393: {  	v40 =	vld.idx.msk [tilespmem:v21+s4+$0x0], $0xffff;
	v9 =	vsub.s32 $0x5F3759DF, v9  }
0x394: {  	s17 =	sadd.s32 $0xFE00, s10;
	v20 =	vld [tilespmem:s10+$0x11A00];
	v10 =	vmul.f32 v9, v8  }
0x395: {  	v25 =	vld [tilespmem:s17+$0x200]  }
0x396: {  	v29 =	vld [tilespmem:s10+$0xFE00];
	v10 =	vmul.f32 v9, v10  }
0x397: {  	v32 =	vld [tilespmem:s10+$0xFE80]  }
0x398: {  	v46 =	vld [tilespmem:s10+$0x11C80];
	v10 =	vsub.f32 $1.500000000e+00, v10  }
0x399: {  	v22 =	vunpack.i.l.bf16.f32 v12;
	v19 =	vunpack.i.u.bf16.f32 v12;
	v35 =	vld [tilespmem:s17+$0x280]  }
0x39a: {  	v18 =	vunpack.i.u.bf16.f32 v13;
	v21 =	vunpack.i.l.bf16.f32 v13;
	v33 =	vld [tilespmem:s10+$0x11D00];
	v9 =	vmul.f32 v9, v10  }
0x39b: {  	v11 =	vunpack.i.u.bf16.f32 v14;
	v12 =	vunpack.i.l.bf16.f32 v14;
	v10 =	vunpack.i.u.bf16.f32 v6;
	v41 =	vld [tilespmem:s10+$0x11A80]  }
0x39c: {  	v26 =	vunpack.i.u.bf16.f32 v15;
	v27 =	vunpack.i.l.bf16.f32 v15;
	v45 =	vld.idx.msk [tilespmem:v20+s4+$0x0], $0xffff;
	v15 =	vmul.f32 v9, v8  }
0x39d: {  	v28 =	vunpack.i.l.bf16.f32 v16;
	v13 =	vunpack.i.u.bf16.f32 v23;
	v49 =	vld.idx.msk [tilespmem:v25+s4+$0x0], $0xffff;
	v25 =	vunpack.i.u.bf16.f32 v16  }
0x39e: {  	v14 =	vunpack.i.l.bf16.f32 v23;
	v50 =	vld.idx.msk [tilespmem:v29+s4+$0x0], $0xffff;
	v29 =	vunpack.i.u.bf16.f32 v30;
	v15 =	vmul.f32 v15, v9  }
0x39f: {  	v43 =	vld.idx.msk [tilespmem:v32+s4+$0x0], $0xffff;
	v32 =	vunpack.i.l.bf16.f32 v30;
	v30 =	vunpack.i.u.bf16.f32 v31;
	v31 =	vunpack.i.l.bf16.f32 v31  }
0x3a0: {  	v16 =	vunpack.i.u.bf16.f32 v17;
	v17 =	vunpack.i.l.bf16.f32 v17;
	v23 =	vld [tilespmem:s10+$0x13980];
	v15 =	vsub.f32 $1.500000000e+00, v15  }
.Ltmp4:
0x3a1: {  	v37 =	vunpack.i.l.bf16.f32 v34;
	v42 =	vld.idx.msk [tilespmem:v35+s4+$0x0], $0xffff;
	v35 =	vunpack.i.u.bf16.f32 v34;
	v34 =	vunpack.i.u.bf16.f32 v36;
	(pc) =	sbr.rel @p0 .LBB2_9-.Ltmp4, $4  }
0x3a2: {  	v38 =	vunpack.i.u.bf16.f32 v40;
	v20 =	vunpack.i.u.bf16.f32 v24;
	v36 =	vunpack.i.l.bf16.f32 v36;
	v39 =	vld [tilespmem:s10+$0x11B00]  }
0x3a3: {  	v40 =	vunpack.i.l.bf16.f32 v40;
	v44 =	vunpack.i.u.bf16.f32 v45;
	v47 =	vunpack.i.l.bf16.f32 v45;
	v45 =	vld.idx.msk [tilespmem:v41+s4+$0x0], $0xffff  }
0x3a4: {  	v48 =	vunpack.i.u.bf16.f32 v49;
	v49 =	vunpack.i.l.bf16.f32 v49;
	v52 =	vunpack.i.l.bf16.f32 v50;
	v41 =	vld [tilespmem:s17+$0x300]  }
0x3a5: {  	s16 =	sadd.s32 $0x1, s16;
	v51 =	vunpack.i.u.bf16.f32 v50;
	v50 =	vadd.f32 $0.0e+00, v52;
	v52 =	vunpack.i.l.bf16.f32 v43;
	v46 =	vld.idx.msk [tilespmem:v46+s4+$0x0], $0xffff  }
0x3a6: {  	_ =	sdelay $0x2  }
0x3a7: {  	v4 =	vadd.f32 $0.0e+00, v51;
	v5 =	vunpack.i.u.bf16.f32 v43;
	v63 =	vadd.f32 $0.0e+00, v52;
	v51 =	vld [tilespmem:s10+$0xFF00]  }
0x3a8: {  	v53 =	vunpack.i.l.bf16.f32 v42;
	v33 =	vld.idx.msk [tilespmem:v33+s4+$0x0], $0xffff;
	v5 =	vadd.f32 $0.0e+00, v5;
	v49 =	vadd.f32 v49, v50  }
0x3a9: {  	v54 =	vunpack.i.u.bf16.f32 v42;
	v55 =	vld [tilespmem:s10+$0xFF80];
	v4 =	vadd.f32 v48, v4;
	v43 =	vadd.f32 v53, v63  }
0x3aa: {  	v39 =	vld.idx.msk [tilespmem:v39+s4+$0x0], $0xffff;
	v57 =	vunpack.i.l.bf16.f32 v45;
	v5 =	vadd.f32 v54, v5;
	v56 =	vadd.f32 v47, v49  }
0x3ab: {  	v58 =	vld [tilespmem:s17+$0x380];
	v59 =	vunpack.i.u.bf16.f32 v45;
	v4 =	vadd.f32 v44, v4;
	v43 =	vadd.f32 v57, v43  }
0x3ac: {  	v61 =	vld [tilespmem:s10+$0x11B80];
	v60 =	vunpack.i.l.bf16.f32 v46;
	v5 =	vadd.f32 v59, v5;
	v40 =	vadd.f32 v40, v56  }
0x3ad: {  	v63 =	vld [tilespmem:s10+$0x11D80];
	v62 =	vunpack.i.u.bf16.f32 v46;
	v4 =	vadd.f32 v38, v4;
	v42 =	vadd.f32 v60, v43  }
0x3ae: {  	v24 =	vunpack.i.l.bf16.f32 v24;
	v41 =	vld.idx.msk [tilespmem:v41+s4+$0x0], $0xffff;
	v5 =	vadd.f32 v62, v5;
	v37 =	vadd.f32 v37, v40  }
0x3af: {  	v46 =	vld [tilespmem:s10+$0x13780];
	v47 =	vunpack.i.u.bf16.f32 v39;
	v4 =	vadd.f32 v35, v4;
	v43 =	vadd.f32 v36, v42  }
0x3b0: {  	v52 =	vunpack.i.l.bf16.f32 v39;
	v45 =	vld.idx.msk [tilespmem:v51+s4+$0x0], $0xffff;
	v5 =	vadd.f32 v34, v5;
	v32 =	vadd.f32 v32, v37  }
0x3b1: {  	v40 =	vunpack.i.u.bf16.f32 v33;
	v51 =	vld.idx.msk [tilespmem:v55+s4+$0x0], $0xffff;
	v4 =	vadd.f32 v29, v4;
	v50 =	vadd.f32 v31, v43  }
0x3b2: {  	v33 =	vunpack.i.l.bf16.f32 v33;
	v5 =	vadd.f32 v30, v5;
	v27 =	vadd.f32 v27, v32  }
0x3b3: {  	v53 =	vld.idx.msk [tilespmem:v58+s4+$0x0], $0xffff;
	v54 =	vunpack.i.u.bf16.f32 v41;
	v4 =	vadd.f32 v26, v4;
	v55 =	vadd.f32 v28, v50  }
0x3b4: {  	v56 =	vld [tilespmem:s10+$0x15380];
	v57 =	vunpack.i.l.bf16.f32 v41;
	v5 =	vadd.f32 v25, v5;
	v22 =	vadd.f32 v22, v27  }
0x3b5: {  	v58 =	vld.idx.msk [tilespmem:v61+s4+$0x0], $0xffff;
	v59 =	vunpack.i.l.bf16.f32 v45;
	v61 =	vunpack.i.u.bf16.f32 v45;
	v4 =	vadd.f32 v19, v4  }
0x3b6: {  	v31 =	vunpack.i.l.bf16.f32 v51;
	v60 =	vadd.f32 v21, v55;
	v62 =	vadd.f32 $0.0e+00, v59  }
0x3b7: {  	v63 =	vld.idx.msk [tilespmem:v63+s4+$0x0], $0xffff;
	v41 =	vunpack.i.u.bf16.f32 v51;
	v21 =	vadd.f32 $0.0e+00, v61;
	v31 =	vadd.f32 $0.0e+00, v31  }
0x3b8: {  	v42 =	vunpack.i.u.bf16.f32 v53;
	v27 =	vadd.f32 $0.0e+00, v41;
	v5 =	vadd.f32 v18, v5  }
0x3b9: {  	v34 =	vld.idx.msk [tilespmem:v46+s4+$0x0], $0xffff;
	v43 =	vunpack.i.l.bf16.f32 v53;
	v26 =	vadd.f32 v57, v62;
	v21 =	vadd.f32 v54, v21  }
0x3ba: {  	v44 =	vunpack.i.u.bf16.f32 v58;
	v29 =	vadd.f32 v43, v31;
	v27 =	vadd.f32 v42, v27  }
0x3bb: {  	v23 =	vld.idx.msk [tilespmem:v23+s4+$0x0], $0xffff;
	v25 =	vunpack.i.l.bf16.f32 v58;
	v26 =	vadd.f32 v52, v26;
	v21 =	vadd.f32 v47, v21  }
0x3bc: {  	v45 =	vunpack.i.u.bf16.f32 v63;
	v25 =	vadd.f32 v25, v29;
	v27 =	vadd.f32 v44, v27  }
0x3bd: {  	v28 =	vld.idx.msk [tilespmem:v56+s4+$0x0], $0xffff;
	v18 =	vunpack.i.l.bf16.f32 v63;
	v26 =	vadd.f32 v33, v26;
	v21 =	vadd.f32 v40, v21  }
0x3be: {  	v48 =	vunpack.i.l.bf16.f32 v34;
	v18 =	vadd.f32 v18, v25;
	v46 =	vadd.f32 v45, v27  }
0x3bf: {  	v47 =	vunpack.i.u.bf16.f32 v34;
	v24 =	vadd.f32 v24, v26;
	v20 =	vadd.f32 v20, v21  }
0x3c0: {  	v50 =	vunpack.i.u.bf16.f32 v23;
	v18 =	vadd.f32 v48, v18;
	v49 =	vadd.f32 v47, v46  }
0x3c1: {  	v51 =	vunpack.i.l.bf16.f32 v23;
	v17 =	vadd.f32 v17, v24;
	v16 =	vadd.f32 v16, v20  }
0x3c2: {  	v53 =	vunpack.i.u.bf16.f32 v28;
	v18 =	vadd.f32 v51, v18;
	v52 =	vadd.f32 v50, v49  }
0x3c3: {  	v54 =	vunpack.i.l.bf16.f32 v28;
	v14 =	vadd.f32 v14, v17;
	v13 =	vadd.f32 v13, v16  }
0x3c4: {  	v6 =	vunpack.i.l.bf16.f32 v6;
	v16 =	vadd.f32 v54, v18;
	v55 =	vadd.f32 v53, v52  }
0x3c5: {  	v9 =	vmul.f32 v15, v9;
	v12 =	vadd.f32 v12, v14;
	v11 =	vadd.f32 v11, v13  }
0x3c6: {  	v6 =	vadd.f32 v6, v16;
	v10 =	vadd.f32 v10, v55  }
0x3c7: {  	v56 =	vadd.f32 v60, v22;
	v57 =	vmul.f32 v9, v8;
	v4 =	vadd.f32 v5, v4  }
0x3c8: {  	v6 =	vadd.f32 v6, v12;
	v58 =	vadd.f32 v10, v11  }
0x3c9: {  	s17 =	sand.u32 $0x3F0, s13;
	v5 =	vmul.f32 v57, v9  }
0x3ca: {  	v59 =	vld [tilespmem:s17+$0x4B00];
	v6 =	vadd.f32 v6, v56;
	v4 =	vadd.f32 v58, v4  }
0x3cb: {  	v5 =	vsub.f32 $1.500000000e+00, v5  }
0x3cc: {  	v6 =	vmul.f32 v6, v2;
	v60 =	vmul.f32 v4, v2  }
0x3cd: {  	v61 =	vmul.f32 v5, v9  }
0x3ce: {  	v1 =	vadd.f32 v6, v1;
	v2 =	vadd.f32 v60, v3  }
0x3cf: {  	v62 =	vunpack.i.u.bf16.f32 v59;
	v63 =	vunpack.i.l.bf16.f32 v59;
	v4 =	vmul.f32 v61, v7  }
0x3d0: {  	v1 =	vmul.f32 v1, v63;
	v2 =	vmul.f32 v2, v62;
	_ =	sdelay $0x1  }
0x3d1: {  	v0 =	vmul.f32 v4, v0;
	v1 =	vadd.f32 v1, v2;
	_ =	sdelay $0x1  }
0x3d2: {  	v0 =	vsub.f32 v1, v0  }
0x3d3: {  	s9 =	sadd.s32 $0x10, s9  }
0x3d4: {  	s18 =	rddreg [dreg:$0x11];
	s20 =	simm.s32 $0x17500;
	s24 =	simm.s32 $0x5;
	[tilespmem:s9+$0x0] =	vst v0  }
0x3d5: {  	[hbm4b:s18+s4] =	stream.linear.scatter [tilespmem:s20], [sflag:$0x4], $0x320, $0x38;
	[tilespmem:$0x17880] =	vst v63  }
0x3d6: {  	_ =	swait.ge [sflag:s24], $0x280  }
0x3d7: {  	[sflag:s24] =	ssyncset.done $0x0  }
0x3d8: {  	[sflag:s24] =	ssyncadd.s32 $0xFFFFFD80  }
0x3d9: {  	_ =	swait.ge [sflag:s19], $0x320  }
0x3da: {  	s25 =	rddreg [dreg:$0x13]  }
0x3db: {  	s29 =	rddreg [dreg:$0x12];
	s10 =	sadd.s32 $0x1, s25  }
0x3dc: {  	p0 =	sne.s32 s10, s29  }
.Ltmp5:
0x3dd: {  	_ = 	snop;
	(pc) =	sbr.rel @p0 .LBB2_1-.Ltmp5, $3  }
0x3de: {  	_ =	sdelay $0x1  }
0x3df: {  	[sflag:s19] =	ssyncset.done $0x0  }
0x3e0: {  	[sflag:s19] =	ssyncadd.s32 $0xFFFFFCE0  }
0x3e1: {  	_ =	sfence.sel $0x180000  }
0x3e2: {  	[bflag:$0x0] =	sbarrier.arrive $0xFFFF  }
0x3e3: {  	_ =	strace $0x90000047  }
0x3e4: {  	s0 =	stileid.u32;
	[bflag:$0x2] =	sbarrier.arrive $0xFFFF  }
0x3e5: {  	p0 =	sne.s32 s0, $0x0;
	s0 =	rddreg [dreg:$0x4]  }
0x3e6: {  	s0 =	sadd.s32 @!p0 $0x100000, s0  }
0x3e7: {  	[sflag:s0] =	ssyncadd.tile.s32 @!p0 $0x1;
	_ =	shalt  }
.Lfunc_end2:
_tile_overlayer_lowered:
.L_overlay_start_2:
0x3e8: {  	(tag) =	ssettag $0x2  }
0x3e9: {  	s0 =	rddreg [dreg:$0x0];
	s2 =	stileid.u32  }
0x3ea: {  	s1 =	rddreg [dreg:$0x1];
	p0 =	sne.s32 s2, $0x0  }
0x3eb: {  	s3 =	rddreg [dreg:$0x2];
	[bflag:$0x3] =	sbarrier.arrive $0xFFFF;
	s2 =	simm.s32 @!p0 $0x1C06  }
0x3ec: {  	[timem:s3], [sflag:s2] =	dma.local @!p0 [hbm:s0], s1  }
0x3ed: {  	s0 =	simm.s32 @!p0 $0x6  }
0x3ee: {  	_ =	swait.ge @!p0 [sflag:s0], s1  }
0x3ef: {  	s1 =	ssub.s32 @!p0 $0x0, s1;
	[sflag:s0] =	ssyncset.done @!p0 $0x0  }
0x3f0: {  	[sflag:s0] =	ssyncadd.s32 @!p0 s1  }
0x3f1: {  	[bflag:$0x3] =	sbarrier.arrive $0xFFFF  }
0x3f2: {  	_ =	shalt  }

</sc_bundles>
